<compile_context>
chip_gen: v7x
topology: tpu7x:2x2x1
jax: 0.10.2.dev20260603
libtpu: 0.0.44.dev20260713+nightly
codegen_flags: <defaults>
</compile_context>

<pallas_src>
import functools

import jax
import jax.numpy as jnp
from jax import lax
from jax.experimental import pallas as pl
from jax.experimental.pallas import tpu as pltpu
from jax.experimental.pallas import tpu_sc as plsc

_INFO = plsc.get_sparse_core_info()
_NC, _NS = _INFO.num_cores, _INFO.num_subcores
_NW = _NC * _NS

_CHUNK = 128


def _prep_body(a_ref, w_ref, bias_ref, out_ref):
    d = w_ref.shape[0]
    blk = a_ref.shape[1]
    bias = bias_ref[...]
    z = lax.dot_general(
        a_ref[...].astype(jnp.bfloat16), w_ref[...],
        dimension_numbers=(((0,), (1,)), ((), ())),
        preferred_element_type=jnp.float32,
    )
    z = z + bias
    out_ref[:, 0:d] = z[0 : blk // 2]
    out_ref[:, d : 2 * d] = z[blk // 2 : blk]


def _tc_prep(embT, Wb, bias2, vocab, d, blk=12800):
    grid = (vocab + blk - 1) // blk
    return pl.pallas_call(
        _prep_body,
        grid=(grid,),
        in_specs=[
            pl.BlockSpec((d, blk), lambda i: (0, i)),
            pl.BlockSpec((d, d), lambda i: (0, 0)),
            pl.BlockSpec((1, d), lambda i: (0, 0)),
        ],
        out_specs=pl.BlockSpec((blk // 2, 2 * d), lambda i: (i, 0)),
        out_shape=jax.ShapeDtypeStruct((grid * blk // 2, 2 * d), jnp.float32),
        compiler_params=pltpu.CompilerParams(
            dimension_semantics=("arbitrary",),
        ),
    )(embT, Wb, bias2)


def _sc_gather(t_steps, b_sz, d, vocab):
    half = b_sz // 2
    mesh = plsc.VectorSubcoreMesh(core_axis_name="c", subcore_axis_name="s")

    @functools.partial(
        pl.kernel,
        out_type=jax.ShapeDtypeStruct((t_steps, half, 2 * d), jnp.float32),
        mesh=mesh,
        scratch_types=[
            pltpu.VMEM((t_steps, _CHUNK), jnp.int32),
            pltpu.VMEM((_CHUNK, d), jnp.float32),
            pltpu.VMEM((_CHUNK, d), jnp.float32),
            pltpu.SemaphoreType.DMA,
            pltpu.SemaphoreType.DMA,
        ],
        compiler_params=pltpu.CompilerParams(use_tc_tiling_on_sc=False),
    )
    def gather_kernel(tok_hbm, table_hbm, out_hbm, idx_v, buf0, buf1, sem0, sem1):
        wid = lax.axis_index("s") * _NC + lax.axis_index("c")
        j0 = (wid % (half // _CHUNK)) * _CHUNK
        l0 = (wid // (half // _CHUNK)) * d
        pltpu.sync_copy(tok_hbm.at[wid], idx_v)

        bufs = (buf0, buf1)
        sems = (sem0, sem1)

        def start(t, p):
            pltpu.async_copy(table_hbm.at[idx_v.at[t]], bufs[p], sems[p])

        def drain(t, p):
            pltpu.make_async_copy(table_hbm.at[idx_v.at[t]], bufs[p], sems[p]).wait()
            pltpu.sync_copy(
                bufs[p], out_hbm.at[t, pl.ds(j0, _CHUNK), pl.ds(l0, d)]
            )

        start(0, 0)
        start(1, 1)

        @pl.loop(0, t_steps // 2 - 1)
        def _(g):
            t = g * 2
            for p in range(2):
                drain(t + p, p)
                start(t + p + 2, p)

        t = t_steps - 2
        for p in range(2):
            drain(t + p, p)

    return gather_kernel


def _transpose_body(emb_ref, i_ref, *rest):
    out_ref = rest[-1]
    d2 = i_ref.shape[0]
    d = d2 // 2
    nt = emb_ref.shape[0]
    half = emb_ref.shape[1]
    for t in range(nt):
        x = emb_ref[t].astype(jnp.bfloat16)
        z = lax.dot_general(
            i_ref[...], x,
            dimension_numbers=(((1,), (1,)), ((), ())),
            preferred_element_type=jnp.float32,
        )
        out_ref[t, :, 0:half] = z[0:d]
        out_ref[t, :, half : 2 * half] = z[d:d2]


def _tc_transpose(emb2, I2, out_prev, c, tc, t_steps, b_sz, d, nt=4):
    half = b_sz // 2
    c0 = c * (tc // nt)
    in_specs = [
        pl.BlockSpec((nt, half, 2 * d), lambda i: (i, 0, 0)),
        pl.BlockSpec((2 * d, 2 * d), lambda i: (0, 0)),
    ]
    args = [emb2, I2]
    aliases = {}
    if out_prev is not None:
        in_specs.append(pl.BlockSpec(memory_space=pl.ANY))
        args.append(out_prev)
        aliases = {2: 0}
    return pl.pallas_call(
        _transpose_body,
        grid=(tc // nt,),
        in_specs=in_specs,
        out_specs=pl.BlockSpec((nt, d, b_sz), lambda i, _c0=c0: (i + _c0, 0, 0)),
        out_shape=jax.ShapeDtypeStruct((t_steps, d, b_sz), jnp.float32),
        input_output_aliases=aliases,
        compiler_params=pltpu.CompilerParams(
            dimension_semantics=("arbitrary",),
        ),
    )(*args)


def kernel(text_tokens, embedding, W, b):
    b_sz, t_steps = text_tokens.shape
    vocab, d = embedding.shape
    assert b_sz % (2 * _CHUNK) == 0 and b_sz // _CHUNK == _NW

    blk = 25600
    embT = embedding.T
    TT = _tc_prep(embT, W.astype(jnp.bfloat16), b.reshape(1, d), vocab, d, blk)
    table_rm = TT.reshape(TT.shape[0] * 2, d)

    tok = text_tokens.astype(jnp.int32)
    jj = tok % blk
    s = (tok - jj) + 2 * (jj % (blk // 2)) + jj // (blk // 2)
    tok_w = s.T.reshape(t_steps, _NW, _CHUNK).transpose(1, 0, 2)

    n_chunk = 4
    tc = t_steps // n_chunk
    embs = [
        _sc_gather(tc, b_sz, d, vocab)(tok_w[:, c * tc : (c + 1) * tc], table_rm)
        for c in range(n_chunk)
    ]
    I2 = jnp.eye(2 * d, dtype=jnp.bfloat16)
    out_t = None
    for c in range(n_chunk):
        out_t = _tc_transpose(embs[c], I2, out_t, c, tc, t_steps, b_sz, d, nt=5)
    return jnp.transpose(out_t, (2, 0, 1))

# --- scband reference (transcript-rebuilt; emitter-appended) ---
"""Pipeline reference for scband-text-encoder-36249523978348 (READ-ONLY COPY).

The authoritative reference and input builder live on the scoring server;
editing this copy changes nothing except your own understanding.
"""

import jax, jax.numpy as jnp
import numpy as np

VOCAB = 1000000
D_MODEL = 64
PAD_ID = 0
B, T = 4096, 200

def setup_inputs(seed: int = 0) -> dict:
    key = jax.random.key(seed)
    k_tok, k_emb, k_w, k_b = jax.random.split(key, 4)
    text_tokens = jax.random.randint(k_tok, (B, T), 0, VOCAB, dtype=jnp.int64 if jax.config.jax_enable_x64 else jnp.int32)
    # embedding table ~ N(0,1) like torch nn.Embedding default; padding row zeroed
    embedding = jax.random.normal(k_emb, (VOCAB, D_MODEL), dtype=jnp.float32)
    embedding = embedding.at[PAD_ID].set(0.0)
    # linear: torch default kaiming-uniform-ish; uniform(-bound, bound)
    bound = 1.0 / np.sqrt(D_MODEL)
    W = jax.random.uniform(k_w, (D_MODEL, D_MODEL), minval=-bound, maxval=bound, dtype=jnp.float32)
    b = jax.random.uniform(k_b, (D_MODEL,), minval=-bound, maxval=bound, dtype=jnp.float32)
    return {"text_tokens": text_tokens, "embedding": embedding, "W": W, "b": b}

def reference(text_tokens, embedding, W, b):
    # 2-D path of TextEncoder.forward: proj(embedding(text_tokens))
    emb = jnp.take(embedding, text_tokens, axis=0)          # [B, T, D] gather
    out = jnp.dot(emb, W.T) + b                              # nn.Linear: x @ W^T + b
    return out

if __name__ == "__main__":
    import jax
    _d = setup_inputs()
    print(jax.jit(kernel)(*tuple(_d.values())))

</pallas_src>

<mosaic_0001>
#map = affine_map<(d0, d1) -> (0, 0, 0)>
#map1 = affine_map<(d0, d1) -> (0, 0)>
module attributes {stable_mosaic.version = 14 : i64} {
  func.func @gather_kernel(%arg0: i32, %arg1: i32, %arg2: memref<32x50x128xi32, #tpu.memory_space<hbm>>, %arg3: memref<1024000x64xf32, #tpu.memory_space<hbm>>, %arg4: memref<50x2048x128xf32, #tpu.memory_space<hbm>>, %arg5: memref<50x128xi32, #tpu.memory_space<vmem>>, %arg6: memref<128x64xf32, #tpu.memory_space<vmem>>, %arg7: memref<128x64xf32, #tpu.memory_space<vmem>>, %arg8: memref<!tpu.dma_semaphore, #tpu.memory_space<semaphore_mem>>, %arg9: memref<!tpu.dma_semaphore, #tpu.memory_space<semaphore_mem>>) attributes {dimension_semantics = [#tpu.dimension_semantics<core_parallel>, #tpu.dimension_semantics<subcore_parallel>], iteration_bounds = array<i64: 2, 16>, scalar_prefetch = 0 : i64, scratch_operands = 5 : i64, tpu.core_type = #tpu.core_type<sc_vector_subcore>, window_params = [{transform_indices = #map}, {transform_indices = #map1}, {transform_indices = #map}]} {
    %mul3A = arith.constant 2 : i32
    %mul3A_0 = arith.muli %arg1, %mul3A : i32
    %add3A = arith.addi %mul3A_0, %arg0 : i32
    %jit3A = arith.constant 16 : i32
    %eq3A = arith.constant 0 : i32
    %eq3A_1 = arith.cmpi eq, %jit3A, %eq3A : i32
    %jit3A_2 = arith.constant 1 : i32
    %select_n3A = arith.select %eq3A_1, %jit3A_2, %jit3A : i32
    %rem3A = arith.remsi %add3A, %select_n3A : i32
    %ne3A = arith.constant 0 : i32
    %ne3A_3 = arith.cmpi ne, %rem3A, %ne3A : i32
    %lt3A = arith.constant 0 : i32
    %lt3A_4 = arith.cmpi slt, %rem3A, %lt3A : i32
    %lt3A_5 = arith.constant 0 : i32
    %lt3A_6 = arith.cmpi slt, %select_n3A, %lt3A_5 : i32
    %ne3A_7 = arith.xori %lt3A_4, %lt3A_6 : i1
    %and3A = arith.andi %ne3A_7, %ne3A_3 : i1
    %add3A_8 = arith.addi %rem3A, %select_n3A : i32
    %select_n3A_9 = arith.select %and3A, %add3A_8, %rem3A : i32
    %mul3A_10 = arith.constant 128 : i32
    %mul3A_11 = arith.muli %select_n3A_9, %mul3A_10 : i32
    %jit3A_12 = arith.constant 16 : i32
    %div3A = arith.divsi %add3A, %jit3A_12 : i32
    %sign3A = arith.constant 0 : i32
    %sign3A_13 = arith.cmpi sgt, %add3A, %sign3A : i32
    %sign3A_14 = arith.extui %sign3A_13 : i1 to i32
    %sign3A_15 = arith.constant 0 : i32
    %sign3A_16 = arith.cmpi slt, %add3A, %sign3A_15 : i32
    %sign3A_17 = arith.extui %sign3A_16 : i1 to i32
    %sign3A_18 = arith.subi %sign3A_14, %sign3A_17 : i32
    %sign3A_19 = arith.constant 0 : i32
    %sign3A_20 = arith.cmpi sgt, %jit3A_12, %sign3A_19 : i32
    %sign3A_21 = arith.extui %sign3A_20 : i1 to i32
    %sign3A_22 = arith.constant 0 : i32
    %sign3A_23 = arith.cmpi slt, %jit3A_12, %sign3A_22 : i32
    %sign3A_24 = arith.extui %sign3A_23 : i1 to i32
    %sign3A_25 = arith.subi %sign3A_21, %sign3A_24 : i32
    %ne3A_26 = arith.cmpi ne, %sign3A_18, %sign3A_25 : i32
    %rem3A_27 = arith.remsi %add3A, %jit3A_12 : i32
    %ne3A_28 = arith.constant 0 : i32
    %ne3A_29 = arith.cmpi ne, %rem3A_27, %ne3A_28 : i32
    %and3A_30 = arith.andi %ne3A_26, %ne3A_29 : i1
    %sub3A = arith.constant 1 : i32
    %sub3A_31 = arith.subi %div3A, %sub3A : i32
    %select_n3A_32 = arith.select %and3A_30, %sub3A_31, %div3A : i32
    %mul3A_33 = arith.constant 64 : i32
    %mul3A_34 = arith.muli %select_n3A_32, %mul3A_33 : i32
    "tpu.region"() ({
      %run_scoped3A_66 = tpu.sem_alloc : memref<!tpu.dma_semaphore, #tpu.memory_space<semaphore_mem>>
      %dma_start3A_67 = arith.constant 0 : i32
      %dma_start3A_68 = arith.constant 0 : i32
      %dma_start3A_69 = tpu.memref_slice %arg2[%add3A, %dma_start3A_67, %dma_start3A_68] : memref<32x50x128xi32, #tpu.memory_space<hbm>> -> memref<1x50x128xi32, #tpu.memory_space<hbm>>
      %dma_start3A_70 = tpu.memref_squeeze %dma_start3A_69 : memref<1x50x128xi32, #tpu.memory_space<hbm>> -> memref<50x128xi32, #tpu.memory_space<hbm>>
      %dma_start3A_71 = arith.constant 0 : i32
      %dma_start3A_72 = arith.constant 0 : i32
      %dma_start3A_73 = tpu.memref_slice %arg2[%add3A, %dma_start3A_71, %dma_start3A_72] : memref<32x50x128xi32, #tpu.memory_space<hbm>> -> memref<1x50x128xi32, #tpu.memory_space<hbm>>
      %dma_start3A_74 = tpu.memref_squeeze %dma_start3A_73 : memref<1x50x128xi32, #tpu.memory_space<hbm>> -> memref<50x128xi32, #tpu.memory_space<hbm>>
      tpu.enqueue_dma source(%dma_start3A_74 : memref<50x128xi32, #tpu.memory_space<hbm>>) target(%arg5 : memref<50x128xi32, #tpu.memory_space<vmem>>) target_semaphore(%run_scoped3A_66 : memref<!tpu.dma_semaphore, #tpu.memory_space<semaphore_mem>>)
      %dma_wait3A_75 = arith.constant 0 : i32
      %dma_wait3A_76 = arith.constant 0 : i32
      %dma_wait3A_77 = tpu.memref_slice %arg2[%add3A, %dma_wait3A_75, %dma_wait3A_76] : memref<32x50x128xi32, #tpu.memory_space<hbm>> -> memref<1x50x128xi32, #tpu.memory_space<hbm>>
      %dma_wait3A_78 = tpu.memref_squeeze %dma_wait3A_77 : memref<1x50x128xi32, #tpu.memory_space<hbm>> -> memref<50x128xi32, #tpu.memory_space<hbm>>
      %dma_wait3A_79 = arith.constant 0 : i32
      %dma_wait3A_80 = arith.constant 0 : i32
      %dma_wait3A_81 = tpu.memref_slice %arg2[%add3A, %dma_wait3A_79, %dma_wait3A_80] : memref<32x50x128xi32, #tpu.memory_space<hbm>> -> memref<1x50x128xi32, #tpu.memory_space<hbm>>
      %dma_wait3A_82 = tpu.memref_squeeze %dma_wait3A_81 : memref<1x50x128xi32, #tpu.memory_space<hbm>> -> memref<50x128xi32, #tpu.memory_space<hbm>>
      tpu.wait_dma2 semaphore(%run_scoped3A_66 : memref<!tpu.dma_semaphore, #tpu.memory_space<semaphore_mem>>) src(%dma_wait3A_82 : memref<50x128xi32, #tpu.memory_space<hbm>>) dst(%arg5 : memref<50x128xi32, #tpu.memory_space<vmem>>)
      tpu.yield
    }) : () -> ()
    %dma_start3A = arith.constant 0 : i32
    %dma_start3A_35 = arith.constant 0 : i32
    %dma_start3A_36 = tpu.memref_slice %arg5[%dma_start3A, %dma_start3A_35] : memref<50x128xi32, #tpu.memory_space<vmem>> -> memref<1x128xi32, #tpu.memory_space<vmem>>
    %dma_start3A_37 = tpu.memref_squeeze %dma_start3A_36 : memref<1x128xi32, #tpu.memory_space<vmem>> -> memref<128xi32, #tpu.memory_space<vmem>>
    %dma_start3A_38 = arith.constant 0 : i32
    %dma_start3A_39 = arith.constant 0 : i32
    %dma_start3A_40 = tpu.memref_slice %arg3[%dma_start3A_38, %dma_start3A_39] : memref<1024000x64xf32, #tpu.memory_space<hbm>> -> memref<1024000x64xf32, #tpu.memory_space<hbm>>
    tpu.enqueue_indirect_dma source(%dma_start3A_40 : memref<1024000x64xf32, #tpu.memory_space<hbm>>) target(%arg6 : memref<128x64xf32, #tpu.memory_space<vmem>>) offsets(%dma_start3A_37 : memref<128xi32, #tpu.memory_space<vmem>>) semaphore(%arg8 : memref<!tpu.dma_semaphore, #tpu.memory_space<semaphore_mem>>)
    %dma_start3A_41 = arith.constant 1 : i32
    %dma_start3A_42 = arith.constant 0 : i32
    %dma_start3A_43 = tpu.memref_slice %arg5[%dma_start3A_41, %dma_start3A_42] : memref<50x128xi32, #tpu.memory_space<vmem>> -> memref<1x128xi32, #tpu.memory_space<vmem>>
    %dma_start3A_44 = tpu.memref_squeeze %dma_start3A_43 : memref<1x128xi32, #tpu.memory_space<vmem>> -> memref<128xi32, #tpu.memory_space<vmem>>
    %dma_start3A_45 = arith.constant 0 : i32
    %dma_start3A_46 = arith.constant 0 : i32
    %dma_start3A_47 = tpu.memref_slice %arg3[%dma_start3A_45, %dma_start3A_46] : memref<1024000x64xf32, #tpu.memory_space<hbm>> -> memref<1024000x64xf32, #tpu.memory_space<hbm>>
    tpu.enqueue_indirect_dma source(%dma_start3A_47 : memref<1024000x64xf32, #tpu.memory_space<hbm>>) target(%arg7 : memref<128x64xf32, #tpu.memory_space<vmem>>) offsets(%dma_start3A_44 : memref<128xi32, #tpu.memory_space<vmem>>) semaphore(%arg9 : memref<!tpu.dma_semaphore, #tpu.memory_space<semaphore_mem>>)
    %scan3A = arith.constant 0 : i32
    %scan3A_48 = arith.constant 24 : i32
    %scan3A_49 = arith.addi %scan3A, %scan3A_48 : i32
    %scan3A_50 = arith.constant 1 : i32
    scf.for %scan3A_66 = %scan3A to %scan3A_49 step %scan3A_50  : i32 {
      %mul3A_67 = arith.constant 1 : i32
      %mul3A_68 = arith.muli %scan3A_66, %mul3A_67 : i32
      %add3A_69 = arith.constant 0 : i32
      %add3A_70 = arith.addi %add3A_69, %mul3A_68 : i32
      %mul3A_71 = arith.constant 2 : i32
      %mul3A_72 = arith.muli %add3A_70, %mul3A_71 : i32
      %add3A_73 = arith.constant 0 : i32
      %add3A_74 = arith.addi %mul3A_72, %add3A_73 : i32
      %dma_wait3A_75 = arith.constant 0 : i32
      %dma_wait3A_76 = tpu.memref_slice %arg5[%add3A_74, %dma_wait3A_75] : memref<50x128xi32, #tpu.memory_space<vmem>> -> memref<1x128xi32, #tpu.memory_space<vmem>>
      %dma_wait3A_77 = tpu.memref_squeeze %dma_wait3A_76 : memref<1x128xi32, #tpu.memory_space<vmem>> -> memref<128xi32, #tpu.memory_space<vmem>>
      %dma_wait3A_78 = arith.constant 0 : i32
      %dma_wait3A_79 = arith.constant 0 : i32
      %dma_wait3A_80 = tpu.memref_slice %arg3[%dma_wait3A_78, %dma_wait3A_79] : memref<1024000x64xf32, #tpu.memory_space<hbm>> -> memref<1024000x64xf32, #tpu.memory_space<hbm>>
      tpu.wait_indirect_dma semaphore(%arg8 : memref<!tpu.dma_semaphore, #tpu.memory_space<semaphore_mem>>) src(%dma_wait3A_80 : memref<1024000x64xf32, #tpu.memory_space<hbm>>) dst(%arg6 : memref<128x64xf32, #tpu.memory_space<vmem>>)
      "tpu.region"() ({
        %run_scoped3A_109 = tpu.sem_alloc : memref<!tpu.dma_semaphore, #tpu.memory_space<semaphore_mem>>
        %dma_start3A_110 = tpu.memref_slice %arg4[%add3A_74, %mul3A_11, %mul3A_34] : memref<50x2048x128xf32, #tpu.memory_space<hbm>> -> memref<1x128x64xf32, #tpu.memory_space<hbm>>
        %dma_start3A_111 = tpu.memref_squeeze %dma_start3A_110 : memref<1x128x64xf32, #tpu.memory_space<hbm>> -> memref<128x64xf32, #tpu.memory_space<hbm>>
        %dma_start3A_112 = tpu.memref_slice %arg4[%add3A_74, %mul3A_11, %mul3A_34] : memref<50x2048x128xf32, #tpu.memory_space<hbm>> -> memref<1x128x64xf32, #tpu.memory_space<hbm>>
        %dma_start3A_113 = tpu.memref_squeeze %dma_start3A_112 : memref<1x128x64xf32, #tpu.memory_space<hbm>> -> memref<128x64xf32, #tpu.memory_space<hbm>>
        tpu.enqueue_dma source(%arg6 : memref<128x64xf32, #tpu.memory_space<vmem>>) target(%dma_start3A_113 : memref<128x64xf32, #tpu.memory_space<hbm>>) target_semaphore(%run_scoped3A_109 : memref<!tpu.dma_semaphore, #tpu.memory_space<semaphore_mem>>)
        %dma_wait3A_114 = tpu.memref_slice %arg4[%add3A_74, %mul3A_11, %mul3A_34] : memref<50x2048x128xf32, #tpu.memory_space<hbm>> -> memref<1x128x64xf32, #tpu.memory_space<hbm>>
        %dma_wait3A_115 = tpu.memref_squeeze %dma_wait3A_114 : memref<1x128x64xf32, #tpu.memory_space<hbm>> -> memref<128x64xf32, #tpu.memory_space<hbm>>
        %dma_wait3A_116 = tpu.memref_slice %arg4[%add3A_74, %mul3A_11, %mul3A_34] : memref<50x2048x128xf32, #tpu.memory_space<hbm>> -> memref<1x128x64xf32, #tpu.memory_space<hbm>>
        %dma_wait3A_117 = tpu.memref_squeeze %dma_wait3A_116 : memref<1x128x64xf32, #tpu.memory_space<hbm>> -> memref<128x64xf32, #tpu.memory_space<hbm>>
        tpu.wait_dma2 semaphore(%run_scoped3A_109 : memref<!tpu.dma_semaphore, #tpu.memory_space<semaphore_mem>>) src(%arg6 : memref<128x64xf32, #tpu.memory_space<vmem>>) dst(%dma_wait3A_117 : memref<128x64xf32, #tpu.memory_space<hbm>>)
        tpu.yield
      }) : () -> ()
      %add3A_81 = arith.constant 0 : i32
      %add3A_82 = arith.addi %mul3A_72, %add3A_81 : i32
      %add3A_83 = arith.constant 2 : i32
      %add3A_84 = arith.addi %add3A_82, %add3A_83 : i32
      %dma_start3A_85 = arith.constant 0 : i32
      %dma_start3A_86 = tpu.memref_slice %arg5[%add3A_84, %dma_start3A_85] : memref<50x128xi32, #tpu.memory_space<vmem>> -> memref<1x128xi32, #tpu.memory_space<vmem>>
      %dma_start3A_87 = tpu.memref_squeeze %dma_start3A_86 : memref<1x128xi32, #tpu.memory_space<vmem>> -> memref<128xi32, #tpu.memory_space<vmem>>
      %dma_start3A_88 = arith.constant 0 : i32
      %dma_start3A_89 = arith.constant 0 : i32
      %dma_start3A_90 = tpu.memref_slice %arg3[%dma_start3A_88, %dma_start3A_89] : memref<1024000x64xf32, #tpu.memory_space<hbm>> -> memref<1024000x64xf32, #tpu.memory_space<hbm>>
      tpu.enqueue_indirect_dma source(%dma_start3A_90 : memref<1024000x64xf32, #tpu.memory_space<hbm>>) target(%arg6 : memref<128x64xf32, #tpu.memory_space<vmem>>) offsets(%dma_start3A_87 : memref<128xi32, #tpu.memory_space<vmem>>) semaphore(%arg8 : memref<!tpu.dma_semaphore, #tpu.memory_space<semaphore_mem>>)
      %add3A_91 = arith.constant 1 : i32
      %add3A_92 = arith.addi %mul3A_72, %add3A_91 : i32
      %dma_wait3A_93 = arith.constant 0 : i32
      %dma_wait3A_94 = tpu.memref_slice %arg5[%add3A_92, %dma_wait3A_93] : memref<50x128xi32, #tpu.memory_space<vmem>> -> memref<1x128xi32, #tpu.memory_space<vmem>>
      %dma_wait3A_95 = tpu.memref_squeeze %dma_wait3A_94 : memref<1x128xi32, #tpu.memory_space<vmem>> -> memref<128xi32, #tpu.memory_space<vmem>>
      %dma_wait3A_96 = arith.constant 0 : i32
      %dma_wait3A_97 = arith.constant 0 : i32
      %dma_wait3A_98 = tpu.memref_slice %arg3[%dma_wait3A_96, %dma_wait3A_97] : memref<1024000x64xf32, #tpu.memory_space<hbm>> -> memref<1024000x64xf32, #tpu.memory_space<hbm>>
      tpu.wait_indirect_dma semaphore(%arg9 : memref<!tpu.dma_semaphore, #tpu.memory_space<semaphore_mem>>) src(%dma_wait3A_98 : memref<1024000x64xf32, #tpu.memory_space<hbm>>) dst(%arg7 : memref<128x64xf32, #tpu.memory_space<vmem>>)
      "tpu.region"() ({
        %run_scoped3A_109 = tpu.sem_alloc : memref<!tpu.dma_semaphore, #tpu.memory_space<semaphore_mem>>
        %dma_start3A_110 = tpu.memref_slice %arg4[%add3A_92, %mul3A_11, %mul3A_34] : memref<50x2048x128xf32, #tpu.memory_space<hbm>> -> memref<1x128x64xf32, #tpu.memory_space<hbm>>
        %dma_start3A_111 = tpu.memref_squeeze %dma_start3A_110 : memref<1x128x64xf32, #tpu.memory_space<hbm>> -> memref<128x64xf32, #tpu.memory_space<hbm>>
        %dma_start3A_112 = tpu.memref_slice %arg4[%add3A_92, %mul3A_11, %mul3A_34] : memref<50x2048x128xf32, #tpu.memory_space<hbm>> -> memref<1x128x64xf32, #tpu.memory_space<hbm>>
        %dma_start3A_113 = tpu.memref_squeeze %dma_start3A_112 : memref<1x128x64xf32, #tpu.memory_space<hbm>> -> memref<128x64xf32, #tpu.memory_space<hbm>>
        tpu.enqueue_dma source(%arg7 : memref<128x64xf32, #tpu.memory_space<vmem>>) target(%dma_start3A_113 : memref<128x64xf32, #tpu.memory_space<hbm>>) target_semaphore(%run_scoped3A_109 : memref<!tpu.dma_semaphore, #tpu.memory_space<semaphore_mem>>)
        %dma_wait3A_114 = tpu.memref_slice %arg4[%add3A_92, %mul3A_11, %mul3A_34] : memref<50x2048x128xf32, #tpu.memory_space<hbm>> -> memref<1x128x64xf32, #tpu.memory_space<hbm>>
        %dma_wait3A_115 = tpu.memref_squeeze %dma_wait3A_114 : memref<1x128x64xf32, #tpu.memory_space<hbm>> -> memref<128x64xf32, #tpu.memory_space<hbm>>
        %dma_wait3A_116 = tpu.memref_slice %arg4[%add3A_92, %mul3A_11, %mul3A_34] : memref<50x2048x128xf32, #tpu.memory_space<hbm>> -> memref<1x128x64xf32, #tpu.memory_space<hbm>>
        %dma_wait3A_117 = tpu.memref_squeeze %dma_wait3A_116 : memref<1x128x64xf32, #tpu.memory_space<hbm>> -> memref<128x64xf32, #tpu.memory_space<hbm>>
        tpu.wait_dma2 semaphore(%run_scoped3A_109 : memref<!tpu.dma_semaphore, #tpu.memory_space<semaphore_mem>>) src(%arg7 : memref<128x64xf32, #tpu.memory_space<vmem>>) dst(%dma_wait3A_117 : memref<128x64xf32, #tpu.memory_space<hbm>>)
        tpu.yield
      }) : () -> ()
      %add3A_99 = arith.constant 1 : i32
      %add3A_100 = arith.addi %mul3A_72, %add3A_99 : i32
      %add3A_101 = arith.constant 2 : i32
      %add3A_102 = arith.addi %add3A_100, %add3A_101 : i32
      %dma_start3A_103 = arith.constant 0 : i32
      %dma_start3A_104 = tpu.memref_slice %arg5[%add3A_102, %dma_start3A_103] : memref<50x128xi32, #tpu.memory_space<vmem>> -> memref<1x128xi32, #tpu.memory_space<vmem>>
      %dma_start3A_105 = tpu.memref_squeeze %dma_start3A_104 : memref<1x128xi32, #tpu.memory_space<vmem>> -> memref<128xi32, #tpu.memory_space<vmem>>
      %dma_start3A_106 = arith.constant 0 : i32
      %dma_start3A_107 = arith.constant 0 : i32
      %dma_start3A_108 = tpu.memref_slice %arg3[%dma_start3A_106, %dma_start3A_107] : memref<1024000x64xf32, #tpu.memory_space<hbm>> -> memref<1024000x64xf32, #tpu.memory_space<hbm>>
      tpu.enqueue_indirect_dma source(%dma_start3A_108 : memref<1024000x64xf32, #tpu.memory_space<hbm>>) target(%arg7 : memref<128x64xf32, #tpu.memory_space<vmem>>) offsets(%dma_start3A_105 : memref<128xi32, #tpu.memory_space<vmem>>) semaphore(%arg9 : memref<!tpu.dma_semaphore, #tpu.memory_space<semaphore_mem>>)
    }
    %scan3A_51 = arith.constant 24 : i32
    %dma_wait3A = arith.constant 48 : i32
    %dma_wait3A_52 = arith.constant 0 : i32
    %dma_wait3A_53 = tpu.memref_slice %arg5[%dma_wait3A, %dma_wait3A_52] : memref<50x128xi32, #tpu.memory_space<vmem>> -> memref<1x128xi32, #tpu.memory_space<vmem>>
    %dma_wait3A_54 = tpu.memref_squeeze %dma_wait3A_53 : memref<1x128xi32, #tpu.memory_space<vmem>> -> memref<128xi32, #tpu.memory_space<vmem>>
    %dma_wait3A_55 = arith.constant 0 : i32
    %dma_wait3A_56 = arith.constant 0 : i32
    %dma_wait3A_57 = tpu.memref_slice %arg3[%dma_wait3A_55, %dma_wait3A_56] : memref<1024000x64xf32, #tpu.memory_space<hbm>> -> memref<1024000x64xf32, #tpu.memory_space<hbm>>
    tpu.wait_indirect_dma semaphore(%arg8 : memref<!tpu.dma_semaphore, #tpu.memory_space<semaphore_mem>>) src(%dma_wait3A_57 : memref<1024000x64xf32, #tpu.memory_space<hbm>>) dst(%arg6 : memref<128x64xf32, #tpu.memory_space<vmem>>)
    %run_scoped3A = arith.constant 48 : i32
    "tpu.region"() ({
      %run_scoped3A_66 = tpu.sem_alloc : memref<!tpu.dma_semaphore, #tpu.memory_space<semaphore_mem>>
      %dma_start3A_67 = tpu.memref_slice %arg4[%run_scoped3A, %mul3A_11, %mul3A_34] : memref<50x2048x128xf32, #tpu.memory_space<hbm>> -> memref<1x128x64xf32, #tpu.memory_space<hbm>>
      %dma_start3A_68 = tpu.memref_squeeze %dma_start3A_67 : memref<1x128x64xf32, #tpu.memory_space<hbm>> -> memref<128x64xf32, #tpu.memory_space<hbm>>
      %dma_start3A_69 = tpu.memref_slice %arg4[%run_scoped3A, %mul3A_11, %mul3A_34] : memref<50x2048x128xf32, #tpu.memory_space<hbm>> -> memref<1x128x64xf32, #tpu.memory_space<hbm>>
      %dma_start3A_70 = tpu.memref_squeeze %dma_start3A_69 : memref<1x128x64xf32, #tpu.memory_space<hbm>> -> memref<128x64xf32, #tpu.memory_space<hbm>>
      tpu.enqueue_dma source(%arg6 : memref<128x64xf32, #tpu.memory_space<vmem>>) target(%dma_start3A_70 : memref<128x64xf32, #tpu.memory_space<hbm>>) target_semaphore(%run_scoped3A_66 : memref<!tpu.dma_semaphore, #tpu.memory_space<semaphore_mem>>)
      %dma_wait3A_71 = tpu.memref_slice %arg4[%run_scoped3A, %mul3A_11, %mul3A_34] : memref<50x2048x128xf32, #tpu.memory_space<hbm>> -> memref<1x128x64xf32, #tpu.memory_space<hbm>>
      %dma_wait3A_72 = tpu.memref_squeeze %dma_wait3A_71 : memref<1x128x64xf32, #tpu.memory_space<hbm>> -> memref<128x64xf32, #tpu.memory_space<hbm>>
      %dma_wait3A_73 = tpu.memref_slice %arg4[%run_scoped3A, %mul3A_11, %mul3A_34] : memref<50x2048x128xf32, #tpu.memory_space<hbm>> -> memref<1x128x64xf32, #tpu.memory_space<hbm>>
      %dma_wait3A_74 = tpu.memref_squeeze %dma_wait3A_73 : memref<1x128x64xf32, #tpu.memory_space<hbm>> -> memref<128x64xf32, #tpu.memory_space<hbm>>
      tpu.wait_dma2 semaphore(%run_scoped3A_66 : memref<!tpu.dma_semaphore, #tpu.memory_space<semaphore_mem>>) src(%arg6 : memref<128x64xf32, #tpu.memory_space<vmem>>) dst(%dma_wait3A_74 : memref<128x64xf32, #tpu.memory_space<hbm>>)
      tpu.yield
    }) : () -> ()
    %dma_wait3A_58 = arith.constant 49 : i32
    %dma_wait3A_59 = arith.constant 0 : i32
    %dma_wait3A_60 = tpu.memref_slice %arg5[%dma_wait3A_58, %dma_wait3A_59] : memref<50x128xi32, #tpu.memory_space<vmem>> -> memref<1x128xi32, #tpu.memory_space<vmem>>
    %dma_wait3A_61 = tpu.memref_squeeze %dma_wait3A_60 : memref<1x128xi32, #tpu.memory_space<vmem>> -> memref<128xi32, #tpu.memory_space<vmem>>
    %dma_wait3A_62 = arith.constant 0 : i32
    %dma_wait3A_63 = arith.constant 0 : i32
    %dma_wait3A_64 = tpu.memref_slice %arg3[%dma_wait3A_62, %dma_wait3A_63] : memref<1024000x64xf32, #tpu.memory_space<hbm>> -> memref<1024000x64xf32, #tpu.memory_space<hbm>>
    tpu.wait_indirect_dma semaphore(%arg9 : memref<!tpu.dma_semaphore, #tpu.memory_space<semaphore_mem>>) src(%dma_wait3A_64 : memref<1024000x64xf32, #tpu.memory_space<hbm>>) dst(%arg7 : memref<128x64xf32, #tpu.memory_space<vmem>>)
    %run_scoped3A_65 = arith.constant 49 : i32
    "tpu.region"() ({
      %run_scoped3A_66 = tpu.sem_alloc : memref<!tpu.dma_semaphore, #tpu.memory_space<semaphore_mem>>
      %dma_start3A_67 = tpu.memref_slice %arg4[%run_scoped3A_65, %mul3A_11, %mul3A_34] : memref<50x2048x128xf32, #tpu.memory_space<hbm>> -> memref<1x128x64xf32, #tpu.memory_space<hbm>>
      %dma_start3A_68 = tpu.memref_squeeze %dma_start3A_67 : memref<1x128x64xf32, #tpu.memory_space<hbm>> -> memref<128x64xf32, #tpu.memory_space<hbm>>
      %dma_start3A_69 = tpu.memref_slice %arg4[%run_scoped3A_65, %mul3A_11, %mul3A_34] : memref<50x2048x128xf32, #tpu.memory_space<hbm>> -> memref<1x128x64xf32, #tpu.memory_space<hbm>>
      %dma_start3A_70 = tpu.memref_squeeze %dma_start3A_69 : memref<1x128x64xf32, #tpu.memory_space<hbm>> -> memref<128x64xf32, #tpu.memory_space<hbm>>
      tpu.enqueue_dma source(%arg7 : memref<128x64xf32, #tpu.memory_space<vmem>>) target(%dma_start3A_70 : memref<128x64xf32, #tpu.memory_space<hbm>>) target_semaphore(%run_scoped3A_66 : memref<!tpu.dma_semaphore, #tpu.memory_space<semaphore_mem>>)
      %dma_wait3A_71 = tpu.memref_slice %arg4[%run_scoped3A_65, %mul3A_11, %mul3A_34] : memref<50x2048x128xf32, #tpu.memory_space<hbm>> -> memref<1x128x64xf32, #tpu.memory_space<hbm>>
      %dma_wait3A_72 = tpu.memref_squeeze %dma_wait3A_71 : memref<1x128x64xf32, #tpu.memory_space<hbm>> -> memref<128x64xf32, #tpu.memory_space<hbm>>
      %dma_wait3A_73 = tpu.memref_slice %arg4[%run_scoped3A_65, %mul3A_11, %mul3A_34] : memref<50x2048x128xf32, #tpu.memory_space<hbm>> -> memref<1x128x64xf32, #tpu.memory_space<hbm>>
      %dma_wait3A_74 = tpu.memref_squeeze %dma_wait3A_73 : memref<1x128x64xf32, #tpu.memory_space<hbm>> -> memref<128x64xf32, #tpu.memory_space<hbm>>
      tpu.wait_dma2 semaphore(%run_scoped3A_66 : memref<!tpu.dma_semaphore, #tpu.memory_space<semaphore_mem>>) src(%arg7 : memref<128x64xf32, #tpu.memory_space<vmem>>) dst(%dma_wait3A_74 : memref<128x64xf32, #tpu.memory_space<hbm>>)
      tpu.yield
    }) : () -> ()
    return
  }
}

#map = affine_map<(d0, d1) -> (0, 0, 0)>
#map1 = affine_map<(d0, d1) -> (0, 0)>
module attributes {stable_mosaic.version = 14 : i64} {
  func.func @gather_kernel(%arg0: i32, %arg1: i32, %arg2: memref<32x50x128xi32, #tpu.memory_space<hbm>>, %arg3: memref<1024000x64xf32, #tpu.memory_space<hbm>>, %arg4: memref<50x2048x128xf32, #tpu.memory_space<hbm>>, %arg5: memref<50x128xi32, #tpu.memory_space<vmem>>, %arg6: memref<128x64xf32, #tpu.memory_space<vmem>>, %arg7: memref<128x64xf32, #tpu.memory_space<vmem>>, %arg8: memref<!tpu.dma_semaphore, #tpu.memory_space<semaphore_mem>>, %arg9: memref<!tpu.dma_semaphore, #tpu.memory_space<semaphore_mem>>) attributes {dimension_semantics = [#tpu.dimension_semantics<core_parallel>, #tpu.dimension_semantics<subcore_parallel>], iteration_bounds = array<i64: 2, 16>, scalar_prefetch = 0 : i64, scratch_operands = 5 : i64, tpu.core_type = #tpu.core_type<sc_vector_subcore>, window_params = [{transform_indices = #map}, {transform_indices = #map1}, {transform_indices = #map}]} {
    %mul3A = arith.constant 2 : i32
    %mul3A_0 = arith.muli %arg1, %mul3A : i32
    %add3A = arith.addi %mul3A_0, %arg0 : i32
    %jit3A = arith.constant 16 : i32
    %eq3A = arith.constant 0 : i32
    %eq3A_1 = arith.cmpi eq, %jit3A, %eq3A : i32
    %jit3A_2 = arith.constant 1 : i32
    %select_n3A = arith.select %eq3A_1, %jit3A_2, %jit3A : i32
    %rem3A = arith.remsi %add3A, %select_n3A : i32
    %ne3A = arith.constant 0 : i32
    %ne3A_3 = arith.cmpi ne, %rem3A, %ne3A : i32
    %lt3A = arith.constant 0 : i32
    %lt3A_4 = arith.cmpi slt, %rem3A, %lt3A : i32
    %lt3A_5 = arith.constant 0 : i32
    %lt3A_6 = arith.cmpi slt, %select_n3A, %lt3A_5 : i32
    %ne3A_7 = arith.xori %lt3A_4, %lt3A_6 : i1
    %and3A = arith.andi %ne3A_7, %ne3A_3 : i1
    %add3A_8 = arith.addi %rem3A, %select_n3A : i32
    %select_n3A_9 = arith.select %and3A, %add3A_8, %rem3A : i32
    %mul3A_10 = arith.constant 128 : i32
    %mul3A_11 = arith.muli %select_n3A_9, %mul3A_10 : i32
    %jit3A_12 = arith.constant 16 : i32
    %div3A = arith.divsi %add3A, %jit3A_12 : i32
    %sign3A = arith.constant 0 : i32
    %sign3A_13 = arith.cmpi sgt, %add3A, %sign3A : i32
    %sign3A_14 = arith.extui %sign3A_13 : i1 to i32
    %sign3A_15 = arith.constant 0 : i32
    %sign3A_16 = arith.cmpi slt, %add3A, %sign3A_15 : i32
    %sign3A_17 = arith.extui %sign3A_16 : i1 to i32
    %sign3A_18 = arith.subi %sign3A_14, %sign3A_17 : i32
    %sign3A_19 = arith.constant 0 : i32
    %sign3A_20 = arith.cmpi sgt, %jit3A_12, %sign3A_19 : i32
    %sign3A_21 = arith.extui %sign3A_20 : i1 to i32
    %sign3A_22 = arith.constant 0 : i32
    %sign3A_23 = arith.cmpi slt, %jit3A_12, %sign3A_22 : i32
    %sign3A_24 = arith.extui %sign3A_23 : i1 to i32
    %sign3A_25 = arith.subi %sign3A_21, %sign3A_24 : i32
    %ne3A_26 = arith.cmpi ne, %sign3A_18, %sign3A_25 : i32
    %rem3A_27 = arith.remsi %add3A, %jit3A_12 : i32
    %ne3A_28 = arith.constant 0 : i32
    %ne3A_29 = arith.cmpi ne, %rem3A_27, %ne3A_28 : i32
    %and3A_30 = arith.andi %ne3A_26, %ne3A_29 : i1
    %sub3A = arith.constant 1 : i32
    %sub3A_31 = arith.subi %div3A, %sub3A : i32
    %select_n3A_32 = arith.select %and3A_30, %sub3A_31, %div3A : i32
    %mul3A_33 = arith.constant 64 : i32
    %mul3A_34 = arith.muli %select_n3A_32, %mul3A_33 : i32
    "tpu.region"() ({
      %run_scoped3A_66 = tpu.sem_alloc : memref<!tpu.dma_semaphore, #tpu.memory_space<semaphore_mem>>
      %dma_start3A_67 = arith.constant 0 : i32
      %dma_start3A_68 = arith.constant 0 : i32
      %dma_start3A_69 = tpu.memref_slice %arg2[%add3A, %dma_start3A_67, %dma_start3A_68] : memref<32x50x128xi32, #tpu.memory_space<hbm>> -> memref<1x50x128xi32, #tpu.memory_space<hbm>>
      %dma_start3A_70 = tpu.memref_squeeze %dma_start3A_69 : memref<1x50x128xi32, #tpu.memory_space<hbm>> -> memref<50x128xi32, #tpu.memory_space<hbm>>
      %dma_start3A_71 = arith.constant 0 : i32
      %dma_start3A_72 = arith.constant 0 : i32
      %dma_start3A_73 = tpu.memref_slice %arg2[%add3A, %dma_start3A_71, %dma_start3A_72] : memref<32x50x128xi32, #tpu.memory_space<hbm>> -> memref<1x50x128xi32, #tpu.memory_space<hbm>>
      %dma_start3A_74 = tpu.memref_squeeze %dma_start3A_73 : memref<1x50x128xi32, #tpu.memory_space<hbm>> -> memref<50x128xi32, #tpu.memory_space<hbm>>
      tpu.enqueue_dma source(%dma_start3A_74 : memref<50x128xi32, #tpu.memory_space<hbm>>) target(%arg5 : memref<50x128xi32, #tpu.memory_space<vmem>>) target_semaphore(%run_scoped3A_66 : memref<!tpu.dma_semaphore, #tpu.memory_space<semaphore_mem>>)
      %dma_wait3A_75 = arith.constant 0 : i32
      %dma_wait3A_76 = arith.constant 0 : i32
      %dma_wait3A_77 = tpu.memref_slice %arg2[%add3A, %dma_wait3A_75, %dma_wait3A_76] : memref<32x50x128xi32, #tpu.memory_space<hbm>> -> memref<1x50x128xi32, #tpu.memory_space<hbm>>
      %dma_wait3A_78 = tpu.memref_squeeze %dma_wait3A_77 : memref<1x50x128xi32, #tpu.memory_space<hbm>> -> memref<50x128xi32, #tpu.memory_space<hbm>>
      %dma_wait3A_79 = arith.constant 0 : i32
      %dma_wait3A_80 = arith.constant 0 : i32
      %dma_wait3A_81 = tpu.memref_slice %arg2[%add3A, %dma_wait3A_79, %dma_wait3A_80] : memref<32x50x128xi32, #tpu.memory_space<hbm>> -> memref<1x50x128xi32, #tpu.memory_space<hbm>>
      %dma_wait3A_82 = tpu.memref_squeeze %dma_wait3A_81 : memref<1x50x128xi32, #tpu.memory_space<hbm>> -> memref<50x128xi32, #tpu.memory_space<hbm>>
      tpu.wait_dma2 semaphore(%run_scoped3A_66 : memref<!tpu.dma_semaphore, #tpu.memory_space<semaphore_mem>>) src(%dma_wait3A_82 : memref<50x128xi32, #tpu.memory_space<hbm>>) dst(%arg5 : memref<50x128xi32, #tpu.memory_space<vmem>>)
      tpu.yield
    }) : () -> ()
    %dma_start3A = arith.constant 0 : i32
    %dma_start3A_35 = arith.constant 0 : i32
    %dma_start3A_36 = tpu.memref_slice %arg5[%dma_start3A, %dma_start3A_35] : memref<50x128xi32, #tpu.memory_space<vmem>> -> memref<1x128xi32, #tpu.memory_space<vmem>>
    %dma_start3A_37 = tpu.memref_squeeze %dma_start3A_36 : memref<1x128xi32, #tpu.memory_space<vmem>> -> memref<128xi32, #tpu.memory_space<vmem>>
    %dma_start3A_38 = arith.constant 0 : i32
    %dma_start3A_39 = arith.constant 0 : i32
    %dma_start3A_40 = tpu.memref_slice %arg3[%dma_start3A_38, %dma_start3A_39] : memref<1024000x64xf32, #tpu.memory_space<hbm>> -> memref<1024000x64xf32, #tpu.memory_space<hbm>>
    tpu.enqueue_indirect_dma source(%dma_start3A_40 : memref<1024000x64xf32, #tpu.memory_space<hbm>>) target(%arg6 : memref<128x64xf32, #tpu.memory_space<vmem>>) offsets(%dma_start3A_37 : memref<128xi32, #tpu.memory_space<vmem>>) semaphore(%arg8 : memref<!tpu.dma_semaphore, #tpu.memory_space<semaphore_mem>>)
    %dma_start3A_41 = arith.constant 1 : i32
    %dma_start3A_42 = arith.constant 0 : i32
    %dma_start3A_43 = tpu.memref_slice %arg5[%dma_start3A_41, %dma_start3A_42] : memref<50x128xi32, #tpu.memory_space<vmem>> -> memref<1x128xi32, #tpu.memory_space<vmem>>
    %dma_start3A_44 = tpu.memref_squeeze %dma_start3A_43 : memref<1x128xi32, #tpu.memory_space<vmem>> -> memref<128xi32, #tpu.memory_space<vmem>>
    %dma_start3A_45 = arith.constant 0 : i32
    %dma_start3A_46 = arith.constant 0 : i32
    %dma_start3A_47 = tpu.memref_slice %arg3[%dma_start3A_45, %dma_start3A_46] : memref<1024000x64xf32, #tpu.memory_space<hbm>> -> memref<1024000x64xf32, #tpu.memory_space<hbm>>
    tpu.enqueue_indirect_dma source(%dma_start3A_47 : memref<1024000x64xf32, #tpu.memory_space<hbm>>) target(%arg7 : memref<128x64xf32, #tpu.memory_space<vmem>>) offsets(%dma_start3A_44 : memref<128xi32, #tpu.memory_space<vmem>>) semaphore(%arg9 : memref<!tpu.dma_semaphore, #tpu.memory_space<semaphore_mem>>)
    %scan3A = arith.constant 0 : i32
    %scan3A_48 = arith.constant 24 : i32
    %scan3A_49 = arith.addi %scan3A, %scan3A_48 : i32
    %scan3A_50 = arith.constant 1 : i32
    scf.for %scan3A_66 = %scan3A to %scan3A_49 step %scan3A_50  : i32 {
      %mul3A_67 = arith.constant 1 : i32
      %mul3A_68 = arith.muli %scan3A_66, %mul3A_67 : i32
      %add3A_69 = arith.constant 0 : i32
      %add3A_70 = arith.addi %add3A_69, %mul3A_68 : i32
      %mul3A_71 = arith.constant 2 : i32
      %mul3A_72 = arith.muli %add3A_70, %mul3A_71 : i32
      %add3A_73 = arith.constant 0 : i32
      %add3A_74 = arith.addi %mul3A_72, %add3A_73 : i32
      %dma_wait3A_75 = arith.constant 0 : i32
      %dma_wait3A_76 = tpu.memref_slice %arg5[%add3A_74, %dma_wait3A_75] : memref<50x128xi32, #tpu.memory_space<vmem>> -> memref<1x128xi32, #tpu.memory_space<vmem>>
      %dma_wait3A_77 = tpu.memref_squeeze %dma_wait3A_76 : memref<1x128xi32, #tpu.memory_space<vmem>> -> memref<128xi32, #tpu.memory_space<vmem>>
      %dma_wait3A_78 = arith.constant 0 : i32
      %dma_wait3A_79 = arith.constant 0 : i32
      %dma_wait3A_80 = tpu.memref_slice %arg3[%dma_wait3A_78, %dma_wait3A_79] : memref<1024000x64xf32, #tpu.memory_space<hbm>> -> memref<1024000x64xf32, #tpu.memory_space<hbm>>
      tpu.wait_indirect_dma semaphore(%arg8 : memref<!tpu.dma_semaphore, #tpu.memory_space<semaphore_mem>>) src(%dma_wait3A_80 : memref<1024000x64xf32, #tpu.memory_space<hbm>>) dst(%arg6 : memref<128x64xf32, #tpu.memory_space<vmem>>)
      "tpu.region"() ({
        %run_scoped3A_109 = tpu.sem_alloc : memref<!tpu.dma_semaphore, #tpu.memory_space<semaphore_mem>>
        %dma_start3A_110 = tpu.memref_slice %arg4[%add3A_74, %mul3A_11, %mul3A_34] : memref<50x2048x128xf32, #tpu.memory_space<hbm>> -> memref<1x128x64xf32, #tpu.memory_space<hbm>>
        %dma_start3A_111 = tpu.memref_squeeze %dma_start3A_110 : memref<1x128x64xf32, #tpu.memory_space<hbm>> -> memref<128x64xf32, #tpu.memory_space<hbm>>
        %dma_start3A_112 = tpu.memref_slice %arg4[%add3A_74, %mul3A_11, %mul3A_34] : memref<50x2048x128xf32, #tpu.memory_space<hbm>> -> memref<1x128x64xf32, #tpu.memory_space<hbm>>
        %dma_start3A_113 = tpu.memref_squeeze %dma_start3A_112 : memref<1x128x64xf32, #tpu.memory_space<hbm>> -> memref<128x64xf32, #tpu.memory_space<hbm>>
        tpu.enqueue_dma source(%arg6 : memref<128x64xf32, #tpu.memory_space<vmem>>) target(%dma_start3A_113 : memref<128x64xf32, #tpu.memory_space<hbm>>) target_semaphore(%run_scoped3A_109 : memref<!tpu.dma_semaphore, #tpu.memory_space<semaphore_mem>>)
        %dma_wait3A_114 = tpu.memref_slice %arg4[%add3A_74, %mul3A_11, %mul3A_34] : memref<50x2048x128xf32, #tpu.memory_space<hbm>> -> memref<1x128x64xf32, #tpu.memory_space<hbm>>
        %dma_wait3A_115 = tpu.memref_squeeze %dma_wait3A_114 : memref<1x128x64xf32, #tpu.memory_space<hbm>> -> memref<128x64xf32, #tpu.memory_space<hbm>>
        %dma_wait3A_116 = tpu.memref_slice %arg4[%add3A_74, %mul3A_11, %mul3A_34] : memref<50x2048x128xf32, #tpu.memory_space<hbm>> -> memref<1x128x64xf32, #tpu.memory_space<hbm>>
        %dma_wait3A_117 = tpu.memref_squeeze %dma_wait3A_116 : memref<1x128x64xf32, #tpu.memory_space<hbm>> -> memref<128x64xf32, #tpu.memory_space<hbm>>
        tpu.wait_dma2 semaphore(%run_scoped3A_109 : memref<!tpu.dma_semaphore, #tpu.memory_space<semaphore_mem>>) src(%arg6 : memref<128x64xf32, #tpu.memory_space<vmem>>) dst(%dma_wait3A_117 : memref<128x64xf32, #tpu.memory_space<hbm>>)
        tpu.yield
      }) : () -> ()
      %add3A_81 = arith.constant 0 : i32
      %add3A_82 = arith.addi %mul3A_72, %add3A_81 : i32
      %add3A_83 = arith.constant 2 : i32
      %add3A_84 = arith.addi %add3A_82, %add3A_83 : i32
      %dma_start3A_85 = arith.constant 0 : i32
      %dma_start3A_86 = tpu.memref_slice %arg5[%add3A_84, %dma_start3A_85] : memref<50x128xi32, #tpu.memory_space<vmem>> -> memref<1x128xi32, #tpu.memory_space<vmem>>
      %dma_start3A_87 = tpu.memref_squeeze %dma_start3A_86 : memref<1x128xi32, #tpu.memory_space<vmem>> -> memref<128xi32, #tpu.memory_space<vmem>>
      %dma_start3A_88 = arith.constant 0 : i32
      %dma_start3A_89 = arith.constant 0 : i32
      %dma_start3A_90 = tpu.memref_slice %arg3[%dma_start3A_88, %dma_start3A_89] : memref<1024000x64xf32, #tpu.memory_space<hbm>> -> memref<1024000x64xf32, #tpu.memory_space<hbm>>
      tpu.enqueue_indirect_dma source(%dma_start3A_90 : memref<1024000x64xf32, #tpu.memory_space<hbm>>) target(%arg6 : memref<128x64xf32, #tpu.memory_space<vmem>>) offsets(%dma_start3A_87 : memref<128xi32, #tpu.memory_space<vmem>>) semaphore(%arg8 : memref<!tpu.dma_semaphore, #tpu.memory_space<semaphore_mem>>)
      %add3A_91 = arith.constant 1 : i32
      %add3A_92 = arith.addi %mul3A_72, %add3A_91 : i32
      %dma_wait3A_93 = arith.constant 0 : i32
      %dma_wait3A_94 = tpu.memref_slice %arg5[%add3A_92, %dma_wait3A_93] : memref<50x128xi32, #tpu.memory_space<vmem>> -> memref<1x128xi32, #tpu.memory_space<vmem>>
      %dma_wait3A_95 = tpu.memref_squeeze %dma_wait3A_94 : memref<1x128xi32, #tpu.memory_space<vmem>> -> memref<128xi32, #tpu.memory_space<vmem>>
      %dma_wait3A_96 = arith.constant 0 : i32
      %dma_wait3A_97 = arith.constant 0 : i32
      %dma_wait3A_98 = tpu.memref_slice %arg3[%dma_wait3A_96, %dma_wait3A_97] : memref<1024000x64xf32, #tpu.memory_space<hbm>> -> memref<1024000x64xf32, #tpu.memory_space<hbm>>
      tpu.wait_indirect_dma semaphore(%arg9 : memref<!tpu.dma_semaphore, #tpu.memory_space<semaphore_mem>>) src(%dma_wait3A_98 : memref<1024000x64xf32, #tpu.memory_space<hbm>>) dst(%arg7 : memref<128x64xf32, #tpu.memory_space<vmem>>)
      "tpu.region"() ({
        %run_scoped3A_109 = tpu.sem_alloc : memref<!tpu.dma_semaphore, #tpu.memory_space<semaphore_mem>>
        %dma_start3A_110 = tpu.memref_slice %arg4[%add3A_92, %mul3A_11, %mul3A_34] : memref<50x2048x128xf32, #tpu.memory_space<hbm>> -> memref<1x128x64xf32, #tpu.memory_space<hbm>>
        %dma_start3A_111 = tpu.memref_squeeze %dma_start3A_110 : memref<1x128x64xf32, #tpu.memory_space<hbm>> -> memref<128x64xf32, #tpu.memory_space<hbm>>
        %dma_start3A_112 = tpu.memref_slice %arg4[%add3A_92, %mul3A_11, %mul3A_34] : memref<50x2048x128xf32, #tpu.memory_space<hbm>> -> memref<1x128x64xf32, #tpu.memory_space<hbm>>
        %dma_start3A_113 = tpu.memref_squeeze %dma_start3A_112 : memref<1x128x64xf32, #tpu.memory_space<hbm>> -> memref<128x64xf32, #tpu.memory_space<hbm>>
        tpu.enqueue_dma source(%arg7 : memref<128x64xf32, #tpu.memory_space<vmem>>) target(%dma_start3A_113 : memref<128x64xf32, #tpu.memory_space<hbm>>) target_semaphore(%run_scoped3A_109 : memref<!tpu.dma_semaphore, #tpu.memory_space<semaphore_mem>>)
        %dma_wait3A_114 = tpu.memref_slice %arg4[%add3A_92, %mul3A_11, %mul3A_34] : memref<50x2048x128xf32, #tpu.memory_space<hbm>> -> memref<1x128x64xf32, #tpu.memory_space<hbm>>
        %dma_wait3A_115 = tpu.memref_squeeze %dma_wait3A_114 : memref<1x128x64xf32, #tpu.memory_space<hbm>> -> memref<128x64xf32, #tpu.memory_space<hbm>>
        %dma_wait3A_116 = tpu.memref_slice %arg4[%add3A_92, %mul3A_11, %mul3A_34] : memref<50x2048x128xf32, #tpu.memory_space<hbm>> -> memref<1x128x64xf32, #tpu.memory_space<hbm>>
        %dma_wait3A_117 = tpu.memref_squeeze %dma_wait3A_116 : memref<1x128x64xf32, #tpu.memory_space<hbm>> -> memref<128x64xf32, #tpu.memory_space<hbm>>
        tpu.wait_dma2 semaphore(%run_scoped3A_109 : memref<!tpu.dma_semaphore, #tpu.memory_space<semaphore_mem>>) src(%arg7 : memref<128x64xf32, #tpu.memory_space<vmem>>) dst(%dma_wait3A_117 : memref<128x64xf32, #tpu.memory_space<hbm>>)
        tpu.yield
      }) : () -> ()
      %add3A_99 = arith.constant 1 : i32
      %add3A_100 = arith.addi %mul3A_72, %add3A_99 : i32
      %add3A_101 = arith.constant 2 : i32
      %add3A_102 = arith.addi %add3A_100, %add3A_101 : i32
      %dma_start3A_103 = arith.constant 0 : i32
      %dma_start3A_104 = tpu.memref_slice %arg5[%add3A_102, %dma_start3A_103] : memref<50x128xi32, #tpu.memory_space<vmem>> -> memref<1x128xi32, #tpu.memory_space<vmem>>
      %dma_start3A_105 = tpu.memref_squeeze %dma_start3A_104 : memref<1x128xi32, #tpu.memory_space<vmem>> -> memref<128xi32, #tpu.memory_space<vmem>>
      %dma_start3A_106 = arith.constant 0 : i32
      %dma_start3A_107 = arith.constant 0 : i32
      %dma_start3A_108 = tpu.memref_slice %arg3[%dma_start3A_106, %dma_start3A_107] : memref<1024000x64xf32, #tpu.memory_space<hbm>> -> memref<1024000x64xf32, #tpu.memory_space<hbm>>
      tpu.enqueue_indirect_dma source(%dma_start3A_108 : memref<1024000x64xf32, #tpu.memory_space<hbm>>) target(%arg7 : memref<128x64xf32, #tpu.memory_space<vmem>>) offsets(%dma_start3A_105 : memref<128xi32, #tpu.memory_space<vmem>>) semaphore(%arg9 : memref<!tpu.dma_semaphore, #tpu.memory_space<semaphore_mem>>)
    }
    %scan3A_51 = arith.constant 24 : i32
    %dma_wait3A = arith.constant 48 : i32
    %dma_wait3A_52 = arith.constant 0 : i32
    %dma_wait3A_53 = tpu.memref_slice %arg5[%dma_wait3A, %dma_wait3A_52] : memref<50x128xi32, #tpu.memory_space<vmem>> -> memref<1x128xi32, #tpu.memory_space<vmem>>
    %dma_wait3A_54 = tpu.memref_squeeze %dma_wait3A_53 : memref<1x128xi32, #tpu.memory_space<vmem>> -> memref<128xi32, #tpu.memory_space<vmem>>
    %dma_wait3A_55 = arith.constant 0 : i32
    %dma_wait3A_56 = arith.constant 0 : i32
    %dma_wait3A_57 = tpu.memref_slice %arg3[%dma_wait3A_55, %dma_wait3A_56] : memref<1024000x64xf32, #tpu.memory_space<hbm>> -> memref<1024000x64xf32, #tpu.memory_space<hbm>>
    tpu.wait_indirect_dma semaphore(%arg8 : memref<!tpu.dma_semaphore, #tpu.memory_space<semaphore_mem>>) src(%dma_wait3A_57 : memref<1024000x64xf32, #tpu.memory_space<hbm>>) dst(%arg6 : memref<128x64xf32, #tpu.memory_space<vmem>>)
    %run_scoped3A = arith.constant 48 : i32
    "tpu.region"() ({
      %run_scoped3A_66 = tpu.sem_alloc : memref<!tpu.dma_semaphore, #tpu.memory_space<semaphore_mem>>
      %dma_start3A_67 = tpu.memref_slice %arg4[%run_scoped3A, %mul3A_11, %mul3A_34] : memref<50x2048x128xf32, #tpu.memory_space<hbm>> -> memref<1x128x64xf32, #tpu.memory_space<hbm>>
      %dma_start3A_68 = tpu.memref_squeeze %dma_start3A_67 : memref<1x128x64xf32, #tpu.memory_space<hbm>> -> memref<128x64xf32, #tpu.memory_space<hbm>>
      %dma_start3A_69 = tpu.memref_slice %arg4[%run_scoped3A, %mul3A_11, %mul3A_34] : memref<50x2048x128xf32, #tpu.memory_space<hbm>> -> memref<1x128x64xf32, #tpu.memory_space<hbm>>
      %dma_start3A_70 = tpu.memref_squeeze %dma_start3A_69 : memref<1x128x64xf32, #tpu.memory_space<hbm>> -> memref<128x64xf32, #tpu.memory_space<hbm>>
      tpu.enqueue_dma source(%arg6 : memref<128x64xf32, #tpu.memory_space<vmem>>) target(%dma_start3A_70 : memref<128x64xf32, #tpu.memory_space<hbm>>) target_semaphore(%run_scoped3A_66 : memref<!tpu.dma_semaphore, #tpu.memory_space<semaphore_mem>>)
      %dma_wait3A_71 = tpu.memref_slice %arg4[%run_scoped3A, %mul3A_11, %mul3A_34] : memref<50x2048x128xf32, #tpu.memory_space<hbm>> -> memref<1x128x64xf32, #tpu.memory_space<hbm>>
      %dma_wait3A_72 = tpu.memref_squeeze %dma_wait3A_71 : memref<1x128x64xf32, #tpu.memory_space<hbm>> -> memref<128x64xf32, #tpu.memory_space<hbm>>
      %dma_wait3A_73 = tpu.memref_slice %arg4[%run_scoped3A, %mul3A_11, %mul3A_34] : memref<50x2048x128xf32, #tpu.memory_space<hbm>> -> memref<1x128x64xf32, #tpu.memory_space<hbm>>
      %dma_wait3A_74 = tpu.memref_squeeze %dma_wait3A_73 : memref<1x128x64xf32, #tpu.memory_space<hbm>> -> memref<128x64xf32, #tpu.memory_space<hbm>>
      tpu.wait_dma2 semaphore(%run_scoped3A_66 : memref<!tpu.dma_semaphore, #tpu.memory_space<semaphore_mem>>) src(%arg6 : memref<128x64xf32, #tpu.memory_space<vmem>>) dst(%dma_wait3A_74 : memref<128x64xf32, #tpu.memory_space<hbm>>)
      tpu.yield
    }) : () -> ()
    %dma_wait3A_58 = arith.constant 49 : i32
    %dma_wait3A_59 = arith.constant 0 : i32
    %dma_wait3A_60 = tpu.memref_slice %arg5[%dma_wait3A_58, %dma_wait3A_59] : memref<50x128xi32, #tpu.memory_space<vmem>> -> memref<1x128xi32, #tpu.memory_space<vmem>>
    %dma_wait3A_61 = tpu.memref_squeeze %dma_wait3A_60 : memref<1x128xi32, #tpu.memory_space<vmem>> -> memref<128xi32, #tpu.memory_space<vmem>>
    %dma_wait3A_62 = arith.constant 0 : i32
    %dma_wait3A_63 = arith.constant 0 : i32
    %dma_wait3A_64 = tpu.memref_slice %arg3[%dma_wait3A_62, %dma_wait3A_63] : memref<1024000x64xf32, #tpu.memory_space<hbm>> -> memref<1024000x64xf32, #tpu.memory_space<hbm>>
    tpu.wait_indirect_dma semaphore(%arg9 : memref<!tpu.dma_semaphore, #tpu.memory_space<semaphore_mem>>) src(%dma_wait3A_64 : memref<1024000x64xf32, #tpu.memory_space<hbm>>) dst(%arg7 : memref<128x64xf32, #tpu.memory_space<vmem>>)
    %run_scoped3A_65 = arith.constant 49 : i32
    "tpu.region"() ({
      %run_scoped3A_66 = tpu.sem_alloc : memref<!tpu.dma_semaphore, #tpu.memory_space<semaphore_mem>>
      %dma_start3A_67 = tpu.memref_slice %arg4[%run_scoped3A_65, %mul3A_11, %mul3A_34] : memref<50x2048x128xf32, #tpu.memory_space<hbm>> -> memref<1x128x64xf32, #tpu.memory_space<hbm>>
      %dma_start3A_68 = tpu.memref_squeeze %dma_start3A_67 : memref<1x128x64xf32, #tpu.memory_space<hbm>> -> memref<128x64xf32, #tpu.memory_space<hbm>>
      %dma_start3A_69 = tpu.memref_slice %arg4[%run_scoped3A_65, %mul3A_11, %mul3A_34] : memref<50x2048x128xf32, #tpu.memory_space<hbm>> -> memref<1x128x64xf32, #tpu.memory_space<hbm>>
      %dma_start3A_70 = tpu.memref_squeeze %dma_start3A_69 : memref<1x128x64xf32, #tpu.memory_space<hbm>> -> memref<128x64xf32, #tpu.memory_space<hbm>>
      tpu.enqueue_dma source(%arg7 : memref<128x64xf32, #tpu.memory_space<vmem>>) target(%dma_start3A_70 : memref<128x64xf32, #tpu.memory_space<hbm>>) target_semaphore(%run_scoped3A_66 : memref<!tpu.dma_semaphore, #tpu.memory_space<semaphore_mem>>)
      %dma_wait3A_71 = tpu.memref_slice %arg4[%run_scoped3A_65, %mul3A_11, %mul3A_34] : memref<50x2048x128xf32, #tpu.memory_space<hbm>> -> memref<1x128x64xf32, #tpu.memory_space<hbm>>
      %dma_wait3A_72 = tpu.memref_squeeze %dma_wait3A_71 : memref<1x128x64xf32, #tpu.memory_space<hbm>> -> memref<128x64xf32, #tpu.memory_space<hbm>>
      %dma_wait3A_73 = tpu.memref_slice %arg4[%run_scoped3A_65, %mul3A_11, %mul3A_34] : memref<50x2048x128xf32, #tpu.memory_space<hbm>> -> memref<1x128x64xf32, #tpu.memory_space<hbm>>
      %dma_wait3A_74 = tpu.memref_squeeze %dma_wait3A_73 : memref<1x128x64xf32, #tpu.memory_space<hbm>> -> memref<128x64xf32, #tpu.memory_space<hbm>>
      tpu.wait_dma2 semaphore(%run_scoped3A_66 : memref<!tpu.dma_semaphore, #tpu.memory_space<semaphore_mem>>) src(%arg7 : memref<128x64xf32, #tpu.memory_space<vmem>>) dst(%dma_wait3A_74 : memref<128x64xf32, #tpu.memory_space<hbm>>)
      tpu.yield
    }) : () -> ()
    return
  }
}

#map = affine_map<(d0, d1) -> (0, 0, 0)>
#map1 = affine_map<(d0, d1) -> (0, 0)>
module attributes {stable_mosaic.version = 14 : i64} {
  func.func @gather_kernel(%arg0: i32, %arg1: i32, %arg2: memref<32x50x128xi32, #tpu.memory_space<hbm>>, %arg3: memref<1024000x64xf32, #tpu.memory_space<hbm>>, %arg4: memref<50x2048x128xf32, #tpu.memory_space<hbm>>, %arg5: memref<50x128xi32, #tpu.memory_space<vmem>>, %arg6: memref<128x64xf32, #tpu.memory_space<vmem>>, %arg7: memref<128x64xf32, #tpu.memory_space<vmem>>, %arg8: memref<!tpu.dma_semaphore, #tpu.memory_space<semaphore_mem>>, %arg9: memref<!tpu.dma_semaphore, #tpu.memory_space<semaphore_mem>>) attributes {dimension_semantics = [#tpu.dimension_semantics<core_parallel>, #tpu.dimension_semantics<subcore_parallel>], iteration_bounds = array<i64: 2, 16>, scalar_prefetch = 0 : i64, scratch_operands = 5 : i64, tpu.core_type = #tpu.core_type<sc_vector_subcore>, window_params = [{transform_indices = #map}, {transform_indices = #map1}, {transform_indices = #map}]} {
    %mul3A = arith.constant 2 : i32
    %mul3A_0 = arith.muli %arg1, %mul3A : i32
    %add3A = arith.addi %mul3A_0, %arg0 : i32
    %jit3A = arith.constant 16 : i32
    %eq3A = arith.constant 0 : i32
    %eq3A_1 = arith.cmpi eq, %jit3A, %eq3A : i32
    %jit3A_2 = arith.constant 1 : i32
    %select_n3A = arith.select %eq3A_1, %jit3A_2, %jit3A : i32
    %rem3A = arith.remsi %add3A, %select_n3A : i32
    %ne3A = arith.constant 0 : i32
    %ne3A_3 = arith.cmpi ne, %rem3A, %ne3A : i32
    %lt3A = arith.constant 0 : i32
    %lt3A_4 = arith.cmpi slt, %rem3A, %lt3A : i32
    %lt3A_5 = arith.constant 0 : i32
    %lt3A_6 = arith.cmpi slt, %select_n3A, %lt3A_5 : i32
    %ne3A_7 = arith.xori %lt3A_4, %lt3A_6 : i1
    %and3A = arith.andi %ne3A_7, %ne3A_3 : i1
    %add3A_8 = arith.addi %rem3A, %select_n3A : i32
    %select_n3A_9 = arith.select %and3A, %add3A_8, %rem3A : i32
    %mul3A_10 = arith.constant 128 : i32
    %mul3A_11 = arith.muli %select_n3A_9, %mul3A_10 : i32
    %jit3A_12 = arith.constant 16 : i32
    %div3A = arith.divsi %add3A, %jit3A_12 : i32
    %sign3A = arith.constant 0 : i32
    %sign3A_13 = arith.cmpi sgt, %add3A, %sign3A : i32
    %sign3A_14 = arith.extui %sign3A_13 : i1 to i32
    %sign3A_15 = arith.constant 0 : i32
    %sign3A_16 = arith.cmpi slt, %add3A, %sign3A_15 : i32
    %sign3A_17 = arith.extui %sign3A_16 : i1 to i32
    %sign3A_18 = arith.subi %sign3A_14, %sign3A_17 : i32
    %sign3A_19 = arith.constant 0 : i32
    %sign3A_20 = arith.cmpi sgt, %jit3A_12, %sign3A_19 : i32
    %sign3A_21 = arith.extui %sign3A_20 : i1 to i32
    %sign3A_22 = arith.constant 0 : i32
    %sign3A_23 = arith.cmpi slt, %jit3A_12, %sign3A_22 : i32
    %sign3A_24 = arith.extui %sign3A_23 : i1 to i32
    %sign3A_25 = arith.subi %sign3A_21, %sign3A_24 : i32
    %ne3A_26 = arith.cmpi ne, %sign3A_18, %sign3A_25 : i32
    %rem3A_27 = arith.remsi %add3A, %jit3A_12 : i32
    %ne3A_28 = arith.constant 0 : i32
    %ne3A_29 = arith.cmpi ne, %rem3A_27, %ne3A_28 : i32
    %and3A_30 = arith.andi %ne3A_26, %ne3A_29 : i1
    %sub3A = arith.constant 1 : i32
    %sub3A_31 = arith.subi %div3A, %sub3A : i32
    %select_n3A_32 = arith.select %and3A_30, %sub3A_31, %div3A : i32
    %mul3A_33 = arith.constant 64 : i32
    %mul3A_34 = arith.muli %select_n3A_32, %mul3A_33 : i32
    "tpu.region"() ({
      %run_scoped3A_66 = tpu.sem_alloc : memref<!tpu.dma_semaphore, #tpu.memory_space<semaphore_mem>>
      %dma_start3A_67 = arith.constant 0 : i32
      %dma_start3A_68 = arith.constant 0 : i32
      %dma_start3A_69 = tpu.memref_slice %arg2[%add3A, %dma_start3A_67, %dma_start3A_68] : memref<32x50x128xi32, #tpu.memory_space<hbm>> -> memref<1x50x128xi32, #tpu.memory_space<hbm>>
      %dma_start3A_70 = tpu.memref_squeeze %dma_start3A_69 : memref<1x50x128xi32, #tpu.memory_space<hbm>> -> memref<50x128xi32, #tpu.memory_space<hbm>>
      %dma_start3A_71 = arith.constant 0 : i32
      %dma_start3A_72 = arith.constant 0 : i32
      %dma_start3A_73 = tpu.memref_slice %arg2[%add3A, %dma_start3A_71, %dma_start3A_72] : memref<32x50x128xi32, #tpu.memory_space<hbm>> -> memref<1x50x128xi32, #tpu.memory_space<hbm>>
      %dma_start3A_74 = tpu.memref_squeeze %dma_start3A_73 : memref<1x50x128xi32, #tpu.memory_space<hbm>> -> memref<50x128xi32, #tpu.memory_space<hbm>>
      tpu.enqueue_dma source(%dma_start3A_74 : memref<50x128xi32, #tpu.memory_space<hbm>>) target(%arg5 : memref<50x128xi32, #tpu.memory_space<vmem>>) target_semaphore(%run_scoped3A_66 : memref<!tpu.dma_semaphore, #tpu.memory_space<semaphore_mem>>)
      %dma_wait3A_75 = arith.constant 0 : i32
      %dma_wait3A_76 = arith.constant 0 : i32
      %dma_wait3A_77 = tpu.memref_slice %arg2[%add3A, %dma_wait3A_75, %dma_wait3A_76] : memref<32x50x128xi32, #tpu.memory_space<hbm>> -> memref<1x50x128xi32, #tpu.memory_space<hbm>>
      %dma_wait3A_78 = tpu.memref_squeeze %dma_wait3A_77 : memref<1x50x128xi32, #tpu.memory_space<hbm>> -> memref<50x128xi32, #tpu.memory_space<hbm>>
      %dma_wait3A_79 = arith.constant 0 : i32
      %dma_wait3A_80 = arith.constant 0 : i32
      %dma_wait3A_81 = tpu.memref_slice %arg2[%add3A, %dma_wait3A_79, %dma_wait3A_80] : memref<32x50x128xi32, #tpu.memory_space<hbm>> -> memref<1x50x128xi32, #tpu.memory_space<hbm>>
      %dma_wait3A_82 = tpu.memref_squeeze %dma_wait3A_81 : memref<1x50x128xi32, #tpu.memory_space<hbm>> -> memref<50x128xi32, #tpu.memory_space<hbm>>
      tpu.wait_dma2 semaphore(%run_scoped3A_66 : memref<!tpu.dma_semaphore, #tpu.memory_space<semaphore_mem>>) src(%dma_wait3A_82 : memref<50x128xi32, #tpu.memory_space<hbm>>) dst(%arg5 : memref<50x128xi32, #tpu.memory_space<vmem>>)
      tpu.yield
    }) : () -> ()
    %dma_start3A = arith.constant 0 : i32
    %dma_start3A_35 = arith.constant 0 : i32
    %dma_start3A_36 = tpu.memref_slice %arg5[%dma_start3A, %dma_start3A_35] : memref<50x128xi32, #tpu.memory_space<vmem>> -> memref<1x128xi32, #tpu.memory_space<vmem>>
    %dma_start3A_37 = tpu.memref_squeeze %dma_start3A_36 : memref<1x128xi32, #tpu.memory_space<vmem>> -> memref<128xi32, #tpu.memory_space<vmem>>
    %dma_start3A_38 = arith.constant 0 : i32
    %dma_start3A_39 = arith.constant 0 : i32
    %dma_start3A_40 = tpu.memref_slice %arg3[%dma_start3A_38, %dma_start3A_39] : memref<1024000x64xf32, #tpu.memory_space<hbm>> -> memref<1024000x64xf32, #tpu.memory_space<hbm>>
    tpu.enqueue_indirect_dma source(%dma_start3A_40 : memref<1024000x64xf32, #tpu.memory_space<hbm>>) target(%arg6 : memref<128x64xf32, #tpu.memory_space<vmem>>) offsets(%dma_start3A_37 : memref<128xi32, #tpu.memory_space<vmem>>) semaphore(%arg8 : memref<!tpu.dma_semaphore, #tpu.memory_space<semaphore_mem>>)
    %dma_start3A_41 = arith.constant 1 : i32
    %dma_start3A_42 = arith.constant 0 : i32
    %dma_start3A_43 = tpu.memref_slice %arg5[%dma_start3A_41, %dma_start3A_42] : memref<50x128xi32, #tpu.memory_space<vmem>> -> memref<1x128xi32, #tpu.memory_space<vmem>>
    %dma_start3A_44 = tpu.memref_squeeze %dma_start3A_43 : memref<1x128xi32, #tpu.memory_space<vmem>> -> memref<128xi32, #tpu.memory_space<vmem>>
    %dma_start3A_45 = arith.constant 0 : i32
    %dma_start3A_46 = arith.constant 0 : i32
    %dma_start3A_47 = tpu.memref_slice %arg3[%dma_start3A_45, %dma_start3A_46] : memref<1024000x64xf32, #tpu.memory_space<hbm>> -> memref<1024000x64xf32, #tpu.memory_space<hbm>>
    tpu.enqueue_indirect_dma source(%dma_start3A_47 : memref<1024000x64xf32, #tpu.memory_space<hbm>>) target(%arg7 : memref<128x64xf32, #tpu.memory_space<vmem>>) offsets(%dma_start3A_44 : memref<128xi32, #tpu.memory_space<vmem>>) semaphore(%arg9 : memref<!tpu.dma_semaphore, #tpu.memory_space<semaphore_mem>>)
    %scan3A = arith.constant 0 : i32
    %scan3A_48 = arith.constant 24 : i32
    %scan3A_49 = arith.addi %scan3A, %scan3A_48 : i32
    %scan3A_50 = arith.constant 1 : i32
    scf.for %scan3A_66 = %scan3A to %scan3A_49 step %scan3A_50  : i32 {
      %mul3A_67 = arith.constant 1 : i32
      %mul3A_68 = arith.muli %scan3A_66, %mul3A_67 : i32
      %add3A_69 = arith.constant 0 : i32
      %add3A_70 = arith.addi %add3A_69, %mul3A_68 : i32
      %mul3A_71 = arith.constant 2 : i32
      %mul3A_72 = arith.muli %add3A_70, %mul3A_71 : i32
      %add3A_73 = arith.constant 0 : i32
      %add3A_74 = arith.addi %mul3A_72, %add3A_73 : i32
      %dma_wait3A_75 = arith.constant 0 : i32
      %dma_wait3A_76 = tpu.memref_slice %arg5[%add3A_74, %dma_wait3A_75] : memref<50x128xi32, #tpu.memory_space<vmem>> -> memref<1x128xi32, #tpu.memory_space<vmem>>
      %dma_wait3A_77 = tpu.memref_squeeze %dma_wait3A_76 : memref<1x128xi32, #tpu.memory_space<vmem>> -> memref<128xi32, #tpu.memory_space<vmem>>
      %dma_wait3A_78 = arith.constant 0 : i32
      %dma_wait3A_79 = arith.constant 0 : i32
      %dma_wait3A_80 = tpu.memref_slice %arg3[%dma_wait3A_78, %dma_wait3A_79] : memref<1024000x64xf32, #tpu.memory_space<hbm>> -> memref<1024000x64xf32, #tpu.memory_space<hbm>>
      tpu.wait_indirect_dma semaphore(%arg8 : memref<!tpu.dma_semaphore, #tpu.memory_space<semaphore_mem>>) src(%dma_wait3A_80 : memref<1024000x64xf32, #tpu.memory_space<hbm>>) dst(%arg6 : memref<128x64xf32, #tpu.memory_space<vmem>>)
      "tpu.region"() ({
        %run_scoped3A_109 = tpu.sem_alloc : memref<!tpu.dma_semaphore, #tpu.memory_space<semaphore_mem>>
        %dma_start3A_110 = tpu.memref_slice %arg4[%add3A_74, %mul3A_11, %mul3A_34] : memref<50x2048x128xf32, #tpu.memory_space<hbm>> -> memref<1x128x64xf32, #tpu.memory_space<hbm>>
        %dma_start3A_111 = tpu.memref_squeeze %dma_start3A_110 : memref<1x128x64xf32, #tpu.memory_space<hbm>> -> memref<128x64xf32, #tpu.memory_space<hbm>>
        %dma_start3A_112 = tpu.memref_slice %arg4[%add3A_74, %mul3A_11, %mul3A_34] : memref<50x2048x128xf32, #tpu.memory_space<hbm>> -> memref<1x128x64xf32, #tpu.memory_space<hbm>>
        %dma_start3A_113 = tpu.memref_squeeze %dma_start3A_112 : memref<1x128x64xf32, #tpu.memory_space<hbm>> -> memref<128x64xf32, #tpu.memory_space<hbm>>
        tpu.enqueue_dma source(%arg6 : memref<128x64xf32, #tpu.memory_space<vmem>>) target(%dma_start3A_113 : memref<128x64xf32, #tpu.memory_space<hbm>>) target_semaphore(%run_scoped3A_109 : memref<!tpu.dma_semaphore, #tpu.memory_space<semaphore_mem>>)
        %dma_wait3A_114 = tpu.memref_slice %arg4[%add3A_74, %mul3A_11, %mul3A_34] : memref<50x2048x128xf32, #tpu.memory_space<hbm>> -> memref<1x128x64xf32, #tpu.memory_space<hbm>>
        %dma_wait3A_115 = tpu.memref_squeeze %dma_wait3A_114 : memref<1x128x64xf32, #tpu.memory_space<hbm>> -> memref<128x64xf32, #tpu.memory_space<hbm>>
        %dma_wait3A_116 = tpu.memref_slice %arg4[%add3A_74, %mul3A_11, %mul3A_34] : memref<50x2048x128xf32, #tpu.memory_space<hbm>> -> memref<1x128x64xf32, #tpu.memory_space<hbm>>
        %dma_wait3A_117 = tpu.memref_squeeze %dma_wait3A_116 : memref<1x128x64xf32, #tpu.memory_space<hbm>> -> memref<128x64xf32, #tpu.memory_space<hbm>>
        tpu.wait_dma2 semaphore(%run_scoped3A_109 : memref<!tpu.dma_semaphore, #tpu.memory_space<semaphore_mem>>) src(%arg6 : memref<128x64xf32, #tpu.memory_space<vmem>>) dst(%dma_wait3A_117 : memref<128x64xf32, #tpu.memory_space<hbm>>)
        tpu.yield
      }) : () -> ()
      %add3A_81 = arith.constant 0 : i32
      %add3A_82 = arith.addi %mul3A_72, %add3A_81 : i32
      %add3A_83 = arith.constant 2 : i32
      %add3A_84 = arith.addi %add3A_82, %add3A_83 : i32
      %dma_start3A_85 = arith.constant 0 : i32
      %dma_start3A_86 = tpu.memref_slice %arg5[%add3A_84, %dma_start3A_85] : memref<50x128xi32, #tpu.memory_space<vmem>> -> memref<1x128xi32, #tpu.memory_space<vmem>>
      %dma_start3A_87 = tpu.memref_squeeze %dma_start3A_86 : memref<1x128xi32, #tpu.memory_space<vmem>> -> memref<128xi32, #tpu.memory_space<vmem>>
      %dma_start3A_88 = arith.constant 0 : i32
      %dma_start3A_89 = arith.constant 0 : i32
      %dma_start3A_90 = tpu.memref_slice %arg3[%dma_start3A_88, %dma_start3A_89] : memref<1024000x64xf32, #tpu.memory_space<hbm>> -> memref<1024000x64xf32, #tpu.memory_space<hbm>>
      tpu.enqueue_indirect_dma source(%dma_start3A_90 : memref<1024000x64xf32, #tpu.memory_space<hbm>>) target(%arg6 : memref<128x64xf32, #tpu.memory_space<vmem>>) offsets(%dma_start3A_87 : memref<128xi32, #tpu.memory_space<vmem>>) semaphore(%arg8 : memref<!tpu.dma_semaphore, #tpu.memory_space<semaphore_mem>>)
      %add3A_91 = arith.constant 1 : i32
      %add3A_92 = arith.addi %mul3A_72, %add3A_91 : i32
      %dma_wait3A_93 = arith.constant 0 : i32
      %dma_wait3A_94 = tpu.memref_slice %arg5[%add3A_92, %dma_wait3A_93] : memref<50x128xi32, #tpu.memory_space<vmem>> -> memref<1x128xi32, #tpu.memory_space<vmem>>
      %dma_wait3A_95 = tpu.memref_squeeze %dma_wait3A_94 : memref<1x128xi32, #tpu.memory_space<vmem>> -> memref<128xi32, #tpu.memory_space<vmem>>
      %dma_wait3A_96 = arith.constant 0 : i32
      %dma_wait3A_97 = arith.constant 0 : i32
      %dma_wait3A_98 = tpu.memref_slice %arg3[%dma_wait3A_96, %dma_wait3A_97] : memref<1024000x64xf32, #tpu.memory_space<hbm>> -> memref<1024000x64xf32, #tpu.memory_space<hbm>>
      tpu.wait_indirect_dma semaphore(%arg9 : memref<!tpu.dma_semaphore, #tpu.memory_space<semaphore_mem>>) src(%dma_wait3A_98 : memref<1024000x64xf32, #tpu.memory_space<hbm>>) dst(%arg7 : memref<128x64xf32, #tpu.memory_space<vmem>>)
      "tpu.region"() ({
        %run_scoped3A_109 = tpu.sem_alloc : memref<!tpu.dma_semaphore, #tpu.memory_space<semaphore_mem>>
        %dma_start3A_110 = tpu.memref_slice %arg4[%add3A_92, %mul3A_11, %mul3A_34] : memref<50x2048x128xf32, #tpu.memory_space<hbm>> -> memref<1x128x64xf32, #tpu.memory_space<hbm>>
        %dma_start3A_111 = tpu.memref_squeeze %dma_start3A_110 : memref<1x128x64xf32, #tpu.memory_space<hbm>> -> memref<128x64xf32, #tpu.memory_space<hbm>>
        %dma_start3A_112 = tpu.memref_slice %arg4[%add3A_92, %mul3A_11, %mul3A_34] : memref<50x2048x128xf32, #tpu.memory_space<hbm>> -> memref<1x128x64xf32, #tpu.memory_space<hbm>>
        %dma_start3A_113 = tpu.memref_squeeze %dma_start3A_112 : memref<1x128x64xf32, #tpu.memory_space<hbm>> -> memref<128x64xf32, #tpu.memory_space<hbm>>
        tpu.enqueue_dma source(%arg7 : memref<128x64xf32, #tpu.memory_space<vmem>>) target(%dma_start3A_113 : memref<128x64xf32, #tpu.memory_space<hbm>>) target_semaphore(%run_scoped3A_109 : memref<!tpu.dma_semaphore, #tpu.memory_space<semaphore_mem>>)
        %dma_wait3A_114 = tpu.memref_slice %arg4[%add3A_92, %mul3A_11, %mul3A_34] : memref<50x2048x128xf32, #tpu.memory_space<hbm>> -> memref<1x128x64xf32, #tpu.memory_space<hbm>>
        %dma_wait3A_115 = tpu.memref_squeeze %dma_wait3A_114 : memref<1x128x64xf32, #tpu.memory_space<hbm>> -> memref<128x64xf32, #tpu.memory_space<hbm>>
        %dma_wait3A_116 = tpu.memref_slice %arg4[%add3A_92, %mul3A_11, %mul3A_34] : memref<50x2048x128xf32, #tpu.memory_space<hbm>> -> memref<1x128x64xf32, #tpu.memory_space<hbm>>
        %dma_wait3A_117 = tpu.memref_squeeze %dma_wait3A_116 : memref<1x128x64xf32, #tpu.memory_space<hbm>> -> memref<128x64xf32, #tpu.memory_space<hbm>>
        tpu.wait_dma2 semaphore(%run_scoped3A_109 : memref<!tpu.dma_semaphore, #tpu.memory_space<semaphore_mem>>) src(%arg7 : memref<128x64xf32, #tpu.memory_space<vmem>>) dst(%dma_wait3A_117 : memref<128x64xf32, #tpu.memory_space<hbm>>)
        tpu.yield
      }) : () -> ()
      %add3A_99 = arith.constant 1 : i32
      %add3A_100 = arith.addi %mul3A_72, %add3A_99 : i32
      %add3A_101 = arith.constant 2 : i32
      %add3A_102 = arith.addi %add3A_100, %add3A_101 : i32
      %dma_start3A_103 = arith.constant 0 : i32
      %dma_start3A_104 = tpu.memref_slice %arg5[%add3A_102, %dma_start3A_103] : memref<50x128xi32, #tpu.memory_space<vmem>> -> memref<1x128xi32, #tpu.memory_space<vmem>>
      %dma_start3A_105 = tpu.memref_squeeze %dma_start3A_104 : memref<1x128xi32, #tpu.memory_space<vmem>> -> memref<128xi32, #tpu.memory_space<vmem>>
      %dma_start3A_106 = arith.constant 0 : i32
      %dma_start3A_107 = arith.constant 0 : i32
      %dma_start3A_108 = tpu.memref_slice %arg3[%dma_start3A_106, %dma_start3A_107] : memref<1024000x64xf32, #tpu.memory_space<hbm>> -> memref<1024000x64xf32, #tpu.memory_space<hbm>>
      tpu.enqueue_indirect_dma source(%dma_start3A_108 : memref<1024000x64xf32, #tpu.memory_space<hbm>>) target(%arg7 : memref<128x64xf32, #tpu.memory_space<vmem>>) offsets(%dma_start3A_105 : memref<128xi32, #tpu.memory_space<vmem>>) semaphore(%arg9 : memref<!tpu.dma_semaphore, #tpu.memory_space<semaphore_mem>>)
    }
    %scan3A_51 = arith.constant 24 : i32
    %dma_wait3A = arith.constant 48 : i32
    %dma_wait3A_52 = arith.constant 0 : i32
    %dma_wait3A_53 = tpu.memref_slice %arg5[%dma_wait3A, %dma_wait3A_52] : memref<50x128xi32, #tpu.memory_space<vmem>> -> memref<1x128xi32, #tpu.memory_space<vmem>>
    %dma_wait3A_54 = tpu.memref_squeeze %dma_wait3A_53 : memref<1x128xi32, #tpu.memory_space<vmem>> -> memref<128xi32, #tpu.memory_space<vmem>>
    %dma_wait3A_55 = arith.constant 0 : i32
    %dma_wait3A_56 = arith.constant 0 : i32
    %dma_wait3A_57 = tpu.memref_slice %arg3[%dma_wait3A_55, %dma_wait3A_56] : memref<1024000x64xf32, #tpu.memory_space<hbm>> -> memref<1024000x64xf32, #tpu.memory_space<hbm>>
    tpu.wait_indirect_dma semaphore(%arg8 : memref<!tpu.dma_semaphore, #tpu.memory_space<semaphore_mem>>) src(%dma_wait3A_57 : memref<1024000x64xf32, #tpu.memory_space<hbm>>) dst(%arg6 : memref<128x64xf32, #tpu.memory_space<vmem>>)
    %run_scoped3A = arith.constant 48 : i32
    "tpu.region"() ({
      %run_scoped3A_66 = tpu.sem_alloc : memref<!tpu.dma_semaphore, #tpu.memory_space<semaphore_mem>>
      %dma_start3A_67 = tpu.memref_slice %arg4[%run_scoped3A, %mul3A_11, %mul3A_34] : memref<50x2048x128xf32, #tpu.memory_space<hbm>> -> memref<1x128x64xf32, #tpu.memory_space<hbm>>
      %dma_start3A_68 = tpu.memref_squeeze %dma_start3A_67 : memref<1x128x64xf32, #tpu.memory_space<hbm>> -> memref<128x64xf32, #tpu.memory_space<hbm>>
      %dma_start3A_69 = tpu.memref_slice %arg4[%run_scoped3A, %mul3A_11, %mul3A_34] : memref<50x2048x128xf32, #tpu.memory_space<hbm>> -> memref<1x128x64xf32, #tpu.memory_space<hbm>>
      %dma_start3A_70 = tpu.memref_squeeze %dma_start3A_69 : memref<1x128x64xf32, #tpu.memory_space<hbm>> -> memref<128x64xf32, #tpu.memory_space<hbm>>
      tpu.enqueue_dma source(%arg6 : memref<128x64xf32, #tpu.memory_space<vmem>>) target(%dma_start3A_70 : memref<128x64xf32, #tpu.memory_space<hbm>>) target_semaphore(%run_scoped3A_66 : memref<!tpu.dma_semaphore, #tpu.memory_space<semaphore_mem>>)
      %dma_wait3A_71 = tpu.memref_slice %arg4[%run_scoped3A, %mul3A_11, %mul3A_34] : memref<50x2048x128xf32, #tpu.memory_space<hbm>> -> memref<1x128x64xf32, #tpu.memory_space<hbm>>
      %dma_wait3A_72 = tpu.memref_squeeze %dma_wait3A_71 : memref<1x128x64xf32, #tpu.memory_space<hbm>> -> memref<128x64xf32, #tpu.memory_space<hbm>>
      %dma_wait3A_73 = tpu.memref_slice %arg4[%run_scoped3A, %mul3A_11, %mul3A_34] : memref<50x2048x128xf32, #tpu.memory_space<hbm>> -> memref<1x128x64xf32, #tpu.memory_space<hbm>>
      %dma_wait3A_74 = tpu.memref_squeeze %dma_wait3A_73 : memref<1x128x64xf32, #tpu.memory_space<hbm>> -> memref<128x64xf32, #tpu.memory_space<hbm>>
      tpu.wait_dma2 semaphore(%run_scoped3A_66 : memref<!tpu.dma_semaphore, #tpu.memory_space<semaphore_mem>>) src(%arg6 : memref<128x64xf32, #tpu.memory_space<vmem>>) dst(%dma_wait3A_74 : memref<128x64xf32, #tpu.memory_space<hbm>>)
      tpu.yield
    }) : () -> ()
    %dma_wait3A_58 = arith.constant 49 : i32
    %dma_wait3A_59 = arith.constant 0 : i32
    %dma_wait3A_60 = tpu.memref_slice %arg5[%dma_wait3A_58, %dma_wait3A_59] : memref<50x128xi32, #tpu.memory_space<vmem>> -> memref<1x128xi32, #tpu.memory_space<vmem>>
    %dma_wait3A_61 = tpu.memref_squeeze %dma_wait3A_60 : memref<1x128xi32, #tpu.memory_space<vmem>> -> memref<128xi32, #tpu.memory_space<vmem>>
    %dma_wait3A_62 = arith.constant 0 : i32
    %dma_wait3A_63 = arith.constant 0 : i32
    %dma_wait3A_64 = tpu.memref_slice %arg3[%dma_wait3A_62, %dma_wait3A_63] : memref<1024000x64xf32, #tpu.memory_space<hbm>> -> memref<1024000x64xf32, #tpu.memory_space<hbm>>
    tpu.wait_indirect_dma semaphore(%arg9 : memref<!tpu.dma_semaphore, #tpu.memory_space<semaphore_mem>>) src(%dma_wait3A_64 : memref<1024000x64xf32, #tpu.memory_space<hbm>>) dst(%arg7 : memref<128x64xf32, #tpu.memory_space<vmem>>)
    %run_scoped3A_65 = arith.constant 49 : i32
    "tpu.region"() ({
      %run_scoped3A_66 = tpu.sem_alloc : memref<!tpu.dma_semaphore, #tpu.memory_space<semaphore_mem>>
      %dma_start3A_67 = tpu.memref_slice %arg4[%run_scoped3A_65, %mul3A_11, %mul3A_34] : memref<50x2048x128xf32, #tpu.memory_space<hbm>> -> memref<1x128x64xf32, #tpu.memory_space<hbm>>
      %dma_start3A_68 = tpu.memref_squeeze %dma_start3A_67 : memref<1x128x64xf32, #tpu.memory_space<hbm>> -> memref<128x64xf32, #tpu.memory_space<hbm>>
      %dma_start3A_69 = tpu.memref_slice %arg4[%run_scoped3A_65, %mul3A_11, %mul3A_34] : memref<50x2048x128xf32, #tpu.memory_space<hbm>> -> memref<1x128x64xf32, #tpu.memory_space<hbm>>
      %dma_start3A_70 = tpu.memref_squeeze %dma_start3A_69 : memref<1x128x64xf32, #tpu.memory_space<hbm>> -> memref<128x64xf32, #tpu.memory_space<hbm>>
      tpu.enqueue_dma source(%arg7 : memref<128x64xf32, #tpu.memory_space<vmem>>) target(%dma_start3A_70 : memref<128x64xf32, #tpu.memory_space<hbm>>) target_semaphore(%run_scoped3A_66 : memref<!tpu.dma_semaphore, #tpu.memory_space<semaphore_mem>>)
      %dma_wait3A_71 = tpu.memref_slice %arg4[%run_scoped3A_65, %mul3A_11, %mul3A_34] : memref<50x2048x128xf32, #tpu.memory_space<hbm>> -> memref<1x128x64xf32, #tpu.memory_space<hbm>>
      %dma_wait3A_72 = tpu.memref_squeeze %dma_wait3A_71 : memref<1x128x64xf32, #tpu.memory_space<hbm>> -> memref<128x64xf32, #tpu.memory_space<hbm>>
      %dma_wait3A_73 = tpu.memref_slice %arg4[%run_scoped3A_65, %mul3A_11, %mul3A_34] : memref<50x2048x128xf32, #tpu.memory_space<hbm>> -> memref<1x128x64xf32, #tpu.memory_space<hbm>>
      %dma_wait3A_74 = tpu.memref_squeeze %dma_wait3A_73 : memref<1x128x64xf32, #tpu.memory_space<hbm>> -> memref<128x64xf32, #tpu.memory_space<hbm>>
      tpu.wait_dma2 semaphore(%run_scoped3A_66 : memref<!tpu.dma_semaphore, #tpu.memory_space<semaphore_mem>>) src(%arg7 : memref<128x64xf32, #tpu.memory_space<vmem>>) dst(%dma_wait3A_74 : memref<128x64xf32, #tpu.memory_space<hbm>>)
      tpu.yield
    }) : () -> ()
    return
  }
}

#map = affine_map<(d0, d1) -> (0, 0, 0)>
#map1 = affine_map<(d0, d1) -> (0, 0)>
module attributes {stable_mosaic.version = 14 : i64} {
  func.func @gather_kernel(%arg0: i32, %arg1: i32, %arg2: memref<32x50x128xi32, #tpu.memory_space<hbm>>, %arg3: memref<1024000x64xf32, #tpu.memory_space<hbm>>, %arg4: memref<50x2048x128xf32, #tpu.memory_space<hbm>>, %arg5: memref<50x128xi32, #tpu.memory_space<vmem>>, %arg6: memref<128x64xf32, #tpu.memory_space<vmem>>, %arg7: memref<128x64xf32, #tpu.memory_space<vmem>>, %arg8: memref<!tpu.dma_semaphore, #tpu.memory_space<semaphore_mem>>, %arg9: memref<!tpu.dma_semaphore, #tpu.memory_space<semaphore_mem>>) attributes {dimension_semantics = [#tpu.dimension_semantics<core_parallel>, #tpu.dimension_semantics<subcore_parallel>], iteration_bounds = array<i64: 2, 16>, scalar_prefetch = 0 : i64, scratch_operands = 5 : i64, tpu.core_type = #tpu.core_type<sc_vector_subcore>, window_params = [{transform_indices = #map}, {transform_indices = #map1}, {transform_indices = #map}]} {
    %mul3A = arith.constant 2 : i32
    %mul3A_0 = arith.muli %arg1, %mul3A : i32
    %add3A = arith.addi %mul3A_0, %arg0 : i32
    %jit3A = arith.constant 16 : i32
    %eq3A = arith.constant 0 : i32
    %eq3A_1 = arith.cmpi eq, %jit3A, %eq3A : i32
    %jit3A_2 = arith.constant 1 : i32
    %select_n3A = arith.select %eq3A_1, %jit3A_2, %jit3A : i32
    %rem3A = arith.remsi %add3A, %select_n3A : i32
    %ne3A = arith.constant 0 : i32
    %ne3A_3 = arith.cmpi ne, %rem3A, %ne3A : i32
    %lt3A = arith.constant 0 : i32
    %lt3A_4 = arith.cmpi slt, %rem3A, %lt3A : i32
    %lt3A_5 = arith.constant 0 : i32
    %lt3A_6 = arith.cmpi slt, %select_n3A, %lt3A_5 : i32
    %ne3A_7 = arith.xori %lt3A_4, %lt3A_6 : i1
    %and3A = arith.andi %ne3A_7, %ne3A_3 : i1
    %add3A_8 = arith.addi %rem3A, %select_n3A : i32
    %select_n3A_9 = arith.select %and3A, %add3A_8, %rem3A : i32
    %mul3A_10 = arith.constant 128 : i32
    %mul3A_11 = arith.muli %select_n3A_9, %mul3A_10 : i32
    %jit3A_12 = arith.constant 16 : i32
    %div3A = arith.divsi %add3A, %jit3A_12 : i32
    %sign3A = arith.constant 0 : i32
    %sign3A_13 = arith.cmpi sgt, %add3A, %sign3A : i32
    %sign3A_14 = arith.extui %sign3A_13 : i1 to i32
    %sign3A_15 = arith.constant 0 : i32
    %sign3A_16 = arith.cmpi slt, %add3A, %sign3A_15 : i32
    %sign3A_17 = arith.extui %sign3A_16 : i1 to i32
    %sign3A_18 = arith.subi %sign3A_14, %sign3A_17 : i32
    %sign3A_19 = arith.constant 0 : i32
    %sign3A_20 = arith.cmpi sgt, %jit3A_12, %sign3A_19 : i32
    %sign3A_21 = arith.extui %sign3A_20 : i1 to i32
    %sign3A_22 = arith.constant 0 : i32
    %sign3A_23 = arith.cmpi slt, %jit3A_12, %sign3A_22 : i32
    %sign3A_24 = arith.extui %sign3A_23 : i1 to i32
    %sign3A_25 = arith.subi %sign3A_21, %sign3A_24 : i32
    %ne3A_26 = arith.cmpi ne, %sign3A_18, %sign3A_25 : i32
    %rem3A_27 = arith.remsi %add3A, %jit3A_12 : i32
    %ne3A_28 = arith.constant 0 : i32
    %ne3A_29 = arith.cmpi ne, %rem3A_27, %ne3A_28 : i32
    %and3A_30 = arith.andi %ne3A_26, %ne3A_29 : i1
    %sub3A = arith.constant 1 : i32
    %sub3A_31 = arith.subi %div3A, %sub3A : i32
    %select_n3A_32 = arith.select %and3A_30, %sub3A_31, %div3A : i32
    %mul3A_33 = arith.constant 64 : i32
    %mul3A_34 = arith.muli %select_n3A_32, %mul3A_33 : i32
    "tpu.region"() ({
      %run_scoped3A_66 = tpu.sem_alloc : memref<!tpu.dma_semaphore, #tpu.memory_space<semaphore_mem>>
      %dma_start3A_67 = arith.constant 0 : i32
      %dma_start3A_68 = arith.constant 0 : i32
      %dma_start3A_69 = tpu.memref_slice %arg2[%add3A, %dma_start3A_67, %dma_start3A_68] : memref<32x50x128xi32, #tpu.memory_space<hbm>> -> memref<1x50x128xi32, #tpu.memory_space<hbm>>
      %dma_start3A_70 = tpu.memref_squeeze %dma_start3A_69 : memref<1x50x128xi32, #tpu.memory_space<hbm>> -> memref<50x128xi32, #tpu.memory_space<hbm>>
      %dma_start3A_71 = arith.constant 0 : i32
      %dma_start3A_72 = arith.constant 0 : i32
      %dma_start3A_73 = tpu.memref_slice %arg2[%add3A, %dma_start3A_71, %dma_start3A_72] : memref<32x50x128xi32, #tpu.memory_space<hbm>> -> memref<1x50x128xi32, #tpu.memory_space<hbm>>
      %dma_start3A_74 = tpu.memref_squeeze %dma_start3A_73 : memref<1x50x128xi32, #tpu.memory_space<hbm>> -> memref<50x128xi32, #tpu.memory_space<hbm>>
      tpu.enqueue_dma source(%dma_start3A_74 : memref<50x128xi32, #tpu.memory_space<hbm>>) target(%arg5 : memref<50x128xi32, #tpu.memory_space<vmem>>) target_semaphore(%run_scoped3A_66 : memref<!tpu.dma_semaphore, #tpu.memory_space<semaphore_mem>>)
      %dma_wait3A_75 = arith.constant 0 : i32
      %dma_wait3A_76 = arith.constant 0 : i32
      %dma_wait3A_77 = tpu.memref_slice %arg2[%add3A, %dma_wait3A_75, %dma_wait3A_76] : memref<32x50x128xi32, #tpu.memory_space<hbm>> -> memref<1x50x128xi32, #tpu.memory_space<hbm>>
      %dma_wait3A_78 = tpu.memref_squeeze %dma_wait3A_77 : memref<1x50x128xi32, #tpu.memory_space<hbm>> -> memref<50x128xi32, #tpu.memory_space<hbm>>
      %dma_wait3A_79 = arith.constant 0 : i32
      %dma_wait3A_80 = arith.constant 0 : i32
      %dma_wait3A_81 = tpu.memref_slice %arg2[%add3A, %dma_wait3A_79, %dma_wait3A_80] : memref<32x50x128xi32, #tpu.memory_space<hbm>> -> memref<1x50x128xi32, #tpu.memory_space<hbm>>
      %dma_wait3A_82 = tpu.memref_squeeze %dma_wait3A_81 : memref<1x50x128xi32, #tpu.memory_space<hbm>> -> memref<50x128xi32, #tpu.memory_space<hbm>>
      tpu.wait_dma2 semaphore(%run_scoped3A_66 : memref<!tpu.dma_semaphore, #tpu.memory_space<semaphore_mem>>) src(%dma_wait3A_82 : memref<50x128xi32, #tpu.memory_space<hbm>>) dst(%arg5 : memref<50x128xi32, #tpu.memory_space<vmem>>)
      tpu.yield
    }) : () -> ()
    %dma_start3A = arith.constant 0 : i32
    %dma_start3A_35 = arith.constant 0 : i32
    %dma_start3A_36 = tpu.memref_slice %arg5[%dma_start3A, %dma_start3A_35] : memref<50x128xi32, #tpu.memory_space<vmem>> -> memref<1x128xi32, #tpu.memory_space<vmem>>
    %dma_start3A_37 = tpu.memref_squeeze %dma_start3A_36 : memref<1x128xi32, #tpu.memory_space<vmem>> -> memref<128xi32, #tpu.memory_space<vmem>>
    %dma_start3A_38 = arith.constant 0 : i32
    %dma_start3A_39 = arith.constant 0 : i32
    %dma_start3A_40 = tpu.memref_slice %arg3[%dma_start3A_38, %dma_start3A_39] : memref<1024000x64xf32, #tpu.memory_space<hbm>> -> memref<1024000x64xf32, #tpu.memory_space<hbm>>
    tpu.enqueue_indirect_dma source(%dma_start3A_40 : memref<1024000x64xf32, #tpu.memory_space<hbm>>) target(%arg6 : memref<128x64xf32, #tpu.memory_space<vmem>>) offsets(%dma_start3A_37 : memref<128xi32, #tpu.memory_space<vmem>>) semaphore(%arg8 : memref<!tpu.dma_semaphore, #tpu.memory_space<semaphore_mem>>)
    %dma_start3A_41 = arith.constant 1 : i32
    %dma_start3A_42 = arith.constant 0 : i32
    %dma_start3A_43 = tpu.memref_slice %arg5[%dma_start3A_41, %dma_start3A_42] : memref<50x128xi32, #tpu.memory_space<vmem>> -> memref<1x128xi32, #tpu.memory_space<vmem>>
    %dma_start3A_44 = tpu.memref_squeeze %dma_start3A_43 : memref<1x128xi32, #tpu.memory_space<vmem>> -> memref<128xi32, #tpu.memory_space<vmem>>
    %dma_start3A_45 = arith.constant 0 : i32
    %dma_start3A_46 = arith.constant 0 : i32
    %dma_start3A_47 = tpu.memref_slice %arg3[%dma_start3A_45, %dma_start3A_46] : memref<1024000x64xf32, #tpu.memory_space<hbm>> -> memref<1024000x64xf32, #tpu.memory_space<hbm>>
    tpu.enqueue_indirect_dma source(%dma_start3A_47 : memref<1024000x64xf32, #tpu.memory_space<hbm>>) target(%arg7 : memref<128x64xf32, #tpu.memory_space<vmem>>) offsets(%dma_start3A_44 : memref<128xi32, #tpu.memory_space<vmem>>) semaphore(%arg9 : memref<!tpu.dma_semaphore, #tpu.memory_space<semaphore_mem>>)
    %scan3A = arith.constant 0 : i32
    %scan3A_48 = arith.constant 24 : i32
    %scan3A_49 = arith.addi %scan3A, %scan3A_48 : i32
    %scan3A_50 = arith.constant 1 : i32
    scf.for %scan3A_66 = %scan3A to %scan3A_49 step %scan3A_50  : i32 {
      %mul3A_67 = arith.constant 1 : i32
      %mul3A_68 = arith.muli %scan3A_66, %mul3A_67 : i32
      %add3A_69 = arith.constant 0 : i32
      %add3A_70 = arith.addi %add3A_69, %mul3A_68 : i32
      %mul3A_71 = arith.constant 2 : i32
      %mul3A_72 = arith.muli %add3A_70, %mul3A_71 : i32
      %add3A_73 = arith.constant 0 : i32
      %add3A_74 = arith.addi %mul3A_72, %add3A_73 : i32
      %dma_wait3A_75 = arith.constant 0 : i32
      %dma_wait3A_76 = tpu.memref_slice %arg5[%add3A_74, %dma_wait3A_75] : memref<50x128xi32, #tpu.memory_space<vmem>> -> memref<1x128xi32, #tpu.memory_space<vmem>>
      %dma_wait3A_77 = tpu.memref_squeeze %dma_wait3A_76 : memref<1x128xi32, #tpu.memory_space<vmem>> -> memref<128xi32, #tpu.memory_space<vmem>>
      %dma_wait3A_78 = arith.constant 0 : i32
      %dma_wait3A_79 = arith.constant 0 : i32
      %dma_wait3A_80 = tpu.memref_slice %arg3[%dma_wait3A_78, %dma_wait3A_79] : memref<1024000x64xf32, #tpu.memory_space<hbm>> -> memref<1024000x64xf32, #tpu.memory_space<hbm>>
      tpu.wait_indirect_dma semaphore(%arg8 : memref<!tpu.dma_semaphore, #tpu.memory_space<semaphore_mem>>) src(%dma_wait3A_80 : memref<1024000x64xf32, #tpu.memory_space<hbm>>) dst(%arg6 : memref<128x64xf32, #tpu.memory_space<vmem>>)
      "tpu.region"() ({
        %run_scoped3A_109 = tpu.sem_alloc : memref<!tpu.dma_semaphore, #tpu.memory_space<semaphore_mem>>
        %dma_start3A_110 = tpu.memref_slice %arg4[%add3A_74, %mul3A_11, %mul3A_34] : memref<50x2048x128xf32, #tpu.memory_space<hbm>> -> memref<1x128x64xf32, #tpu.memory_space<hbm>>
        %dma_start3A_111 = tpu.memref_squeeze %dma_start3A_110 : memref<1x128x64xf32, #tpu.memory_space<hbm>> -> memref<128x64xf32, #tpu.memory_space<hbm>>
        %dma_start3A_112 = tpu.memref_slice %arg4[%add3A_74, %mul3A_11, %mul3A_34] : memref<50x2048x128xf32, #tpu.memory_space<hbm>> -> memref<1x128x64xf32, #tpu.memory_space<hbm>>
        %dma_start3A_113 = tpu.memref_squeeze %dma_start3A_112 : memref<1x128x64xf32, #tpu.memory_space<hbm>> -> memref<128x64xf32, #tpu.memory_space<hbm>>
        tpu.enqueue_dma source(%arg6 : memref<128x64xf32, #tpu.memory_space<vmem>>) target(%dma_start3A_113 : memref<128x64xf32, #tpu.memory_space<hbm>>) target_semaphore(%run_scoped3A_109 : memref<!tpu.dma_semaphore, #tpu.memory_space<semaphore_mem>>)
        %dma_wait3A_114 = tpu.memref_slice %arg4[%add3A_74, %mul3A_11, %mul3A_34] : memref<50x2048x128xf32, #tpu.memory_space<hbm>> -> memref<1x128x64xf32, #tpu.memory_space<hbm>>
        %dma_wait3A_115 = tpu.memref_squeeze %dma_wait3A_114 : memref<1x128x64xf32, #tpu.memory_space<hbm>> -> memref<128x64xf32, #tpu.memory_space<hbm>>
        %dma_wait3A_116 = tpu.memref_slice %arg4[%add3A_74, %mul3A_11, %mul3A_34] : memref<50x2048x128xf32, #tpu.memory_space<hbm>> -> memref<1x128x64xf32, #tpu.memory_space<hbm>>
        %dma_wait3A_117 = tpu.memref_squeeze %dma_wait3A_116 : memref<1x128x64xf32, #tpu.memory_space<hbm>> -> memref<128x64xf32, #tpu.memory_space<hbm>>
        tpu.wait_dma2 semaphore(%run_scoped3A_109 : memref<!tpu.dma_semaphore, #tpu.memory_space<semaphore_mem>>) src(%arg6 : memref<128x64xf32, #tpu.memory_space<vmem>>) dst(%dma_wait3A_117 : memref<128x64xf32, #tpu.memory_space<hbm>>)
        tpu.yield
      }) : () -> ()
      %add3A_81 = arith.constant 0 : i32
      %add3A_82 = arith.addi %mul3A_72, %add3A_81 : i32
      %add3A_83 = arith.constant 2 : i32
      %add3A_84 = arith.addi %add3A_82, %add3A_83 : i32
      %dma_start3A_85 = arith.constant 0 : i32
      %dma_start3A_86 = tpu.memref_slice %arg5[%add3A_84, %dma_start3A_85] : memref<50x128xi32, #tpu.memory_space<vmem>> -> memref<1x128xi32, #tpu.memory_space<vmem>>
      %dma_start3A_87 = tpu.memref_squeeze %dma_start3A_86 : memref<1x128xi32, #tpu.memory_space<vmem>> -> memref<128xi32, #tpu.memory_space<vmem>>
      %dma_start3A_88 = arith.constant 0 : i32
      %dma_start3A_89 = arith.constant 0 : i32
      %dma_start3A_90 = tpu.memref_slice %arg3[%dma_start3A_88, %dma_start3A_89] : memref<1024000x64xf32, #tpu.memory_space<hbm>> -> memref<1024000x64xf32, #tpu.memory_space<hbm>>
      tpu.enqueue_indirect_dma source(%dma_start3A_90 : memref<1024000x64xf32, #tpu.memory_space<hbm>>) target(%arg6 : memref<128x64xf32, #tpu.memory_space<vmem>>) offsets(%dma_start3A_87 : memref<128xi32, #tpu.memory_space<vmem>>) semaphore(%arg8 : memref<!tpu.dma_semaphore, #tpu.memory_space<semaphore_mem>>)
      %add3A_91 = arith.constant 1 : i32
      %add3A_92 = arith.addi %mul3A_72, %add3A_91 : i32
      %dma_wait3A_93 = arith.constant 0 : i32
      %dma_wait3A_94 = tpu.memref_slice %arg5[%add3A_92, %dma_wait3A_93] : memref<50x128xi32, #tpu.memory_space<vmem>> -> memref<1x128xi32, #tpu.memory_space<vmem>>
      %dma_wait3A_95 = tpu.memref_squeeze %dma_wait3A_94 : memref<1x128xi32, #tpu.memory_space<vmem>> -> memref<128xi32, #tpu.memory_space<vmem>>
      %dma_wait3A_96 = arith.constant 0 : i32
      %dma_wait3A_97 = arith.constant 0 : i32
      %dma_wait3A_98 = tpu.memref_slice %arg3[%dma_wait3A_96, %dma_wait3A_97] : memref<1024000x64xf32, #tpu.memory_space<hbm>> -> memref<1024000x64xf32, #tpu.memory_space<hbm>>
      tpu.wait_indirect_dma semaphore(%arg9 : memref<!tpu.dma_semaphore, #tpu.memory_space<semaphore_mem>>) src(%dma_wait3A_98 : memref<1024000x64xf32, #tpu.memory_space<hbm>>) dst(%arg7 : memref<128x64xf32, #tpu.memory_space<vmem>>)
      "tpu.region"() ({
        %run_scoped3A_109 = tpu.sem_alloc : memref<!tpu.dma_semaphore, #tpu.memory_space<semaphore_mem>>
        %dma_start3A_110 = tpu.memref_slice %arg4[%add3A_92, %mul3A_11, %mul3A_34] : memref<50x2048x128xf32, #tpu.memory_space<hbm>> -> memref<1x128x64xf32, #tpu.memory_space<hbm>>
        %dma_start3A_111 = tpu.memref_squeeze %dma_start3A_110 : memref<1x128x64xf32, #tpu.memory_space<hbm>> -> memref<128x64xf32, #tpu.memory_space<hbm>>
        %dma_start3A_112 = tpu.memref_slice %arg4[%add3A_92, %mul3A_11, %mul3A_34] : memref<50x2048x128xf32, #tpu.memory_space<hbm>> -> memref<1x128x64xf32, #tpu.memory_space<hbm>>
        %dma_start3A_113 = tpu.memref_squeeze %dma_start3A_112 : memref<1x128x64xf32, #tpu.memory_space<hbm>> -> memref<128x64xf32, #tpu.memory_space<hbm>>
        tpu.enqueue_dma source(%arg7 : memref<128x64xf32, #tpu.memory_space<vmem>>) target(%dma_start3A_113 : memref<128x64xf32, #tpu.memory_space<hbm>>) target_semaphore(%run_scoped3A_109 : memref<!tpu.dma_semaphore, #tpu.memory_space<semaphore_mem>>)
        %dma_wait3A_114 = tpu.memref_slice %arg4[%add3A_92, %mul3A_11, %mul3A_34] : memref<50x2048x128xf32, #tpu.memory_space<hbm>> -> memref<1x128x64xf32, #tpu.memory_space<hbm>>
        %dma_wait3A_115 = tpu.memref_squeeze %dma_wait3A_114 : memref<1x128x64xf32, #tpu.memory_space<hbm>> -> memref<128x64xf32, #tpu.memory_space<hbm>>
        %dma_wait3A_116 = tpu.memref_slice %arg4[%add3A_92, %mul3A_11, %mul3A_34] : memref<50x2048x128xf32, #tpu.memory_space<hbm>> -> memref<1x128x64xf32, #tpu.memory_space<hbm>>
        %dma_wait3A_117 = tpu.memref_squeeze %dma_wait3A_116 : memref<1x128x64xf32, #tpu.memory_space<hbm>> -> memref<128x64xf32, #tpu.memory_space<hbm>>
        tpu.wait_dma2 semaphore(%run_scoped3A_109 : memref<!tpu.dma_semaphore, #tpu.memory_space<semaphore_mem>>) src(%arg7 : memref<128x64xf32, #tpu.memory_space<vmem>>) dst(%dma_wait3A_117 : memref<128x64xf32, #tpu.memory_space<hbm>>)
        tpu.yield
      }) : () -> ()
      %add3A_99 = arith.constant 1 : i32
      %add3A_100 = arith.addi %mul3A_72, %add3A_99 : i32
      %add3A_101 = arith.constant 2 : i32
      %add3A_102 = arith.addi %add3A_100, %add3A_101 : i32
      %dma_start3A_103 = arith.constant 0 : i32
      %dma_start3A_104 = tpu.memref_slice %arg5[%add3A_102, %dma_start3A_103] : memref<50x128xi32, #tpu.memory_space<vmem>> -> memref<1x128xi32, #tpu.memory_space<vmem>>
      %dma_start3A_105 = tpu.memref_squeeze %dma_start3A_104 : memref<1x128xi32, #tpu.memory_space<vmem>> -> memref<128xi32, #tpu.memory_space<vmem>>
      %dma_start3A_106 = arith.constant 0 : i32
      %dma_start3A_107 = arith.constant 0 : i32
      %dma_start3A_108 = tpu.memref_slice %arg3[%dma_start3A_106, %dma_start3A_107] : memref<1024000x64xf32, #tpu.memory_space<hbm>> -> memref<1024000x64xf32, #tpu.memory_space<hbm>>
      tpu.enqueue_indirect_dma source(%dma_start3A_108 : memref<1024000x64xf32, #tpu.memory_space<hbm>>) target(%arg7 : memref<128x64xf32, #tpu.memory_space<vmem>>) offsets(%dma_start3A_105 : memref<128xi32, #tpu.memory_space<vmem>>) semaphore(%arg9 : memref<!tpu.dma_semaphore, #tpu.memory_space<semaphore_mem>>)
    }
    %scan3A_51 = arith.constant 24 : i32
    %dma_wait3A = arith.constant 48 : i32
    %dma_wait3A_52 = arith.constant 0 : i32
    %dma_wait3A_53 = tpu.memref_slice %arg5[%dma_wait3A, %dma_wait3A_52] : memref<50x128xi32, #tpu.memory_space<vmem>> -> memref<1x128xi32, #tpu.memory_space<vmem>>
    %dma_wait3A_54 = tpu.memref_squeeze %dma_wait3A_53 : memref<1x128xi32, #tpu.memory_space<vmem>> -> memref<128xi32, #tpu.memory_space<vmem>>
    %dma_wait3A_55 = arith.constant 0 : i32
    %dma_wait3A_56 = arith.constant 0 : i32
    %dma_wait3A_57 = tpu.memref_slice %arg3[%dma_wait3A_55, %dma_wait3A_56] : memref<1024000x64xf32, #tpu.memory_space<hbm>> -> memref<1024000x64xf32, #tpu.memory_space<hbm>>
    tpu.wait_indirect_dma semaphore(%arg8 : memref<!tpu.dma_semaphore, #tpu.memory_space<semaphore_mem>>) src(%dma_wait3A_57 : memref<1024000x64xf32, #tpu.memory_space<hbm>>) dst(%arg6 : memref<128x64xf32, #tpu.memory_space<vmem>>)
    %run_scoped3A = arith.constant 48 : i32
    "tpu.region"() ({
      %run_scoped3A_66 = tpu.sem_alloc : memref<!tpu.dma_semaphore, #tpu.memory_space<semaphore_mem>>
      %dma_start3A_67 = tpu.memref_slice %arg4[%run_scoped3A, %mul3A_11, %mul3A_34] : memref<50x2048x128xf32, #tpu.memory_space<hbm>> -> memref<1x128x64xf32, #tpu.memory_space<hbm>>
      %dma_start3A_68 = tpu.memref_squeeze %dma_start3A_67 : memref<1x128x64xf32, #tpu.memory_space<hbm>> -> memref<128x64xf32, #tpu.memory_space<hbm>>
      %dma_start3A_69 = tpu.memref_slice %arg4[%run_scoped3A, %mul3A_11, %mul3A_34] : memref<50x2048x128xf32, #tpu.memory_space<hbm>> -> memref<1x128x64xf32, #tpu.memory_space<hbm>>
      %dma_start3A_70 = tpu.memref_squeeze %dma_start3A_69 : memref<1x128x64xf32, #tpu.memory_space<hbm>> -> memref<128x64xf32, #tpu.memory_space<hbm>>
      tpu.enqueue_dma source(%arg6 : memref<128x64xf32, #tpu.memory_space<vmem>>) target(%dma_start3A_70 : memref<128x64xf32, #tpu.memory_space<hbm>>) target_semaphore(%run_scoped3A_66 : memref<!tpu.dma_semaphore, #tpu.memory_space<semaphore_mem>>)
      %dma_wait3A_71 = tpu.memref_slice %arg4[%run_scoped3A, %mul3A_11, %mul3A_34] : memref<50x2048x128xf32, #tpu.memory_space<hbm>> -> memref<1x128x64xf32, #tpu.memory_space<hbm>>
      %dma_wait3A_72 = tpu.memref_squeeze %dma_wait3A_71 : memref<1x128x64xf32, #tpu.memory_space<hbm>> -> memref<128x64xf32, #tpu.memory_space<hbm>>
      %dma_wait3A_73 = tpu.memref_slice %arg4[%run_scoped3A, %mul3A_11, %mul3A_34] : memref<50x2048x128xf32, #tpu.memory_space<hbm>> -> memref<1x128x64xf32, #tpu.memory_space<hbm>>
      %dma_wait3A_74 = tpu.memref_squeeze %dma_wait3A_73 : memref<1x128x64xf32, #tpu.memory_space<hbm>> -> memref<128x64xf32, #tpu.memory_space<hbm>>
      tpu.wait_dma2 semaphore(%run_scoped3A_66 : memref<!tpu.dma_semaphore, #tpu.memory_space<semaphore_mem>>) src(%arg6 : memref<128x64xf32, #tpu.memory_space<vmem>>) dst(%dma_wait3A_74 : memref<128x64xf32, #tpu.memory_space<hbm>>)
      tpu.yield
    }) : () -> ()
    %dma_wait3A_58 = arith.constant 49 : i32
    %dma_wait3A_59 = arith.constant 0 : i32
    %dma_wait3A_60 = tpu.memref_slice %arg5[%dma_wait3A_58, %dma_wait3A_59] : memref<50x128xi32, #tpu.memory_space<vmem>> -> memref<1x128xi32, #tpu.memory_space<vmem>>
    %dma_wait3A_61 = tpu.memref_squeeze %dma_wait3A_60 : memref<1x128xi32, #tpu.memory_space<vmem>> -> memref<128xi32, #tpu.memory_space<vmem>>
    %dma_wait3A_62 = arith.constant 0 : i32
    %dma_wait3A_63 = arith.constant 0 : i32
    %dma_wait3A_64 = tpu.memref_slice %arg3[%dma_wait3A_62, %dma_wait3A_63] : memref<1024000x64xf32, #tpu.memory_space<hbm>> -> memref<1024000x64xf32, #tpu.memory_space<hbm>>
    tpu.wait_indirect_dma semaphore(%arg9 : memref<!tpu.dma_semaphore, #tpu.memory_space<semaphore_mem>>) src(%dma_wait3A_64 : memref<1024000x64xf32, #tpu.memory_space<hbm>>) dst(%arg7 : memref<128x64xf32, #tpu.memory_space<vmem>>)
    %run_scoped3A_65 = arith.constant 49 : i32
    "tpu.region"() ({
      %run_scoped3A_66 = tpu.sem_alloc : memref<!tpu.dma_semaphore, #tpu.memory_space<semaphore_mem>>
      %dma_start3A_67 = tpu.memref_slice %arg4[%run_scoped3A_65, %mul3A_11, %mul3A_34] : memref<50x2048x128xf32, #tpu.memory_space<hbm>> -> memref<1x128x64xf32, #tpu.memory_space<hbm>>
      %dma_start3A_68 = tpu.memref_squeeze %dma_start3A_67 : memref<1x128x64xf32, #tpu.memory_space<hbm>> -> memref<128x64xf32, #tpu.memory_space<hbm>>
      %dma_start3A_69 = tpu.memref_slice %arg4[%run_scoped3A_65, %mul3A_11, %mul3A_34] : memref<50x2048x128xf32, #tpu.memory_space<hbm>> -> memref<1x128x64xf32, #tpu.memory_space<hbm>>
      %dma_start3A_70 = tpu.memref_squeeze %dma_start3A_69 : memref<1x128x64xf32, #tpu.memory_space<hbm>> -> memref<128x64xf32, #tpu.memory_space<hbm>>
      tpu.enqueue_dma source(%arg7 : memref<128x64xf32, #tpu.memory_space<vmem>>) target(%dma_start3A_70 : memref<128x64xf32, #tpu.memory_space<hbm>>) target_semaphore(%run_scoped3A_66 : memref<!tpu.dma_semaphore, #tpu.memory_space<semaphore_mem>>)
      %dma_wait3A_71 = tpu.memref_slice %arg4[%run_scoped3A_65, %mul3A_11, %mul3A_34] : memref<50x2048x128xf32, #tpu.memory_space<hbm>> -> memref<1x128x64xf32, #tpu.memory_space<hbm>>
      %dma_wait3A_72 = tpu.memref_squeeze %dma_wait3A_71 : memref<1x128x64xf32, #tpu.memory_space<hbm>> -> memref<128x64xf32, #tpu.memory_space<hbm>>
      %dma_wait3A_73 = tpu.memref_slice %arg4[%run_scoped3A_65, %mul3A_11, %mul3A_34] : memref<50x2048x128xf32, #tpu.memory_space<hbm>> -> memref<1x128x64xf32, #tpu.memory_space<hbm>>
      %dma_wait3A_74 = tpu.memref_squeeze %dma_wait3A_73 : memref<1x128x64xf32, #tpu.memory_space<hbm>> -> memref<128x64xf32, #tpu.memory_space<hbm>>
      tpu.wait_dma2 semaphore(%run_scoped3A_66 : memref<!tpu.dma_semaphore, #tpu.memory_space<semaphore_mem>>) src(%arg7 : memref<128x64xf32, #tpu.memory_space<vmem>>) dst(%dma_wait3A_74 : memref<128x64xf32, #tpu.memory_space<hbm>>)
      tpu.yield
    }) : () -> ()
    return
  }
}

module attributes {stable_mosaic.version = 14 : i64} {
  func.func @_prep_body(%arg0: i32, %arg1: memref<64x25600xf32, #tpu.memory_space<vmem>>, %arg2: memref<64x64xbf16, #tpu.memory_space<vmem>>, %arg3: memref<1x64xf32, #tpu.memory_space<vmem>>, %arg4: memref<12800x128xf32, #tpu.memory_space<vmem>>) attributes {dimension_semantics = [#tpu.dimension_semantics<arbitrary>], iteration_bounds = array<i64: 40>, scalar_prefetch = 0 : i64, scratch_operands = 0 : i64, tpu.core_type = #tpu.core_type<tc>, window_params = [{transform_indices = @transform_0, window_bounds = array<i64: 64, 25600>}, {pipeline_mode = #tpu.pipeline_mode<synchronous>, transform_indices = @transform_1, window_bounds = array<i64: 64, 64>}, {pipeline_mode = #tpu.pipeline_mode<synchronous>, transform_indices = @transform_2, window_bounds = array<i64: 1, 64>}, {transform_indices = @transform_3, window_bounds = array<i64: 12800, 128>}]} {
    %get3A = arith.constant 0 : index
    %get3A_0 = arith.constant 0 : index
    %get3A_1 = vector.load %arg3[%get3A, %get3A_0] : memref<1x64xf32, #tpu.memory_space<vmem>>, vector<1x64xf32>
    %get3A_2 = arith.constant 0 : index
    %get3A_3 = arith.constant 0 : index
    %get3A_4 = vector.load %arg1[%get3A_2, %get3A_3] : memref<64x25600xf32, #tpu.memory_space<vmem>>, vector<64x25600xf32>
    %convert_element_type3A = arith.truncf %get3A_4 : vector<64x25600xf32> to vector<64x25600xbf16>
    %get3A_5 = arith.constant 0 : index
    %get3A_6 = arith.constant 0 : index
    %get3A_7 = vector.load %arg2[%get3A_5, %get3A_6] : memref<64x64xbf16, #tpu.memory_space<vmem>>, vector<64x64xbf16>
    %dot_general3A = arith.constant dense<0.000000e+00> : vector<25600x64xf32>
    %dot_general3A_8 = tpu.matmul %convert_element_type3A, %get3A_7, %dot_general3A {dimension_numbers = #tpu.dot_dimension_numbers<[0], [1], [1], [0], [0, 1, 1, 0], [], []>, transpose_lhs_hint = false} : vector<64x25600xbf16>, vector<64x64xbf16>, vector<25600x64xf32> -> vector<25600x64xf32>
    %add3A = vector.broadcast %get3A_1 : vector<1x64xf32> to vector<25600x64xf32>
    %add3A_9 = arith.addf %dot_general3A_8, %add3A : vector<25600x64xf32>
    %slice3A = vector.extract_strided_slice %add3A_9 {offsets = [0, 0], sizes = [12800, 64], strides = [1, 1]} : vector<25600x64xf32> to vector<12800x64xf32>
    %swap3A = arith.constant 0 : index
    %swap3A_10 = arith.constant 0 : index
    %swap3A_11 = vector.load %arg4[%swap3A, %swap3A_10] : memref<12800x128xf32, #tpu.memory_space<vmem>>, vector<12800x64xf32>
    tpu.vector_store %arg4[%swap3A, %swap3A_10], %slice3A {strides = array<i32>} : memref<12800x128xf32, #tpu.memory_space<vmem>>, vector<12800x64xf32>,
    %slice3A_12 = vector.extract_strided_slice %add3A_9 {offsets = [12800, 0], sizes = [12800, 64], strides = [1, 1]} : vector<25600x64xf32> to vector<12800x64xf32>
    %swap3A_13 = arith.constant 0 : index
    %swap3A_14 = arith.constant 64 : index
    %swap3A_15 = vector.load %arg4[%swap3A_13, %swap3A_14] : memref<12800x128xf32, #tpu.memory_space<vmem>>, vector<12800x64xf32>
    tpu.vector_store %arg4[%swap3A_13, %swap3A_14], %slice3A_12 {strides = array<i32>} : memref<12800x128xf32, #tpu.memory_space<vmem>>, vector<12800x64xf32>,
    return
  }
  func.func @transform_0(%arg0: i32) -> (i32, i32) {
    %c0_i32 = arith.constant 0 : i32
    %c0_i32_0 = arith.constant 0 : i32
    return %c0_i32, %arg0 : i32, i32
  }
  func.func @transform_1(%arg0: i32) -> (i32, i32) {
    %c0_i32 = arith.constant 0 : i32
    %c0_i32_0 = arith.constant 0 : i32
    %c0_i32_1 = arith.constant 0 : i32
    return %c0_i32, %c0_i32_0 : i32, i32
  }
  func.func @transform_2(%arg0: i32) -> (i32, i32) {
    %c0_i32 = arith.constant 0 : i32
    %c0_i32_0 = arith.constant 0 : i32
    %c0_i32_1 = arith.constant 0 : i32
    return %c0_i32, %c0_i32_0 : i32, i32
  }
  func.func @transform_3(%arg0: i32) -> (i32, i32) {
    %c0_i32 = arith.constant 0 : i32
    %c0_i32_0 = arith.constant 0 : i32
    return %arg0, %c0_i32 : i32, i32
  }
}

module attributes {stable_mosaic.version = 14 : i64} {
  func.func @_transpose_body(%arg0: i32, %arg1: memref<5x2048x128xf32, #tpu.memory_space<vmem>>, %arg2: memref<128x128xbf16, #tpu.memory_space<vmem>>, %arg3: memref<5x64x4096xf32, #tpu.memory_space<vmem>>) attributes {dimension_semantics = [#tpu.dimension_semantics<arbitrary>], iteration_bounds = array<i64: 10>, scalar_prefetch = 0 : i64, scratch_operands = 0 : i64, tpu.core_type = #tpu.core_type<tc>, window_params = [{transform_indices = @transform_0, window_bounds = array<i64: 5, 2048, 128>}, {pipeline_mode = #tpu.pipeline_mode<synchronous>, transform_indices = @transform_1, window_bounds = array<i64: 128, 128>}, {transform_indices = @transform_2, window_bounds = array<i64: 5, 64, 4096>}]} {
    %get3A = arith.constant 0 : index
    %get3A_0 = arith.constant 0 : index
    %get3A_1 = arith.constant 0 : index
    %get3A_2 = vector.load %arg1[%get3A, %get3A_0, %get3A_1] : memref<5x2048x128xf32, #tpu.memory_space<vmem>>, vector<1x2048x128xf32>
    %get3A_3 = vector.shape_cast %get3A_2 : vector<1x2048x128xf32> to vector<2048x128xf32>
    %convert_element_type3A = arith.truncf %get3A_3 : vector<2048x128xf32> to vector<2048x128xbf16>
    %get3A_4 = arith.constant 0 : index
    %get3A_5 = arith.constant 0 : index
    %get3A_6 = vector.load %arg2[%get3A_4, %get3A_5] : memref<128x128xbf16, #tpu.memory_space<vmem>>, vector<128x128xbf16>
    %dot_general3A = arith.constant dense<0.000000e+00> : vector<128x2048xf32>
    %dot_general3A_7 = tpu.matmul %get3A_6, %convert_element_type3A, %dot_general3A {dimension_numbers = #tpu.dot_dimension_numbers<[1], [1], [0], [0], [0, 0, 1, 0], [], []>, transpose_lhs_hint = false} : vector<128x128xbf16>, vector<2048x128xbf16>, vector<128x2048xf32> -> vector<128x2048xf32>
    %slice3A = vector.extract_strided_slice %dot_general3A_7 {offsets = [0, 0], sizes = [64, 2048], strides = [1, 1]} : vector<128x2048xf32> to vector<64x2048xf32>
    %swap3A = arith.constant 0 : index
    %swap3A_8 = arith.constant 0 : index
    %swap3A_9 = arith.constant 0 : index
    %swap3A_10 = vector.load %arg3[%swap3A, %swap3A_8, %swap3A_9] : memref<5x64x4096xf32, #tpu.memory_space<vmem>>, vector<1x64x2048xf32>
    %swap3A_11 = vector.shape_cast %swap3A_10 : vector<1x64x2048xf32> to vector<64x2048xf32>
    %swap3A_12 = vector.shape_cast %slice3A : vector<64x2048xf32> to vector<1x64x2048xf32>
    tpu.vector_store %arg3[%swap3A, %swap3A_8, %swap3A_9], %swap3A_12 {strides = array<i32>} : memref<5x64x4096xf32, #tpu.memory_space<vmem>>, vector<1x64x2048xf32>,
    %slice3A_13 = vector.extract_strided_slice %dot_general3A_7 {offsets = [64, 0], sizes = [64, 2048], strides = [1, 1]} : vector<128x2048xf32> to vector<64x2048xf32>
    %swap3A_14 = arith.constant 0 : index
    %swap3A_15 = arith.constant 0 : index
    %swap3A_16 = arith.constant 2048 : index
    %swap3A_17 = vector.load %arg3[%swap3A_14, %swap3A_15, %swap3A_16] : memref<5x64x4096xf32, #tpu.memory_space<vmem>>, vector<1x64x2048xf32>
    %swap3A_18 = vector.shape_cast %swap3A_17 : vector<1x64x2048xf32> to vector<64x2048xf32>
    %swap3A_19 = vector.shape_cast %slice3A_13 : vector<64x2048xf32> to vector<1x64x2048xf32>
    tpu.vector_store %arg3[%swap3A_14, %swap3A_15, %swap3A_16], %swap3A_19 {strides = array<i32>} : memref<5x64x4096xf32, #tpu.memory_space<vmem>>, vector<1x64x2048xf32>,
    %get3A_20 = arith.constant 1 : index
    %get3A_21 = arith.constant 0 : index
    %get3A_22 = arith.constant 0 : index
    %get3A_23 = vector.load %arg1[%get3A_20, %get3A_21, %get3A_22] : memref<5x2048x128xf32, #tpu.memory_space<vmem>>, vector<1x2048x128xf32>
    %get3A_24 = vector.shape_cast %get3A_23 : vector<1x2048x128xf32> to vector<2048x128xf32>
    %convert_element_type3A_25 = arith.truncf %get3A_24 : vector<2048x128xf32> to vector<2048x128xbf16>
    %get3A_26 = arith.constant 0 : index
    %get3A_27 = arith.constant 0 : index
    %get3A_28 = vector.load %arg2[%get3A_26, %get3A_27] : memref<128x128xbf16, #tpu.memory_space<vmem>>, vector<128x128xbf16>
    %dot_general3A_29 = arith.constant dense<0.000000e+00> : vector<128x2048xf32>
    %dot_general3A_30 = tpu.matmul %get3A_28, %convert_element_type3A_25, %dot_general3A_29 {dimension_numbers = #tpu.dot_dimension_numbers<[1], [1], [0], [0], [0, 0, 1, 0], [], []>, transpose_lhs_hint = false} : vector<128x128xbf16>, vector<2048x128xbf16>, vector<128x2048xf32> -> vector<128x2048xf32>
    %slice3A_31 = vector.extract_strided_slice %dot_general3A_30 {offsets = [0, 0], sizes = [64, 2048], strides = [1, 1]} : vector<128x2048xf32> to vector<64x2048xf32>
    %swap3A_32 = arith.constant 1 : index
    %swap3A_33 = arith.constant 0 : index
    %swap3A_34 = arith.constant 0 : index
    %swap3A_35 = vector.load %arg3[%swap3A_32, %swap3A_33, %swap3A_34] : memref<5x64x4096xf32, #tpu.memory_space<vmem>>, vector<1x64x2048xf32>
    %swap3A_36 = vector.shape_cast %swap3A_35 : vector<1x64x2048xf32> to vector<64x2048xf32>
    %swap3A_37 = vector.shape_cast %slice3A_31 : vector<64x2048xf32> to vector<1x64x2048xf32>
    tpu.vector_store %arg3[%swap3A_32, %swap3A_33, %swap3A_34], %swap3A_37 {strides = array<i32>} : memref<5x64x4096xf32, #tpu.memory_space<vmem>>, vector<1x64x2048xf32>,
    %slice3A_38 = vector.extract_strided_slice %dot_general3A_30 {offsets = [64, 0], sizes = [64, 2048], strides = [1, 1]} : vector<128x2048xf32> to vector<64x2048xf32>
    %swap3A_39 = arith.constant 1 : index
    %swap3A_40 = arith.constant 0 : index
    %swap3A_41 = arith.constant 2048 : index
    %swap3A_42 = vector.load %arg3[%swap3A_39, %swap3A_40, %swap3A_41] : memref<5x64x4096xf32, #tpu.memory_space<vmem>>, vector<1x64x2048xf32>
    %swap3A_43 = vector.shape_cast %swap3A_42 : vector<1x64x2048xf32> to vector<64x2048xf32>
    %swap3A_44 = vector.shape_cast %slice3A_38 : vector<64x2048xf32> to vector<1x64x2048xf32>
    tpu.vector_store %arg3[%swap3A_39, %swap3A_40, %swap3A_41], %swap3A_44 {strides = array<i32>} : memref<5x64x4096xf32, #tpu.memory_space<vmem>>, vector<1x64x2048xf32>,
    %get3A_45 = arith.constant 2 : index
    %get3A_46 = arith.constant 0 : index
    %get3A_47 = arith.constant 0 : index
    %get3A_48 = vector.load %arg1[%get3A_45, %get3A_46, %get3A_47] : memref<5x2048x128xf32, #tpu.memory_space<vmem>>, vector<1x2048x128xf32>
    %get3A_49 = vector.shape_cast %get3A_48 : vector<1x2048x128xf32> to vector<2048x128xf32>
    %convert_element_type3A_50 = arith.truncf %get3A_49 : vector<2048x128xf32> to vector<2048x128xbf16>
    %get3A_51 = arith.constant 0 : index
    %get3A_52 = arith.constant 0 : index
    %get3A_53 = vector.load %arg2[%get3A_51, %get3A_52] : memref<128x128xbf16, #tpu.memory_space<vmem>>, vector<128x128xbf16>
    %dot_general3A_54 = arith.constant dense<0.000000e+00> : vector<128x2048xf32>
    %dot_general3A_55 = tpu.matmul %get3A_53, %convert_element_type3A_50, %dot_general3A_54 {dimension_numbers = #tpu.dot_dimension_numbers<[1], [1], [0], [0], [0, 0, 1, 0], [], []>, transpose_lhs_hint = false} : vector<128x128xbf16>, vector<2048x128xbf16>, vector<128x2048xf32> -> vector<128x2048xf32>
    %slice3A_56 = vector.extract_strided_slice %dot_general3A_55 {offsets = [0, 0], sizes = [64, 2048], strides = [1, 1]} : vector<128x2048xf32> to vector<64x2048xf32>
    %swap3A_57 = arith.constant 2 : index
    %swap3A_58 = arith.constant 0 : index
    %swap3A_59 = arith.constant 0 : index
    %swap3A_60 = vector.load %arg3[%swap3A_57, %swap3A_58, %swap3A_59] : memref<5x64x4096xf32, #tpu.memory_space<vmem>>, vector<1x64x2048xf32>
    %swap3A_61 = vector.shape_cast %swap3A_60 : vector<1x64x2048xf32> to vector<64x2048xf32>
    %swap3A_62 = vector.shape_cast %slice3A_56 : vector<64x2048xf32> to vector<1x64x2048xf32>
    tpu.vector_store %arg3[%swap3A_57, %swap3A_58, %swap3A_59], %swap3A_62 {strides = array<i32>} : memref<5x64x4096xf32, #tpu.memory_space<vmem>>, vector<1x64x2048xf32>,
    %slice3A_63 = vector.extract_strided_slice %dot_general3A_55 {offsets = [64, 0], sizes = [64, 2048], strides = [1, 1]} : vector<128x2048xf32> to vector<64x2048xf32>
    %swap3A_64 = arith.constant 2 : index
    %swap3A_65 = arith.constant 0 : index
    %swap3A_66 = arith.constant 2048 : index
    %swap3A_67 = vector.load %arg3[%swap3A_64, %swap3A_65, %swap3A_66] : memref<5x64x4096xf32, #tpu.memory_space<vmem>>, vector<1x64x2048xf32>
    %swap3A_68 = vector.shape_cast %swap3A_67 : vector<1x64x2048xf32> to vector<64x2048xf32>
    %swap3A_69 = vector.shape_cast %slice3A_63 : vector<64x2048xf32> to vector<1x64x2048xf32>
    tpu.vector_store %arg3[%swap3A_64, %swap3A_65, %swap3A_66], %swap3A_69 {strides = array<i32>} : memref<5x64x4096xf32, #tpu.memory_space<vmem>>, vector<1x64x2048xf32>,
    %get3A_70 = arith.constant 3 : index
    %get3A_71 = arith.constant 0 : index
    %get3A_72 = arith.constant 0 : index
    %get3A_73 = vector.load %arg1[%get3A_70, %get3A_71, %get3A_72] : memref<5x2048x128xf32, #tpu.memory_space<vmem>>, vector<1x2048x128xf32>
    %get3A_74 = vector.shape_cast %get3A_73 : vector<1x2048x128xf32> to vector<2048x128xf32>
    %convert_element_type3A_75 = arith.truncf %get3A_74 : vector<2048x128xf32> to vector<2048x128xbf16>
    %get3A_76 = arith.constant 0 : index
    %get3A_77 = arith.constant 0 : index
    %get3A_78 = vector.load %arg2[%get3A_76, %get3A_77] : memref<128x128xbf16, #tpu.memory_space<vmem>>, vector<128x128xbf16>
    %dot_general3A_79 = arith.constant dense<0.000000e+00> : vector<128x2048xf32>
    %dot_general3A_80 = tpu.matmul %get3A_78, %convert_element_type3A_75, %dot_general3A_79 {dimension_numbers = #tpu.dot_dimension_numbers<[1], [1], [0], [0], [0, 0, 1, 0], [], []>, transpose_lhs_hint = false} : vector<128x128xbf16>, vector<2048x128xbf16>, vector<128x2048xf32> -> vector<128x2048xf32>
    %slice3A_81 = vector.extract_strided_slice %dot_general3A_80 {offsets = [0, 0], sizes = [64, 2048], strides = [1, 1]} : vector<128x2048xf32> to vector<64x2048xf32>
    %swap3A_82 = arith.constant 3 : index
    %swap3A_83 = arith.constant 0 : index
    %swap3A_84 = arith.constant 0 : index
    %swap3A_85 = vector.load %arg3[%swap3A_82, %swap3A_83, %swap3A_84] : memref<5x64x4096xf32, #tpu.memory_space<vmem>>, vector<1x64x2048xf32>
    %swap3A_86 = vector.shape_cast %swap3A_85 : vector<1x64x2048xf32> to vector<64x2048xf32>
    %swap3A_87 = vector.shape_cast %slice3A_81 : vector<64x2048xf32> to vector<1x64x2048xf32>
    tpu.vector_store %arg3[%swap3A_82, %swap3A_83, %swap3A_84], %swap3A_87 {strides = array<i32>} : memref<5x64x4096xf32, #tpu.memory_space<vmem>>, vector<1x64x2048xf32>,
    %slice3A_88 = vector.extract_strided_slice %dot_general3A_80 {offsets = [64, 0], sizes = [64, 2048], strides = [1, 1]} : vector<128x2048xf32> to vector<64x2048xf32>
    %swap3A_89 = arith.constant 3 : index
    %swap3A_90 = arith.constant 0 : index
    %swap3A_91 = arith.constant 2048 : index
    %swap3A_92 = vector.load %arg3[%swap3A_89, %swap3A_90, %swap3A_91] : memref<5x64x4096xf32, #tpu.memory_space<vmem>>, vector<1x64x2048xf32>
    %swap3A_93 = vector.shape_cast %swap3A_92 : vector<1x64x2048xf32> to vector<64x2048xf32>
    %swap3A_94 = vector.shape_cast %slice3A_88 : vector<64x2048xf32> to vector<1x64x2048xf32>
    tpu.vector_store %arg3[%swap3A_89, %swap3A_90, %swap3A_91], %swap3A_94 {strides = array<i32>} : memref<5x64x4096xf32, #tpu.memory_space<vmem>>, vector<1x64x2048xf32>,
    %get3A_95 = arith.constant 4 : index
    %get3A_96 = arith.constant 0 : index
    %get3A_97 = arith.constant 0 : index
    %get3A_98 = vector.load %arg1[%get3A_95, %get3A_96, %get3A_97] : memref<5x2048x128xf32, #tpu.memory_space<vmem>>, vector<1x2048x128xf32>
    %get3A_99 = vector.shape_cast %get3A_98 : vector<1x2048x128xf32> to vector<2048x128xf32>
    %convert_element_type3A_100 = arith.truncf %get3A_99 : vector<2048x128xf32> to vector<2048x128xbf16>
    %get3A_101 = arith.constant 0 : index
    %get3A_102 = arith.constant 0 : index
    %get3A_103 = vector.load %arg2[%get3A_101, %get3A_102] : memref<128x128xbf16, #tpu.memory_space<vmem>>, vector<128x128xbf16>
    %dot_general3A_104 = arith.constant dense<0.000000e+00> : vector<128x2048xf32>
    %dot_general3A_105 = tpu.matmul %get3A_103, %convert_element_type3A_100, %dot_general3A_104 {dimension_numbers = #tpu.dot_dimension_numbers<[1], [1], [0], [0], [0, 0, 1, 0], [], []>, transpose_lhs_hint = false} : vector<128x128xbf16>, vector<2048x128xbf16>, vector<128x2048xf32> -> vector<128x2048xf32>
    %slice3A_106 = vector.extract_strided_slice %dot_general3A_105 {offsets = [0, 0], sizes = [64, 2048], strides = [1, 1]} : vector<128x2048xf32> to vector<64x2048xf32>
    %swap3A_107 = arith.constant 4 : index
    %swap3A_108 = arith.constant 0 : index
    %swap3A_109 = arith.constant 0 : index
    %swap3A_110 = vector.load %arg3[%swap3A_107, %swap3A_108, %swap3A_109] : memref<5x64x4096xf32, #tpu.memory_space<vmem>>, vector<1x64x2048xf32>
    %swap3A_111 = vector.shape_cast %swap3A_110 : vector<1x64x2048xf32> to vector<64x2048xf32>
    %swap3A_112 = vector.shape_cast %slice3A_106 : vector<64x2048xf32> to vector<1x64x2048xf32>
    tpu.vector_store %arg3[%swap3A_107, %swap3A_108, %swap3A_109], %swap3A_112 {strides = array<i32>} : memref<5x64x4096xf32, #tpu.memory_space<vmem>>, vector<1x64x2048xf32>,
    %slice3A_113 = vector.extract_strided_slice %dot_general3A_105 {offsets = [64, 0], sizes = [64, 2048], strides = [1, 1]} : vector<128x2048xf32> to vector<64x2048xf32>
    %swap3A_114 = arith.constant 4 : index
    %swap3A_115 = arith.constant 0 : index
    %swap3A_116 = arith.constant 2048 : index
    %swap3A_117 = vector.load %arg3[%swap3A_114, %swap3A_115, %swap3A_116] : memref<5x64x4096xf32, #tpu.memory_space<vmem>>, vector<1x64x2048xf32>
    %swap3A_118 = vector.shape_cast %swap3A_117 : vector<1x64x2048xf32> to vector<64x2048xf32>
    %swap3A_119 = vector.shape_cast %slice3A_113 : vector<64x2048xf32> to vector<1x64x2048xf32>
    tpu.vector_store %arg3[%swap3A_114, %swap3A_115, %swap3A_116], %swap3A_119 {strides = array<i32>} : memref<5x64x4096xf32, #tpu.memory_space<vmem>>, vector<1x64x2048xf32>,
    return
  }
  func.func @transform_0(%arg0: i32) -> (i32, i32, i32) {
    %c0_i32 = arith.constant 0 : i32
    %c0_i32_0 = arith.constant 0 : i32
    %c0_i32_1 = arith.constant 0 : i32
    return %arg0, %c0_i32, %c0_i32_0 : i32, i32, i32
  }
  func.func @transform_1(%arg0: i32) -> (i32, i32) {
    %c0_i32 = arith.constant 0 : i32
    %c0_i32_0 = arith.constant 0 : i32
    %c0_i32_1 = arith.constant 0 : i32
    return %c0_i32, %c0_i32_0 : i32, i32
  }
  func.func @transform_2(%arg0: i32) -> (i32, i32, i32) {
    %add3A = arith.constant 0 : i32
    %add3A_0 = arith.addi %arg0, %add3A : i32
    %c0_i32 = arith.constant 0 : i32
    %c0_i32_1 = arith.constant 0 : i32
    %c0_i32_2 = arith.constant 0 : i32
    return %add3A_0, %c0_i32, %c0_i32_1 : i32, i32, i32
  }
}

module attributes {stable_mosaic.version = 14 : i64} {
  func.func @_transpose_body(%arg0: i32, %arg1: memref<5x2048x128xf32, #tpu.memory_space<vmem>>, %arg2: memref<128x128xbf16, #tpu.memory_space<vmem>>, %arg3: memref<200x64x4096xf32, #tpu.memory_space<any>>, %arg4: memref<5x64x4096xf32, #tpu.memory_space<vmem>>) attributes {dimension_semantics = [#tpu.dimension_semantics<arbitrary>], iteration_bounds = array<i64: 10>, scalar_prefetch = 0 : i64, scratch_operands = 0 : i64, tpu.core_type = #tpu.core_type<tc>, window_params = [{transform_indices = @transform_0, window_bounds = array<i64: 5, 2048, 128>}, {pipeline_mode = #tpu.pipeline_mode<synchronous>, transform_indices = @transform_1, window_bounds = array<i64: 128, 128>}, {}, {transform_indices = @transform_3, window_bounds = array<i64: 5, 64, 4096>}]} {
    %get3A = arith.constant 0 : index
    %get3A_0 = arith.constant 0 : index
    %get3A_1 = arith.constant 0 : index
    %get3A_2 = vector.load %arg1[%get3A, %get3A_0, %get3A_1] : memref<5x2048x128xf32, #tpu.memory_space<vmem>>, vector<1x2048x128xf32>
    %get3A_3 = vector.shape_cast %get3A_2 : vector<1x2048x128xf32> to vector<2048x128xf32>
    %convert_element_type3A = arith.truncf %get3A_3 : vector<2048x128xf32> to vector<2048x128xbf16>
    %get3A_4 = arith.constant 0 : index
    %get3A_5 = arith.constant 0 : index
    %get3A_6 = vector.load %arg2[%get3A_4, %get3A_5] : memref<128x128xbf16, #tpu.memory_space<vmem>>, vector<128x128xbf16>
    %dot_general3A = arith.constant dense<0.000000e+00> : vector<128x2048xf32>
    %dot_general3A_7 = tpu.matmul %get3A_6, %convert_element_type3A, %dot_general3A {dimension_numbers = #tpu.dot_dimension_numbers<[1], [1], [0], [0], [0, 0, 1, 0], [], []>, transpose_lhs_hint = false} : vector<128x128xbf16>, vector<2048x128xbf16>, vector<128x2048xf32> -> vector<128x2048xf32>
    %slice3A = vector.extract_strided_slice %dot_general3A_7 {offsets = [0, 0], sizes = [64, 2048], strides = [1, 1]} : vector<128x2048xf32> to vector<64x2048xf32>
    %swap3A = arith.constant 0 : index
    %swap3A_8 = arith.constant 0 : index
    %swap3A_9 = arith.constant 0 : index
    %swap3A_10 = vector.load %arg4[%swap3A, %swap3A_8, %swap3A_9] : memref<5x64x4096xf32, #tpu.memory_space<vmem>>, vector<1x64x2048xf32>
    %swap3A_11 = vector.shape_cast %swap3A_10 : vector<1x64x2048xf32> to vector<64x2048xf32>
    %swap3A_12 = vector.shape_cast %slice3A : vector<64x2048xf32> to vector<1x64x2048xf32>
    tpu.vector_store %arg4[%swap3A, %swap3A_8, %swap3A_9], %swap3A_12 {strides = array<i32>} : memref<5x64x4096xf32, #tpu.memory_space<vmem>>, vector<1x64x2048xf32>,
    %slice3A_13 = vector.extract_strided_slice %dot_general3A_7 {offsets = [64, 0], sizes = [64, 2048], strides = [1, 1]} : vector<128x2048xf32> to vector<64x2048xf32>
    %swap3A_14 = arith.constant 0 : index
    %swap3A_15 = arith.constant 0 : index
    %swap3A_16 = arith.constant 2048 : index
    %swap3A_17 = vector.load %arg4[%swap3A_14, %swap3A_15, %swap3A_16] : memref<5x64x4096xf32, #tpu.memory_space<vmem>>, vector<1x64x2048xf32>
    %swap3A_18 = vector.shape_cast %swap3A_17 : vector<1x64x2048xf32> to vector<64x2048xf32>
    %swap3A_19 = vector.shape_cast %slice3A_13 : vector<64x2048xf32> to vector<1x64x2048xf32>
    tpu.vector_store %arg4[%swap3A_14, %swap3A_15, %swap3A_16], %swap3A_19 {strides = array<i32>} : memref<5x64x4096xf32, #tpu.memory_space<vmem>>, vector<1x64x2048xf32>,
    %get3A_20 = arith.constant 1 : index
    %get3A_21 = arith.constant 0 : index
    %get3A_22 = arith.constant 0 : index
    %get3A_23 = vector.load %arg1[%get3A_20, %get3A_21, %get3A_22] : memref<5x2048x128xf32, #tpu.memory_space<vmem>>, vector<1x2048x128xf32>
    %get3A_24 = vector.shape_cast %get3A_23 : vector<1x2048x128xf32> to vector<2048x128xf32>
    %convert_element_type3A_25 = arith.truncf %get3A_24 : vector<2048x128xf32> to vector<2048x128xbf16>
    %get3A_26 = arith.constant 0 : index
    %get3A_27 = arith.constant 0 : index
    %get3A_28 = vector.load %arg2[%get3A_26, %get3A_27] : memref<128x128xbf16, #tpu.memory_space<vmem>>, vector<128x128xbf16>
    %dot_general3A_29 = arith.constant dense<0.000000e+00> : vector<128x2048xf32>
    %dot_general3A_30 = tpu.matmul %get3A_28, %convert_element_type3A_25, %dot_general3A_29 {dimension_numbers = #tpu.dot_dimension_numbers<[1], [1], [0], [0], [0, 0, 1, 0], [], []>, transpose_lhs_hint = false} : vector<128x128xbf16>, vector<2048x128xbf16>, vector<128x2048xf32> -> vector<128x2048xf32>
    %slice3A_31 = vector.extract_strided_slice %dot_general3A_30 {offsets = [0, 0], sizes = [64, 2048], strides = [1, 1]} : vector<128x2048xf32> to vector<64x2048xf32>
    %swap3A_32 = arith.constant 1 : index
    %swap3A_33 = arith.constant 0 : index
    %swap3A_34 = arith.constant 0 : index
    %swap3A_35 = vector.load %arg4[%swap3A_32, %swap3A_33, %swap3A_34] : memref<5x64x4096xf32, #tpu.memory_space<vmem>>, vector<1x64x2048xf32>
    %swap3A_36 = vector.shape_cast %swap3A_35 : vector<1x64x2048xf32> to vector<64x2048xf32>
    %swap3A_37 = vector.shape_cast %slice3A_31 : vector<64x2048xf32> to vector<1x64x2048xf32>
    tpu.vector_store %arg4[%swap3A_32, %swap3A_33, %swap3A_34], %swap3A_37 {strides = array<i32>} : memref<5x64x4096xf32, #tpu.memory_space<vmem>>, vector<1x64x2048xf32>,
    %slice3A_38 = vector.extract_strided_slice %dot_general3A_30 {offsets = [64, 0], sizes = [64, 2048], strides = [1, 1]} : vector<128x2048xf32> to vector<64x2048xf32>
    %swap3A_39 = arith.constant 1 : index
    %swap3A_40 = arith.constant 0 : index
    %swap3A_41 = arith.constant 2048 : index
    %swap3A_42 = vector.load %arg4[%swap3A_39, %swap3A_40, %swap3A_41] : memref<5x64x4096xf32, #tpu.memory_space<vmem>>, vector<1x64x2048xf32>
    %swap3A_43 = vector.shape_cast %swap3A_42 : vector<1x64x2048xf32> to vector<64x2048xf32>
    %swap3A_44 = vector.shape_cast %slice3A_38 : vector<64x2048xf32> to vector<1x64x2048xf32>
    tpu.vector_store %arg4[%swap3A_39, %swap3A_40, %swap3A_41], %swap3A_44 {strides = array<i32>} : memref<5x64x4096xf32, #tpu.memory_space<vmem>>, vector<1x64x2048xf32>,
    %get3A_45 = arith.constant 2 : index
    %get3A_46 = arith.constant 0 : index
    %get3A_47 = arith.constant 0 : index
    %get3A_48 = vector.load %arg1[%get3A_45, %get3A_46, %get3A_47] : memref<5x2048x128xf32, #tpu.memory_space<vmem>>, vector<1x2048x128xf32>
    %get3A_49 = vector.shape_cast %get3A_48 : vector<1x2048x128xf32> to vector<2048x128xf32>
    %convert_element_type3A_50 = arith.truncf %get3A_49 : vector<2048x128xf32> to vector<2048x128xbf16>
    %get3A_51 = arith.constant 0 : index
    %get3A_52 = arith.constant 0 : index
    %get3A_53 = vector.load %arg2[%get3A_51, %get3A_52] : memref<128x128xbf16, #tpu.memory_space<vmem>>, vector<128x128xbf16>
    %dot_general3A_54 = arith.constant dense<0.000000e+00> : vector<128x2048xf32>
    %dot_general3A_55 = tpu.matmul %get3A_53, %convert_element_type3A_50, %dot_general3A_54 {dimension_numbers = #tpu.dot_dimension_numbers<[1], [1], [0], [0], [0, 0, 1, 0], [], []>, transpose_lhs_hint = false} : vector<128x128xbf16>, vector<2048x128xbf16>, vector<128x2048xf32> -> vector<128x2048xf32>
    %slice3A_56 = vector.extract_strided_slice %dot_general3A_55 {offsets = [0, 0], sizes = [64, 2048], strides = [1, 1]} : vector<128x2048xf32> to vector<64x2048xf32>
    %swap3A_57 = arith.constant 2 : index
    %swap3A_58 = arith.constant 0 : index
    %swap3A_59 = arith.constant 0 : index
    %swap3A_60 = vector.load %arg4[%swap3A_57, %swap3A_58, %swap3A_59] : memref<5x64x4096xf32, #tpu.memory_space<vmem>>, vector<1x64x2048xf32>
    %swap3A_61 = vector.shape_cast %swap3A_60 : vector<1x64x2048xf32> to vector<64x2048xf32>
    %swap3A_62 = vector.shape_cast %slice3A_56 : vector<64x2048xf32> to vector<1x64x2048xf32>
    tpu.vector_store %arg4[%swap3A_57, %swap3A_58, %swap3A_59], %swap3A_62 {strides = array<i32>} : memref<5x64x4096xf32, #tpu.memory_space<vmem>>, vector<1x64x2048xf32>,
    %slice3A_63 = vector.extract_strided_slice %dot_general3A_55 {offsets = [64, 0], sizes = [64, 2048], strides = [1, 1]} : vector<128x2048xf32> to vector<64x2048xf32>
    %swap3A_64 = arith.constant 2 : index
    %swap3A_65 = arith.constant 0 : index
    %swap3A_66 = arith.constant 2048 : index
    %swap3A_67 = vector.load %arg4[%swap3A_64, %swap3A_65, %swap3A_66] : memref<5x64x4096xf32, #tpu.memory_space<vmem>>, vector<1x64x2048xf32>
    %swap3A_68 = vector.shape_cast %swap3A_67 : vector<1x64x2048xf32> to vector<64x2048xf32>
    %swap3A_69 = vector.shape_cast %slice3A_63 : vector<64x2048xf32> to vector<1x64x2048xf32>
    tpu.vector_store %arg4[%swap3A_64, %swap3A_65, %swap3A_66], %swap3A_69 {strides = array<i32>} : memref<5x64x4096xf32, #tpu.memory_space<vmem>>, vector<1x64x2048xf32>,
    %get3A_70 = arith.constant 3 : index
    %get3A_71 = arith.constant 0 : index
    %get3A_72 = arith.constant 0 : index
    %get3A_73 = vector.load %arg1[%get3A_70, %get3A_71, %get3A_72] : memref<5x2048x128xf32, #tpu.memory_space<vmem>>, vector<1x2048x128xf32>
    %get3A_74 = vector.shape_cast %get3A_73 : vector<1x2048x128xf32> to vector<2048x128xf32>
    %convert_element_type3A_75 = arith.truncf %get3A_74 : vector<2048x128xf32> to vector<2048x128xbf16>
    %get3A_76 = arith.constant 0 : index
    %get3A_77 = arith.constant 0 : index
    %get3A_78 = vector.load %arg2[%get3A_76, %get3A_77] : memref<128x128xbf16, #tpu.memory_space<vmem>>, vector<128x128xbf16>
    %dot_general3A_79 = arith.constant dense<0.000000e+00> : vector<128x2048xf32>
    %dot_general3A_80 = tpu.matmul %get3A_78, %convert_element_type3A_75, %dot_general3A_79 {dimension_numbers = #tpu.dot_dimension_numbers<[1], [1], [0], [0], [0, 0, 1, 0], [], []>, transpose_lhs_hint = false} : vector<128x128xbf16>, vector<2048x128xbf16>, vector<128x2048xf32> -> vector<128x2048xf32>
    %slice3A_81 = vector.extract_strided_slice %dot_general3A_80 {offsets = [0, 0], sizes = [64, 2048], strides = [1, 1]} : vector<128x2048xf32> to vector<64x2048xf32>
    %swap3A_82 = arith.constant 3 : index
    %swap3A_83 = arith.constant 0 : index
    %swap3A_84 = arith.constant 0 : index
    %swap3A_85 = vector.load %arg4[%swap3A_82, %swap3A_83, %swap3A_84] : memref<5x64x4096xf32, #tpu.memory_space<vmem>>, vector<1x64x2048xf32>
    %swap3A_86 = vector.shape_cast %swap3A_85 : vector<1x64x2048xf32> to vector<64x2048xf32>
    %swap3A_87 = vector.shape_cast %slice3A_81 : vector<64x2048xf32> to vector<1x64x2048xf32>
    tpu.vector_store %arg4[%swap3A_82, %swap3A_83, %swap3A_84], %swap3A_87 {strides = array<i32>} : memref<5x64x4096xf32, #tpu.memory_space<vmem>>, vector<1x64x2048xf32>,
    %slice3A_88 = vector.extract_strided_slice %dot_general3A_80 {offsets = [64, 0], sizes = [64, 2048], strides = [1, 1]} : vector<128x2048xf32> to vector<64x2048xf32>
    %swap3A_89 = arith.constant 3 : index
    %swap3A_90 = arith.constant 0 : index
    %swap3A_91 = arith.constant 2048 : index
    %swap3A_92 = vector.load %arg4[%swap3A_89, %swap3A_90, %swap3A_91] : memref<5x64x4096xf32, #tpu.memory_space<vmem>>, vector<1x64x2048xf32>
    %swap3A_93 = vector.shape_cast %swap3A_92 : vector<1x64x2048xf32> to vector<64x2048xf32>
    %swap3A_94 = vector.shape_cast %slice3A_88 : vector<64x2048xf32> to vector<1x64x2048xf32>
    tpu.vector_store %arg4[%swap3A_89, %swap3A_90, %swap3A_91], %swap3A_94 {strides = array<i32>} : memref<5x64x4096xf32, #tpu.memory_space<vmem>>, vector<1x64x2048xf32>,
    %get3A_95 = arith.constant 4 : index
    %get3A_96 = arith.constant 0 : index
    %get3A_97 = arith.constant 0 : index
    %get3A_98 = vector.load %arg1[%get3A_95, %get3A_96, %get3A_97] : memref<5x2048x128xf32, #tpu.memory_space<vmem>>, vector<1x2048x128xf32>
    %get3A_99 = vector.shape_cast %get3A_98 : vector<1x2048x128xf32> to vector<2048x128xf32>
    %convert_element_type3A_100 = arith.truncf %get3A_99 : vector<2048x128xf32> to vector<2048x128xbf16>
    %get3A_101 = arith.constant 0 : index
    %get3A_102 = arith.constant 0 : index
    %get3A_103 = vector.load %arg2[%get3A_101, %get3A_102] : memref<128x128xbf16, #tpu.memory_space<vmem>>, vector<128x128xbf16>
    %dot_general3A_104 = arith.constant dense<0.000000e+00> : vector<128x2048xf32>
    %dot_general3A_105 = tpu.matmul %get3A_103, %convert_element_type3A_100, %dot_general3A_104 {dimension_numbers = #tpu.dot_dimension_numbers<[1], [1], [0], [0], [0, 0, 1, 0], [], []>, transpose_lhs_hint = false} : vector<128x128xbf16>, vector<2048x128xbf16>, vector<128x2048xf32> -> vector<128x2048xf32>
    %slice3A_106 = vector.extract_strided_slice %dot_general3A_105 {offsets = [0, 0], sizes = [64, 2048], strides = [1, 1]} : vector<128x2048xf32> to vector<64x2048xf32>
    %swap3A_107 = arith.constant 4 : index
    %swap3A_108 = arith.constant 0 : index
    %swap3A_109 = arith.constant 0 : index
    %swap3A_110 = vector.load %arg4[%swap3A_107, %swap3A_108, %swap3A_109] : memref<5x64x4096xf32, #tpu.memory_space<vmem>>, vector<1x64x2048xf32>
    %swap3A_111 = vector.shape_cast %swap3A_110 : vector<1x64x2048xf32> to vector<64x2048xf32>
    %swap3A_112 = vector.shape_cast %slice3A_106 : vector<64x2048xf32> to vector<1x64x2048xf32>
    tpu.vector_store %arg4[%swap3A_107, %swap3A_108, %swap3A_109], %swap3A_112 {strides = array<i32>} : memref<5x64x4096xf32, #tpu.memory_space<vmem>>, vector<1x64x2048xf32>,
    %slice3A_113 = vector.extract_strided_slice %dot_general3A_105 {offsets = [64, 0], sizes = [64, 2048], strides = [1, 1]} : vector<128x2048xf32> to vector<64x2048xf32>
    %swap3A_114 = arith.constant 4 : index
    %swap3A_115 = arith.constant 0 : index
    %swap3A_116 = arith.constant 2048 : index
    %swap3A_117 = vector.load %arg4[%swap3A_114, %swap3A_115, %swap3A_116] : memref<5x64x4096xf32, #tpu.memory_space<vmem>>, vector<1x64x2048xf32>
    %swap3A_118 = vector.shape_cast %swap3A_117 : vector<1x64x2048xf32> to vector<64x2048xf32>
    %swap3A_119 = vector.shape_cast %slice3A_113 : vector<64x2048xf32> to vector<1x64x2048xf32>
    tpu.vector_store %arg4[%swap3A_114, %swap3A_115, %swap3A_116], %swap3A_119 {strides = array<i32>} : memref<5x64x4096xf32, #tpu.memory_space<vmem>>, vector<1x64x2048xf32>,
    return
  }
  func.func @transform_0(%arg0: i32) -> (i32, i32, i32) {
    %c0_i32 = arith.constant 0 : i32
    %c0_i32_0 = arith.constant 0 : i32
    %c0_i32_1 = arith.constant 0 : i32
    return %arg0, %c0_i32, %c0_i32_0 : i32, i32, i32
  }
  func.func @transform_1(%arg0: i32) -> (i32, i32) {
    %c0_i32 = arith.constant 0 : i32
    %c0_i32_0 = arith.constant 0 : i32
    %c0_i32_1 = arith.constant 0 : i32
    return %c0_i32, %c0_i32_0 : i32, i32
  }
  func.func @transform_3(%arg0: i32) -> (i32, i32, i32) {
    %add3A = arith.constant 10 : i32
    %add3A_0 = arith.addi %arg0, %add3A : i32
    %c0_i32 = arith.constant 0 : i32
    %c0_i32_1 = arith.constant 0 : i32
    %c0_i32_2 = arith.constant 0 : i32
    return %add3A_0, %c0_i32, %c0_i32_1 : i32, i32, i32
  }
}

module attributes {stable_mosaic.version = 14 : i64} {
  func.func @_transpose_body(%arg0: i32, %arg1: memref<5x2048x128xf32, #tpu.memory_space<vmem>>, %arg2: memref<128x128xbf16, #tpu.memory_space<vmem>>, %arg3: memref<200x64x4096xf32, #tpu.memory_space<any>>, %arg4: memref<5x64x4096xf32, #tpu.memory_space<vmem>>) attributes {dimension_semantics = [#tpu.dimension_semantics<arbitrary>], iteration_bounds = array<i64: 10>, scalar_prefetch = 0 : i64, scratch_operands = 0 : i64, tpu.core_type = #tpu.core_type<tc>, window_params = [{transform_indices = @transform_0, window_bounds = array<i64: 5, 2048, 128>}, {pipeline_mode = #tpu.pipeline_mode<synchronous>, transform_indices = @transform_1, window_bounds = array<i64: 128, 128>}, {}, {transform_indices = @transform_3, window_bounds = array<i64: 5, 64, 4096>}]} {
    %get3A = arith.constant 0 : index
    %get3A_0 = arith.constant 0 : index
    %get3A_1 = arith.constant 0 : index
    %get3A_2 = vector.load %arg1[%get3A, %get3A_0, %get3A_1] : memref<5x2048x128xf32, #tpu.memory_space<vmem>>, vector<1x2048x128xf32>
    %get3A_3 = vector.shape_cast %get3A_2 : vector<1x2048x128xf32> to vector<2048x128xf32>
    %convert_element_type3A = arith.truncf %get3A_3 : vector<2048x128xf32> to vector<2048x128xbf16>
    %get3A_4 = arith.constant 0 : index
    %get3A_5 = arith.constant 0 : index
    %get3A_6 = vector.load %arg2[%get3A_4, %get3A_5] : memref<128x128xbf16, #tpu.memory_space<vmem>>, vector<128x128xbf16>
    %dot_general3A = arith.constant dense<0.000000e+00> : vector<128x2048xf32>
    %dot_general3A_7 = tpu.matmul %get3A_6, %convert_element_type3A, %dot_general3A {dimension_numbers = #tpu.dot_dimension_numbers<[1], [1], [0], [0], [0, 0, 1, 0], [], []>, transpose_lhs_hint = false} : vector<128x128xbf16>, vector<2048x128xbf16>, vector<128x2048xf32> -> vector<128x2048xf32>
    %slice3A = vector.extract_strided_slice %dot_general3A_7 {offsets = [0, 0], sizes = [64, 2048], strides = [1, 1]} : vector<128x2048xf32> to vector<64x2048xf32>
    %swap3A = arith.constant 0 : index
    %swap3A_8 = arith.constant 0 : index
    %swap3A_9 = arith.constant 0 : index
    %swap3A_10 = vector.load %arg4[%swap3A, %swap3A_8, %swap3A_9] : memref<5x64x4096xf32, #tpu.memory_space<vmem>>, vector<1x64x2048xf32>
    %swap3A_11 = vector.shape_cast %swap3A_10 : vector<1x64x2048xf32> to vector<64x2048xf32>
    %swap3A_12 = vector.shape_cast %slice3A : vector<64x2048xf32> to vector<1x64x2048xf32>
    tpu.vector_store %arg4[%swap3A, %swap3A_8, %swap3A_9], %swap3A_12 {strides = array<i32>} : memref<5x64x4096xf32, #tpu.memory_space<vmem>>, vector<1x64x2048xf32>,
    %slice3A_13 = vector.extract_strided_slice %dot_general3A_7 {offsets = [64, 0], sizes = [64, 2048], strides = [1, 1]} : vector<128x2048xf32> to vector<64x2048xf32>
    %swap3A_14 = arith.constant 0 : index
    %swap3A_15 = arith.constant 0 : index
    %swap3A_16 = arith.constant 2048 : index
    %swap3A_17 = vector.load %arg4[%swap3A_14, %swap3A_15, %swap3A_16] : memref<5x64x4096xf32, #tpu.memory_space<vmem>>, vector<1x64x2048xf32>
    %swap3A_18 = vector.shape_cast %swap3A_17 : vector<1x64x2048xf32> to vector<64x2048xf32>
    %swap3A_19 = vector.shape_cast %slice3A_13 : vector<64x2048xf32> to vector<1x64x2048xf32>
    tpu.vector_store %arg4[%swap3A_14, %swap3A_15, %swap3A_16], %swap3A_19 {strides = array<i32>} : memref<5x64x4096xf32, #tpu.memory_space<vmem>>, vector<1x64x2048xf32>,
    %get3A_20 = arith.constant 1 : index
    %get3A_21 = arith.constant 0 : index
    %get3A_22 = arith.constant 0 : index
    %get3A_23 = vector.load %arg1[%get3A_20, %get3A_21, %get3A_22] : memref<5x2048x128xf32, #tpu.memory_space<vmem>>, vector<1x2048x128xf32>
    %get3A_24 = vector.shape_cast %get3A_23 : vector<1x2048x128xf32> to vector<2048x128xf32>
    %convert_element_type3A_25 = arith.truncf %get3A_24 : vector<2048x128xf32> to vector<2048x128xbf16>
    %get3A_26 = arith.constant 0 : index
    %get3A_27 = arith.constant 0 : index
    %get3A_28 = vector.load %arg2[%get3A_26, %get3A_27] : memref<128x128xbf16, #tpu.memory_space<vmem>>, vector<128x128xbf16>
    %dot_general3A_29 = arith.constant dense<0.000000e+00> : vector<128x2048xf32>
    %dot_general3A_30 = tpu.matmul %get3A_28, %convert_element_type3A_25, %dot_general3A_29 {dimension_numbers = #tpu.dot_dimension_numbers<[1], [1], [0], [0], [0, 0, 1, 0], [], []>, transpose_lhs_hint = false} : vector<128x128xbf16>, vector<2048x128xbf16>, vector<128x2048xf32> -> vector<128x2048xf32>
    %slice3A_31 = vector.extract_strided_slice %dot_general3A_30 {offsets = [0, 0], sizes = [64, 2048], strides = [1, 1]} : vector<128x2048xf32> to vector<64x2048xf32>
    %swap3A_32 = arith.constant 1 : index
    %swap3A_33 = arith.constant 0 : index
    %swap3A_34 = arith.constant 0 : index
    %swap3A_35 = vector.load %arg4[%swap3A_32, %swap3A_33, %swap3A_34] : memref<5x64x4096xf32, #tpu.memory_space<vmem>>, vector<1x64x2048xf32>
    %swap3A_36 = vector.shape_cast %swap3A_35 : vector<1x64x2048xf32> to vector<64x2048xf32>
    %swap3A_37 = vector.shape_cast %slice3A_31 : vector<64x2048xf32> to vector<1x64x2048xf32>
    tpu.vector_store %arg4[%swap3A_32, %swap3A_33, %swap3A_34], %swap3A_37 {strides = array<i32>} : memref<5x64x4096xf32, #tpu.memory_space<vmem>>, vector<1x64x2048xf32>,
    %slice3A_38 = vector.extract_strided_slice %dot_general3A_30 {offsets = [64, 0], sizes = [64, 2048], strides = [1, 1]} : vector<128x2048xf32> to vector<64x2048xf32>
    %swap3A_39 = arith.constant 1 : index
    %swap3A_40 = arith.constant 0 : index
    %swap3A_41 = arith.constant 2048 : index
    %swap3A_42 = vector.load %arg4[%swap3A_39, %swap3A_40, %swap3A_41] : memref<5x64x4096xf32, #tpu.memory_space<vmem>>, vector<1x64x2048xf32>
    %swap3A_43 = vector.shape_cast %swap3A_42 : vector<1x64x2048xf32> to vector<64x2048xf32>
    %swap3A_44 = vector.shape_cast %slice3A_38 : vector<64x2048xf32> to vector<1x64x2048xf32>
    tpu.vector_store %arg4[%swap3A_39, %swap3A_40, %swap3A_41], %swap3A_44 {strides = array<i32>} : memref<5x64x4096xf32, #tpu.memory_space<vmem>>, vector<1x64x2048xf32>,
    %get3A_45 = arith.constant 2 : index
    %get3A_46 = arith.constant 0 : index
    %get3A_47 = arith.constant 0 : index
    %get3A_48 = vector.load %arg1[%get3A_45, %get3A_46, %get3A_47] : memref<5x2048x128xf32, #tpu.memory_space<vmem>>, vector<1x2048x128xf32>
    %get3A_49 = vector.shape_cast %get3A_48 : vector<1x2048x128xf32> to vector<2048x128xf32>
    %convert_element_type3A_50 = arith.truncf %get3A_49 : vector<2048x128xf32> to vector<2048x128xbf16>
    %get3A_51 = arith.constant 0 : index
    %get3A_52 = arith.constant 0 : index
    %get3A_53 = vector.load %arg2[%get3A_51, %get3A_52] : memref<128x128xbf16, #tpu.memory_space<vmem>>, vector<128x128xbf16>
    %dot_general3A_54 = arith.constant dense<0.000000e+00> : vector<128x2048xf32>
    %dot_general3A_55 = tpu.matmul %get3A_53, %convert_element_type3A_50, %dot_general3A_54 {dimension_numbers = #tpu.dot_dimension_numbers<[1], [1], [0], [0], [0, 0, 1, 0], [], []>, transpose_lhs_hint = false} : vector<128x128xbf16>, vector<2048x128xbf16>, vector<128x2048xf32> -> vector<128x2048xf32>
    %slice3A_56 = vector.extract_strided_slice %dot_general3A_55 {offsets = [0, 0], sizes = [64, 2048], strides = [1, 1]} : vector<128x2048xf32> to vector<64x2048xf32>
    %swap3A_57 = arith.constant 2 : index
    %swap3A_58 = arith.constant 0 : index
    %swap3A_59 = arith.constant 0 : index
    %swap3A_60 = vector.load %arg4[%swap3A_57, %swap3A_58, %swap3A_59] : memref<5x64x4096xf32, #tpu.memory_space<vmem>>, vector<1x64x2048xf32>
    %swap3A_61 = vector.shape_cast %swap3A_60 : vector<1x64x2048xf32> to vector<64x2048xf32>
    %swap3A_62 = vector.shape_cast %slice3A_56 : vector<64x2048xf32> to vector<1x64x2048xf32>
    tpu.vector_store %arg4[%swap3A_57, %swap3A_58, %swap3A_59], %swap3A_62 {strides = array<i32>} : memref<5x64x4096xf32, #tpu.memory_space<vmem>>, vector<1x64x2048xf32>,
    %slice3A_63 = vector.extract_strided_slice %dot_general3A_55 {offsets = [64, 0], sizes = [64, 2048], strides = [1, 1]} : vector<128x2048xf32> to vector<64x2048xf32>
    %swap3A_64 = arith.constant 2 : index
    %swap3A_65 = arith.constant 0 : index
    %swap3A_66 = arith.constant 2048 : index
    %swap3A_67 = vector.load %arg4[%swap3A_64, %swap3A_65, %swap3A_66] : memref<5x64x4096xf32, #tpu.memory_space<vmem>>, vector<1x64x2048xf32>
    %swap3A_68 = vector.shape_cast %swap3A_67 : vector<1x64x2048xf32> to vector<64x2048xf32>
    %swap3A_69 = vector.shape_cast %slice3A_63 : vector<64x2048xf32> to vector<1x64x2048xf32>
    tpu.vector_store %arg4[%swap3A_64, %swap3A_65, %swap3A_66], %swap3A_69 {strides = array<i32>} : memref<5x64x4096xf32, #tpu.memory_space<vmem>>, vector<1x64x2048xf32>,
    %get3A_70 = arith.constant 3 : index
    %get3A_71 = arith.constant 0 : index
    %get3A_72 = arith.constant 0 : index
    %get3A_73 = vector.load %arg1[%get3A_70, %get3A_71, %get3A_72] : memref<5x2048x128xf32, #tpu.memory_space<vmem>>, vector<1x2048x128xf32>
    %get3A_74 = vector.shape_cast %get3A_73 : vector<1x2048x128xf32> to vector<2048x128xf32>
    %convert_element_type3A_75 = arith.truncf %get3A_74 : vector<2048x128xf32> to vector<2048x128xbf16>
    %get3A_76 = arith.constant 0 : index
    %get3A_77 = arith.constant 0 : index
    %get3A_78 = vector.load %arg2[%get3A_76, %get3A_77] : memref<128x128xbf16, #tpu.memory_space<vmem>>, vector<128x128xbf16>
    %dot_general3A_79 = arith.constant dense<0.000000e+00> : vector<128x2048xf32>
    %dot_general3A_80 = tpu.matmul %get3A_78, %convert_element_type3A_75, %dot_general3A_79 {dimension_numbers = #tpu.dot_dimension_numbers<[1], [1], [0], [0], [0, 0, 1, 0], [], []>, transpose_lhs_hint = false} : vector<128x128xbf16>, vector<2048x128xbf16>, vector<128x2048xf32> -> vector<128x2048xf32>
    %slice3A_81 = vector.extract_strided_slice %dot_general3A_80 {offsets = [0, 0], sizes = [64, 2048], strides = [1, 1]} : vector<128x2048xf32> to vector<64x2048xf32>
    %swap3A_82 = arith.constant 3 : index
    %swap3A_83 = arith.constant 0 : index
    %swap3A_84 = arith.constant 0 : index
    %swap3A_85 = vector.load %arg4[%swap3A_82, %swap3A_83, %swap3A_84] : memref<5x64x4096xf32, #tpu.memory_space<vmem>>, vector<1x64x2048xf32>
    %swap3A_86 = vector.shape_cast %swap3A_85 : vector<1x64x2048xf32> to vector<64x2048xf32>
    %swap3A_87 = vector.shape_cast %slice3A_81 : vector<64x2048xf32> to vector<1x64x2048xf32>
    tpu.vector_store %arg4[%swap3A_82, %swap3A_83, %swap3A_84], %swap3A_87 {strides = array<i32>} : memref<5x64x4096xf32, #tpu.memory_space<vmem>>, vector<1x64x2048xf32>,
    %slice3A_88 = vector.extract_strided_slice %dot_general3A_80 {offsets = [64, 0], sizes = [64, 2048], strides = [1, 1]} : vector<128x2048xf32> to vector<64x2048xf32>
    %swap3A_89 = arith.constant 3 : index
    %swap3A_90 = arith.constant 0 : index
    %swap3A_91 = arith.constant 2048 : index
    %swap3A_92 = vector.load %arg4[%swap3A_89, %swap3A_90, %swap3A_91] : memref<5x64x4096xf32, #tpu.memory_space<vmem>>, vector<1x64x2048xf32>
    %swap3A_93 = vector.shape_cast %swap3A_92 : vector<1x64x2048xf32> to vector<64x2048xf32>
    %swap3A_94 = vector.shape_cast %slice3A_88 : vector<64x2048xf32> to vector<1x64x2048xf32>
    tpu.vector_store %arg4[%swap3A_89, %swap3A_90, %swap3A_91], %swap3A_94 {strides = array<i32>} : memref<5x64x4096xf32, #tpu.memory_space<vmem>>, vector<1x64x2048xf32>,
    %get3A_95 = arith.constant 4 : index
    %get3A_96 = arith.constant 0 : index
    %get3A_97 = arith.constant 0 : index
    %get3A_98 = vector.load %arg1[%get3A_95, %get3A_96, %get3A_97] : memref<5x2048x128xf32, #tpu.memory_space<vmem>>, vector<1x2048x128xf32>
    %get3A_99 = vector.shape_cast %get3A_98 : vector<1x2048x128xf32> to vector<2048x128xf32>
    %convert_element_type3A_100 = arith.truncf %get3A_99 : vector<2048x128xf32> to vector<2048x128xbf16>
    %get3A_101 = arith.constant 0 : index
    %get3A_102 = arith.constant 0 : index
    %get3A_103 = vector.load %arg2[%get3A_101, %get3A_102] : memref<128x128xbf16, #tpu.memory_space<vmem>>, vector<128x128xbf16>
    %dot_general3A_104 = arith.constant dense<0.000000e+00> : vector<128x2048xf32>
    %dot_general3A_105 = tpu.matmul %get3A_103, %convert_element_type3A_100, %dot_general3A_104 {dimension_numbers = #tpu.dot_dimension_numbers<[1], [1], [0], [0], [0, 0, 1, 0], [], []>, transpose_lhs_hint = false} : vector<128x128xbf16>, vector<2048x128xbf16>, vector<128x2048xf32> -> vector<128x2048xf32>
    %slice3A_106 = vector.extract_strided_slice %dot_general3A_105 {offsets = [0, 0], sizes = [64, 2048], strides = [1, 1]} : vector<128x2048xf32> to vector<64x2048xf32>
    %swap3A_107 = arith.constant 4 : index
    %swap3A_108 = arith.constant 0 : index
    %swap3A_109 = arith.constant 0 : index
    %swap3A_110 = vector.load %arg4[%swap3A_107, %swap3A_108, %swap3A_109] : memref<5x64x4096xf32, #tpu.memory_space<vmem>>, vector<1x64x2048xf32>
    %swap3A_111 = vector.shape_cast %swap3A_110 : vector<1x64x2048xf32> to vector<64x2048xf32>
    %swap3A_112 = vector.shape_cast %slice3A_106 : vector<64x2048xf32> to vector<1x64x2048xf32>
    tpu.vector_store %arg4[%swap3A_107, %swap3A_108, %swap3A_109], %swap3A_112 {strides = array<i32>} : memref<5x64x4096xf32, #tpu.memory_space<vmem>>, vector<1x64x2048xf32>,
    %slice3A_113 = vector.extract_strided_slice %dot_general3A_105 {offsets = [64, 0], sizes = [64, 2048], strides = [1, 1]} : vector<128x2048xf32> to vector<64x2048xf32>
    %swap3A_114 = arith.constant 4 : index
    %swap3A_115 = arith.constant 0 : index
    %swap3A_116 = arith.constant 2048 : index
    %swap3A_117 = vector.load %arg4[%swap3A_114, %swap3A_115, %swap3A_116] : memref<5x64x4096xf32, #tpu.memory_space<vmem>>, vector<1x64x2048xf32>
    %swap3A_118 = vector.shape_cast %swap3A_117 : vector<1x64x2048xf32> to vector<64x2048xf32>
    %swap3A_119 = vector.shape_cast %slice3A_113 : vector<64x2048xf32> to vector<1x64x2048xf32>
    tpu.vector_store %arg4[%swap3A_114, %swap3A_115, %swap3A_116], %swap3A_119 {strides = array<i32>} : memref<5x64x4096xf32, #tpu.memory_space<vmem>>, vector<1x64x2048xf32>,
    return
  }
  func.func @transform_0(%arg0: i32) -> (i32, i32, i32) {
    %c0_i32 = arith.constant 0 : i32
    %c0_i32_0 = arith.constant 0 : i32
    %c0_i32_1 = arith.constant 0 : i32
    return %arg0, %c0_i32, %c0_i32_0 : i32, i32, i32
  }
  func.func @transform_1(%arg0: i32) -> (i32, i32) {
    %c0_i32 = arith.constant 0 : i32
    %c0_i32_0 = arith.constant 0 : i32
    %c0_i32_1 = arith.constant 0 : i32
    return %c0_i32, %c0_i32_0 : i32, i32
  }
  func.func @transform_3(%arg0: i32) -> (i32, i32, i32) {
    %add3A = arith.constant 20 : i32
    %add3A_0 = arith.addi %arg0, %add3A : i32
    %c0_i32 = arith.constant 0 : i32
    %c0_i32_1 = arith.constant 0 : i32
    %c0_i32_2 = arith.constant 0 : i32
    return %add3A_0, %c0_i32, %c0_i32_1 : i32, i32, i32
  }
}

module attributes {stable_mosaic.version = 14 : i64} {
  func.func @_transpose_body(%arg0: i32, %arg1: memref<5x2048x128xf32, #tpu.memory_space<vmem>>, %arg2: memref<128x128xbf16, #tpu.memory_space<vmem>>, %arg3: memref<200x64x4096xf32, #tpu.memory_space<any>>, %arg4: memref<5x64x4096xf32, #tpu.memory_space<vmem>>) attributes {dimension_semantics = [#tpu.dimension_semantics<arbitrary>], iteration_bounds = array<i64: 10>, scalar_prefetch = 0 : i64, scratch_operands = 0 : i64, tpu.core_type = #tpu.core_type<tc>, window_params = [{transform_indices = @transform_0, window_bounds = array<i64: 5, 2048, 128>}, {pipeline_mode = #tpu.pipeline_mode<synchronous>, transform_indices = @transform_1, window_bounds = array<i64: 128, 128>}, {}, {transform_indices = @transform_3, window_bounds = array<i64: 5, 64, 4096>}]} {
    %get3A = arith.constant 0 : index
    %get3A_0 = arith.constant 0 : index
    %get3A_1 = arith.constant 0 : index
    %get3A_2 = vector.load %arg1[%get3A, %get3A_0, %get3A_1] : memref<5x2048x128xf32, #tpu.memory_space<vmem>>, vector<1x2048x128xf32>
    %get3A_3 = vector.shape_cast %get3A_2 : vector<1x2048x128xf32> to vector<2048x128xf32>
    %convert_element_type3A = arith.truncf %get3A_3 : vector<2048x128xf32> to vector<2048x128xbf16>
    %get3A_4 = arith.constant 0 : index
    %get3A_5 = arith.constant 0 : index
    %get3A_6 = vector.load %arg2[%get3A_4, %get3A_5] : memref<128x128xbf16, #tpu.memory_space<vmem>>, vector<128x128xbf16>
    %dot_general3A = arith.constant dense<0.000000e+00> : vector<128x2048xf32>
    %dot_general3A_7 = tpu.matmul %get3A_6, %convert_element_type3A, %dot_general3A {dimension_numbers = #tpu.dot_dimension_numbers<[1], [1], [0], [0], [0, 0, 1, 0], [], []>, transpose_lhs_hint = false} : vector<128x128xbf16>, vector<2048x128xbf16>, vector<128x2048xf32> -> vector<128x2048xf32>
    %slice3A = vector.extract_strided_slice %dot_general3A_7 {offsets = [0, 0], sizes = [64, 2048], strides = [1, 1]} : vector<128x2048xf32> to vector<64x2048xf32>
    %swap3A = arith.constant 0 : index
    %swap3A_8 = arith.constant 0 : index
    %swap3A_9 = arith.constant 0 : index
    %swap3A_10 = vector.load %arg4[%swap3A, %swap3A_8, %swap3A_9] : memref<5x64x4096xf32, #tpu.memory_space<vmem>>, vector<1x64x2048xf32>
    %swap3A_11 = vector.shape_cast %swap3A_10 : vector<1x64x2048xf32> to vector<64x2048xf32>
    %swap3A_12 = vector.shape_cast %slice3A : vector<64x2048xf32> to vector<1x64x2048xf32>
    tpu.vector_store %arg4[%swap3A, %swap3A_8, %swap3A_9], %swap3A_12 {strides = array<i32>} : memref<5x64x4096xf32, #tpu.memory_space<vmem>>, vector<1x64x2048xf32>,
    %slice3A_13 = vector.extract_strided_slice %dot_general3A_7 {offsets = [64, 0], sizes = [64, 2048], strides = [1, 1]} : vector<128x2048xf32> to vector<64x2048xf32>
    %swap3A_14 = arith.constant 0 : index
    %swap3A_15 = arith.constant 0 : index
    %swap3A_16 = arith.constant 2048 : index
    %swap3A_17 = vector.load %arg4[%swap3A_14, %swap3A_15, %swap3A_16] : memref<5x64x4096xf32, #tpu.memory_space<vmem>>, vector<1x64x2048xf32>
    %swap3A_18 = vector.shape_cast %swap3A_17 : vector<1x64x2048xf32> to vector<64x2048xf32>
    %swap3A_19 = vector.shape_cast %slice3A_13 : vector<64x2048xf32> to vector<1x64x2048xf32>
    tpu.vector_store %arg4[%swap3A_14, %swap3A_15, %swap3A_16], %swap3A_19 {strides = array<i32>} : memref<5x64x4096xf32, #tpu.memory_space<vmem>>, vector<1x64x2048xf32>,
    %get3A_20 = arith.constant 1 : index
    %get3A_21 = arith.constant 0 : index
    %get3A_22 = arith.constant 0 : index
    %get3A_23 = vector.load %arg1[%get3A_20, %get3A_21, %get3A_22] : memref<5x2048x128xf32, #tpu.memory_space<vmem>>, vector<1x2048x128xf32>
    %get3A_24 = vector.shape_cast %get3A_23 : vector<1x2048x128xf32> to vector<2048x128xf32>
    %convert_element_type3A_25 = arith.truncf %get3A_24 : vector<2048x128xf32> to vector<2048x128xbf16>
    %get3A_26 = arith.constant 0 : index
    %get3A_27 = arith.constant 0 : index
    %get3A_28 = vector.load %arg2[%get3A_26, %get3A_27] : memref<128x128xbf16, #tpu.memory_space<vmem>>, vector<128x128xbf16>
    %dot_general3A_29 = arith.constant dense<0.000000e+00> : vector<128x2048xf32>
    %dot_general3A_30 = tpu.matmul %get3A_28, %convert_element_type3A_25, %dot_general3A_29 {dimension_numbers = #tpu.dot_dimension_numbers<[1], [1], [0], [0], [0, 0, 1, 0], [], []>, transpose_lhs_hint = false} : vector<128x128xbf16>, vector<2048x128xbf16>, vector<128x2048xf32> -> vector<128x2048xf32>
    %slice3A_31 = vector.extract_strided_slice %dot_general3A_30 {offsets = [0, 0], sizes = [64, 2048], strides = [1, 1]} : vector<128x2048xf32> to vector<64x2048xf32>
    %swap3A_32 = arith.constant 1 : index
    %swap3A_33 = arith.constant 0 : index
    %swap3A_34 = arith.constant 0 : index
    %swap3A_35 = vector.load %arg4[%swap3A_32, %swap3A_33, %swap3A_34] : memref<5x64x4096xf32, #tpu.memory_space<vmem>>, vector<1x64x2048xf32>
    %swap3A_36 = vector.shape_cast %swap3A_35 : vector<1x64x2048xf32> to vector<64x2048xf32>
    %swap3A_37 = vector.shape_cast %slice3A_31 : vector<64x2048xf32> to vector<1x64x2048xf32>
    tpu.vector_store %arg4[%swap3A_32, %swap3A_33, %swap3A_34], %swap3A_37 {strides = array<i32>} : memref<5x64x4096xf32, #tpu.memory_space<vmem>>, vector<1x64x2048xf32>,
    %slice3A_38 = vector.extract_strided_slice %dot_general3A_30 {offsets = [64, 0], sizes = [64, 2048], strides = [1, 1]} : vector<128x2048xf32> to vector<64x2048xf32>
    %swap3A_39 = arith.constant 1 : index
    %swap3A_40 = arith.constant 0 : index
    %swap3A_41 = arith.constant 2048 : index
    %swap3A_42 = vector.load %arg4[%swap3A_39, %swap3A_40, %swap3A_41] : memref<5x64x4096xf32, #tpu.memory_space<vmem>>, vector<1x64x2048xf32>
    %swap3A_43 = vector.shape_cast %swap3A_42 : vector<1x64x2048xf32> to vector<64x2048xf32>
    %swap3A_44 = vector.shape_cast %slice3A_38 : vector<64x2048xf32> to vector<1x64x2048xf32>
    tpu.vector_store %arg4[%swap3A_39, %swap3A_40, %swap3A_41], %swap3A_44 {strides = array<i32>} : memref<5x64x4096xf32, #tpu.memory_space<vmem>>, vector<1x64x2048xf32>,
    %get3A_45 = arith.constant 2 : index
    %get3A_46 = arith.constant 0 : index
    %get3A_47 = arith.constant 0 : index
    %get3A_48 = vector.load %arg1[%get3A_45, %get3A_46, %get3A_47] : memref<5x2048x128xf32, #tpu.memory_space<vmem>>, vector<1x2048x128xf32>
    %get3A_49 = vector.shape_cast %get3A_48 : vector<1x2048x128xf32> to vector<2048x128xf32>
    %convert_element_type3A_50 = arith.truncf %get3A_49 : vector<2048x128xf32> to vector<2048x128xbf16>
    %get3A_51 = arith.constant 0 : index
    %get3A_52 = arith.constant 0 : index
    %get3A_53 = vector.load %arg2[%get3A_51, %get3A_52] : memref<128x128xbf16, #tpu.memory_space<vmem>>, vector<128x128xbf16>
    %dot_general3A_54 = arith.constant dense<0.000000e+00> : vector<128x2048xf32>
    %dot_general3A_55 = tpu.matmul %get3A_53, %convert_element_type3A_50, %dot_general3A_54 {dimension_numbers = #tpu.dot_dimension_numbers<[1], [1], [0], [0], [0, 0, 1, 0], [], []>, transpose_lhs_hint = false} : vector<128x128xbf16>, vector<2048x128xbf16>, vector<128x2048xf32> -> vector<128x2048xf32>
    %slice3A_56 = vector.extract_strided_slice %dot_general3A_55 {offsets = [0, 0], sizes = [64, 2048], strides = [1, 1]} : vector<128x2048xf32> to vector<64x2048xf32>
    %swap3A_57 = arith.constant 2 : index
    %swap3A_58 = arith.constant 0 : index
    %swap3A_59 = arith.constant 0 : index
    %swap3A_60 = vector.load %arg4[%swap3A_57, %swap3A_58, %swap3A_59] : memref<5x64x4096xf32, #tpu.memory_space<vmem>>, vector<1x64x2048xf32>
    %swap3A_61 = vector.shape_cast %swap3A_60 : vector<1x64x2048xf32> to vector<64x2048xf32>
    %swap3A_62 = vector.shape_cast %slice3A_56 : vector<64x2048xf32> to vector<1x64x2048xf32>
    tpu.vector_store %arg4[%swap3A_57, %swap3A_58, %swap3A_59], %swap3A_62 {strides = array<i32>} : memref<5x64x4096xf32, #tpu.memory_space<vmem>>, vector<1x64x2048xf32>,
    %slice3A_63 = vector.extract_strided_slice %dot_general3A_55 {offsets = [64, 0], sizes = [64, 2048], strides = [1, 1]} : vector<128x2048xf32> to vector<64x2048xf32>
    %swap3A_64 = arith.constant 2 : index
    %swap3A_65 = arith.constant 0 : index
    %swap3A_66 = arith.constant 2048 : index
    %swap3A_67 = vector.load %arg4[%swap3A_64, %swap3A_65, %swap3A_66] : memref<5x64x4096xf32, #tpu.memory_space<vmem>>, vector<1x64x2048xf32>
    %swap3A_68 = vector.shape_cast %swap3A_67 : vector<1x64x2048xf32> to vector<64x2048xf32>
    %swap3A_69 = vector.shape_cast %slice3A_63 : vector<64x2048xf32> to vector<1x64x2048xf32>
    tpu.vector_store %arg4[%swap3A_64, %swap3A_65, %swap3A_66], %swap3A_69 {strides = array<i32>} : memref<5x64x4096xf32, #tpu.memory_space<vmem>>, vector<1x64x2048xf32>,
    %get3A_70 = arith.constant 3 : index
    %get3A_71 = arith.constant 0 : index
    %get3A_72 = arith.constant 0 : index
    %get3A_73 = vector.load %arg1[%get3A_70, %get3A_71, %get3A_72] : memref<5x2048x128xf32, #tpu.memory_space<vmem>>, vector<1x2048x128xf32>
    %get3A_74 = vector.shape_cast %get3A_73 : vector<1x2048x128xf32> to vector<2048x128xf32>
    %convert_element_type3A_75 = arith.truncf %get3A_74 : vector<2048x128xf32> to vector<2048x128xbf16>
    %get3A_76 = arith.constant 0 : index
    %get3A_77 = arith.constant 0 : index
    %get3A_78 = vector.load %arg2[%get3A_76, %get3A_77] : memref<128x128xbf16, #tpu.memory_space<vmem>>, vector<128x128xbf16>
    %dot_general3A_79 = arith.constant dense<0.000000e+00> : vector<128x2048xf32>
    %dot_general3A_80 = tpu.matmul %get3A_78, %convert_element_type3A_75, %dot_general3A_79 {dimension_numbers = #tpu.dot_dimension_numbers<[1], [1], [0], [0], [0, 0, 1, 0], [], []>, transpose_lhs_hint = false} : vector<128x128xbf16>, vector<2048x128xbf16>, vector<128x2048xf32> -> vector<128x2048xf32>
    %slice3A_81 = vector.extract_strided_slice %dot_general3A_80 {offsets = [0, 0], sizes = [64, 2048], strides = [1, 1]} : vector<128x2048xf32> to vector<64x2048xf32>
    %swap3A_82 = arith.constant 3 : index
    %swap3A_83 = arith.constant 0 : index
    %swap3A_84 = arith.constant 0 : index
    %swap3A_85 = vector.load %arg4[%swap3A_82, %swap3A_83, %swap3A_84] : memref<5x64x4096xf32, #tpu.memory_space<vmem>>, vector<1x64x2048xf32>
    %swap3A_86 = vector.shape_cast %swap3A_85 : vector<1x64x2048xf32> to vector<64x2048xf32>
    %swap3A_87 = vector.shape_cast %slice3A_81 : vector<64x2048xf32> to vector<1x64x2048xf32>
    tpu.vector_store %arg4[%swap3A_82, %swap3A_83, %swap3A_84], %swap3A_87 {strides = array<i32>} : memref<5x64x4096xf32, #tpu.memory_space<vmem>>, vector<1x64x2048xf32>,
    %slice3A_88 = vector.extract_strided_slice %dot_general3A_80 {offsets = [64, 0], sizes = [64, 2048], strides = [1, 1]} : vector<128x2048xf32> to vector<64x2048xf32>
    %swap3A_89 = arith.constant 3 : index
    %swap3A_90 = arith.constant 0 : index
    %swap3A_91 = arith.constant 2048 : index
    %swap3A_92 = vector.load %arg4[%swap3A_89, %swap3A_90, %swap3A_91] : memref<5x64x4096xf32, #tpu.memory_space<vmem>>, vector<1x64x2048xf32>
    %swap3A_93 = vector.shape_cast %swap3A_92 : vector<1x64x2048xf32> to vector<64x2048xf32>
    %swap3A_94 = vector.shape_cast %slice3A_88 : vector<64x2048xf32> to vector<1x64x2048xf32>
    tpu.vector_store %arg4[%swap3A_89, %swap3A_90, %swap3A_91], %swap3A_94 {strides = array<i32>} : memref<5x64x4096xf32, #tpu.memory_space<vmem>>, vector<1x64x2048xf32>,
    %get3A_95 = arith.constant 4 : index
    %get3A_96 = arith.constant 0 : index
    %get3A_97 = arith.constant 0 : index
    %get3A_98 = vector.load %arg1[%get3A_95, %get3A_96, %get3A_97] : memref<5x2048x128xf32, #tpu.memory_space<vmem>>, vector<1x2048x128xf32>
    %get3A_99 = vector.shape_cast %get3A_98 : vector<1x2048x128xf32> to vector<2048x128xf32>
    %convert_element_type3A_100 = arith.truncf %get3A_99 : vector<2048x128xf32> to vector<2048x128xbf16>
    %get3A_101 = arith.constant 0 : index
    %get3A_102 = arith.constant 0 : index
    %get3A_103 = vector.load %arg2[%get3A_101, %get3A_102] : memref<128x128xbf16, #tpu.memory_space<vmem>>, vector<128x128xbf16>
    %dot_general3A_104 = arith.constant dense<0.000000e+00> : vector<128x2048xf32>
    %dot_general3A_105 = tpu.matmul %get3A_103, %convert_element_type3A_100, %dot_general3A_104 {dimension_numbers = #tpu.dot_dimension_numbers<[1], [1], [0], [0], [0, 0, 1, 0], [], []>, transpose_lhs_hint = false} : vector<128x128xbf16>, vector<2048x128xbf16>, vector<128x2048xf32> -> vector<128x2048xf32>
    %slice3A_106 = vector.extract_strided_slice %dot_general3A_105 {offsets = [0, 0], sizes = [64, 2048], strides = [1, 1]} : vector<128x2048xf32> to vector<64x2048xf32>
    %swap3A_107 = arith.constant 4 : index
    %swap3A_108 = arith.constant 0 : index
    %swap3A_109 = arith.constant 0 : index
    %swap3A_110 = vector.load %arg4[%swap3A_107, %swap3A_108, %swap3A_109] : memref<5x64x4096xf32, #tpu.memory_space<vmem>>, vector<1x64x2048xf32>
    %swap3A_111 = vector.shape_cast %swap3A_110 : vector<1x64x2048xf32> to vector<64x2048xf32>
    %swap3A_112 = vector.shape_cast %slice3A_106 : vector<64x2048xf32> to vector<1x64x2048xf32>
    tpu.vector_store %arg4[%swap3A_107, %swap3A_108, %swap3A_109], %swap3A_112 {strides = array<i32>} : memref<5x64x4096xf32, #tpu.memory_space<vmem>>, vector<1x64x2048xf32>,
    %slice3A_113 = vector.extract_strided_slice %dot_general3A_105 {offsets = [64, 0], sizes = [64, 2048], strides = [1, 1]} : vector<128x2048xf32> to vector<64x2048xf32>
    %swap3A_114 = arith.constant 4 : index
    %swap3A_115 = arith.constant 0 : index
    %swap3A_116 = arith.constant 2048 : index
    %swap3A_117 = vector.load %arg4[%swap3A_114, %swap3A_115, %swap3A_116] : memref<5x64x4096xf32, #tpu.memory_space<vmem>>, vector<1x64x2048xf32>
    %swap3A_118 = vector.shape_cast %swap3A_117 : vector<1x64x2048xf32> to vector<64x2048xf32>
    %swap3A_119 = vector.shape_cast %slice3A_113 : vector<64x2048xf32> to vector<1x64x2048xf32>
    tpu.vector_store %arg4[%swap3A_114, %swap3A_115, %swap3A_116], %swap3A_119 {strides = array<i32>} : memref<5x64x4096xf32, #tpu.memory_space<vmem>>, vector<1x64x2048xf32>,
    return
  }
  func.func @transform_0(%arg0: i32) -> (i32, i32, i32) {
    %c0_i32 = arith.constant 0 : i32
    %c0_i32_0 = arith.constant 0 : i32
    %c0_i32_1 = arith.constant 0 : i32
    return %arg0, %c0_i32, %c0_i32_0 : i32, i32, i32
  }
  func.func @transform_1(%arg0: i32) -> (i32, i32) {
    %c0_i32 = arith.constant 0 : i32
    %c0_i32_0 = arith.constant 0 : i32
    %c0_i32_1 = arith.constant 0 : i32
    return %c0_i32, %c0_i32_0 : i32, i32
  }
  func.func @transform_3(%arg0: i32) -> (i32, i32, i32) {
    %add3A = arith.constant 30 : i32
    %add3A_0 = arith.addi %arg0, %add3A : i32
    %c0_i32 = arith.constant 0 : i32
    %c0_i32_1 = arith.constant 0 : i32
    %c0_i32_2 = arith.constant 0 : i32
    return %add3A_0, %c0_i32, %c0_i32_1 : i32, i32, i32
  }
}

</mosaic_0001>

<sc_bundles>
// kernel: kernel.11.cloned.1.call-start
scs
__scs_entry_jumppad:
0x0: {  	(pc) =	sbr.rel $0x88, $3  }
0x1: {  	(tag) =	ssettag $0x0;
	lr =	simm.s32 $0x1  }
0x2: {  	[smem:$0x3F9D] =	sst lr;
	_ =	strace $0xD0000000  }
0x3: {  	_ = 	snop  }
0x4: {  	_ = 	snop  }
0x5: {  	_ = 	snop  }
0x6: {  	_ = 	snop  }
0x7: {  	_ = 	snop  }
__scs_overlays_trampoline_lowered:
0x8: {  	[smem:$0x3FAC] =	sst s0  }
0x9: {  	[smem:$0x3FAD] =	sst s1  }
0xa: {  	[smem:$0x3FAE] =	sst s2  }
0xb: {  	[smem:$0x3FAF] =	sst s3  }
0xc: {  	[smem:$0x3FB0] =	sst s4  }
0xd: {  	[smem:$0x3FB1] =	sst s5  }
0xe: {  	[smem:$0x3FB2] =	sst s6  }
0xf: {  	[smem:$0x3FB3] =	sst s7  }
0x10: {  	[smem:$0x3FB4] =	sst s8  }
0x11: {  	[smem:$0x3FB5] =	sst s9;
	s0 =	simm.s32 @!p0 $0x0  }
0x12: {  	s1 =	sld [smem:$0x3F9B];
	s0 =	simm.s32 @p0 $0x1  }
0x13: {  	[smem:$0x3FB6] =	sst s0;
	s0 =	simm.s32 @!p1 $0x0  }
0x14: {  	s2 =	sld [smem:$0x3F9A];
	s0 =	simm.s32 @p1 $0x1  }
0x15: {  	[smem:$0x3FB7] =	sst s0;
	s0 =	simm.s32 @!p2 $0x0  }
0x16: {  	s3 =	sld [smem:$0x3FDB];
	s0 =	simm.s32 @p2 $0x1  }
0x17: {  	s4 =	simm.s32 $0x1BF5;
	[smem:$0x3FB9] =	sst s0  }
0x18: {  	s0 =	sld [smem:$0x3F9C];
	_ =	swait.ge [sflag:s4], $0x0  }
0x19: {  	s7 =	sld [smem:$0x3F9D]  }
0x1a: {  	s8 =	sadd.s32 $0xFFFFE003, lr  }
0x1b: {  	s9 =	sadd.s32 $0xFFFFFEF7, lr;
	s5 =	simm.s32 $0xFFFFFFFF;
	p2 =	slt.u32 s8, $0xFFFFF086  }
0x1c: {  	p1 =	slt.u32 s9, $0xF7A;
	s5 =	simm.s32 @!p2 $0x0  }
0x1d: {  	s5 =	simm.s32 @p1 $0x1;
	p0 =	seq.s32 s7, s2  }
0x1e: {  	s7 =	smul.u32 @!p0 $0xF7A, s2;
	p2 =	seq.s32 @!p0 s5, $0x0  }
0x1f: {  	s9 =	smul.u32 $0xF7A, s1;
	s8 =	simm.s32 @!p0 $0x1BF5;
	p2 =	por !p2, p0  }
0x20: {  	[sflag:s8] =	ssyncset.s32 @!p0 $0xFFFFF086;
	s6 =	sadd.s32 @!p0 s3, s7;
	s7 =	simm.s32 @!p0 $0x108  }
0x21: {  	s3 =	sadd.s32 s3, s9;
	s6 =	sadd.s32 @!p0 $0x88, s6;
	s7 =	simm.s32 @p2 $0x1082  }
0x22: {  	[simem:s7], [sflag:s8] =	dma.local @!p0 [hbm:s6], $0xF7A  }
0x23: {  	s9 =	sor.u32 $0xD0000000, s2;
	s6 =	simm.s32 $0x108;
	_ =	swait.ge @!p0 [sflag:s8], $0x0  }
0x24: {  	s3 =	sadd.s32 $0x88, s3;
	s6 =	simm.s32 @!p1 $0x1082;
	[sflag:s4] =	ssyncset.s32 $0xFFFFF086  }
0x25: {  	[simem:s6], [sflag:s4] =	dma.local [hbm:s3], $0xF7A  }
0x26: {  	[smem:$0x3F9D] =	sst s1;
	(tag) =	ssettag s2;
	_ =	strace s9  }
0x27: {  	s1 =	sld [smem:$0x3FAD]  }
0x28: {  	s2 =	sld [smem:$0x3FAE]  }
0x29: {  	s4 =	sld [smem:$0x3FB0]  }
0x2a: {  	p0 =	seq.s32 s5, $0x0;
	s5 =	sld [smem:$0x3FB1]  }
0x2b: {  	s6 =	sld [smem:$0x3FB2]  }
0x2c: {  	s7 =	sld [smem:$0x3FB3]  }
0x2d: {  	s3 =	simm.s32 $0x108;
	s8 =	sld [smem:$0x3FB4]  }
0x2e: {  	s3 =	simm.s32 @!p0 $0x1082;
	s9 =	sld [smem:$0x3FB5]  }
0x2f: {  	lr =	sadd.s32 s0, s3;
	s0 =	sld [smem:$0x3FAC]  }
0x30: {  	s3 =	sld [smem:$0x3FAF]  }
0x31: {  	[smem:$0x3FB8] =	sst s10  }
0x32: {  	s10 =	sld [smem:$0x3FB6];
	_ =	sdelay $0x3  }
0x33: {  	p0 =	seq.s32 s10, $0x1;
	s10 =	sld [smem:$0x3FB8];
	_ =	sdelay $0x3  }
0x34: {  	[smem:$0x3FB8] =	sst s10  }
0x35: {  	s10 =	sld [smem:$0x3FB7];
	_ =	sdelay $0x3  }
0x36: {  	p1 =	seq.s32 s10, $0x1;
	s10 =	sld [smem:$0x3FB8];
	_ =	sdelay $0x3  }
0x37: {  	[smem:$0x3FB8] =	sst s10  }
0x38: {  	s10 =	sld [smem:$0x3FB9]  }
0x39: {  	_ = 	snop;
	(pc) =	sbr.ind lr, $3  }
0x3a: {  	_ = 	snop  }
0x3b: {  	_ = 	snop  }
0x3c: {  	p2 =	seq.s32 s10, $0x1;
	s10 =	sld [smem:$0x3FB8]  }
0x3d: {  	_ =	shalt  }
0x3e: {  	_ =	shalt  }
0x3f: {  	_ =	shalt  }
0x40: {  	_ =	shalt  }
0x41: {  	_ =	shalt  }
0x42: {  	_ =	shalt  }
0x43: {  	_ =	shalt  }
0x44: {  	_ =	shalt  }
0x45: {  	_ =	shalt  }
0x46: {  	_ =	shalt  }
0x47: {  	_ =	shalt  }
0x48: {  	_ =	shalt  }
0x49: {  	_ =	shalt  }
0x4a: {  	_ =	shalt  }
0x4b: {  	_ =	shalt  }
0x4c: {  	_ =	shalt  }
0x4d: {  	_ =	shalt  }
0x4e: {  	_ =	shalt  }
0x4f: {  	_ =	shalt  }
0x50: {  	_ =	shalt  }
0x51: {  	_ =	shalt  }
0x52: {  	_ =	shalt  }
0x53: {  	_ =	shalt  }
0x54: {  	_ =	shalt  }
0x55: {  	_ =	shalt  }
0x56: {  	_ =	shalt  }
0x57: {  	_ =	shalt  }
0x58: {  	_ =	shalt  }
0x59: {  	_ =	shalt  }
0x5a: {  	_ =	shalt  }
0x5b: {  	_ =	shalt  }
0x5c: {  	_ =	shalt  }
0x5d: {  	_ =	shalt  }
0x5e: {  	_ =	shalt  }
0x5f: {  	_ =	shalt  }
0x60: {  	_ =	shalt  }
0x61: {  	_ =	shalt  }
0x62: {  	_ =	shalt  }
0x63: {  	_ =	shalt  }
0x64: {  	_ =	shalt  }
0x65: {  	_ =	shalt  }
0x66: {  	_ =	shalt  }
0x67: {  	_ =	shalt  }
0x68: {  	_ =	shalt  }
0x69: {  	_ =	shalt  }
0x6a: {  	_ =	shalt  }
0x6b: {  	_ =	shalt  }
0x6c: {  	_ =	shalt  }
0x6d: {  	_ =	shalt  }
0x6e: {  	_ =	shalt  }
0x6f: {  	_ =	shalt  }
0x70: {  	_ =	shalt  }
0x71: {  	_ =	shalt  }
0x72: {  	_ =	shalt  }
0x73: {  	_ =	shalt  }
0x74: {  	_ =	shalt  }
0x75: {  	_ =	shalt  }
0x76: {  	_ =	shalt  }
0x77: {  	_ =	shalt  }
0x78: {  	_ =	shalt  }
0x79: {  	_ =	shalt  }
0x7a: {  	_ =	shalt  }
0x7b: {  	_ =	shalt  }
0x7c: {  	_ =	shalt  }
0x7d: {  	_ =	shalt  }
0x7e: {  	_ =	shalt  }
0x7f: {  	_ =	shalt  }
0x80: {  	_ =	shalt  }
0x81: {  	_ =	shalt  }
0x82: {  	_ =	shalt  }
0x83: {  	_ =	shalt  }
0x84: {  	_ =	shalt  }
0x85: {  	_ =	shalt  }
0x86: {  	_ =	shalt  }
0x87: {  	_ =	shalt  }
.Lfunc_end0:
.L_simem_size_0:
called_computation_lowered:
.L_overlay_start_0:
0x88: {  	s2 =	sld [smem:$0x3FD9]  }
0x89: {  	s3 =	sld [smem:$0x3FFE];
	_ =	sdelay $0x1  }
0x8a: {  	s1 =	srdreg.scid  }
0x8b: {  	s0 =	sand.u32 $0x1, s1  }
0x8c: {  	s16 =	sshll.u32 s0, $0xA;
	s2 =	sadd.s32 s3, s2  }
0x8d: {  	s2 =	sadd.s32 s2, s16  }
0x8e: {  	[smem:$0x3FC4] =	sst s2  }
0x8f: {  	_ = 	snop  }
0x90: {  	(tm) =	ssettm $0x1  }
0x91: {  	s17 =	sld [smem:$0x3FFB];
	_ =	sdelay $0x3  }
0x92: {  	_ =	strace s17  }
0x93: {  	s2 =	sld [smem:$0x3FFC];
	_ =	sdelay $0x3  }
0x94: {  	_ =	strace s2  }
0x95: {  	s2 =	sld [smem:$0x3FFD];
	_ =	sdelay $0x3  }
0x96: {  	_ =	strace s2  }
0x97: {  	_ =	strace $0x8FFFFFFF  }
0x98: {  	s18 =	sld [smem:$0x3FDB];
	_ =	sdelay $0x1  }
0x99: {  	s19 =	simm.s32 $_scs_section_size  }
0x9a: {  	s4 =	simm.s32 $_size__tile_overlayer_lowered;
	s5 =	simm.s32 $_tile_overlayer_lowered  }
0x9b: {  	s22 =	simm.s32 $0x1BFF;
	s21 =	sshll.u32 s5, $0x1;
	s2 =	sadd.s32 s19, s18  }
0x9c: {  	s6 =	simm.s32 $0x0;
	s20 =	sshll.u32 s4, $0x1;
	s4 =	sadd.s32 s21, s2  }
0x9d: {  	[timem:s6], [sflag:s22] =	dma.local [hbm:s4], s20  }
0x9e: {  	_ =	swait.ge [sflag:s22], s20  }
0x9f: {  	s3 =	ssub.s32 $0x0, s20;
	[sflag:s22] =	ssyncset.done $0x0  }
0xa0: {  	[sflag:s22] =	ssyncadd.s32 s3;
	_ =	sdelay $0x1  }
0xa1: {  	s23 =	simm.s32 $0x1B8B  }
0xa2: {  	_ =	swait.ge [sflag:s23], $0x1  }
0xa3: {  	[sflag:s23] =	ssyncset.done $0x0  }
0xa4: {  	s25 =	simm.s32 $0x1B8E;
	s24 =	sld [smem:$0x3FFE];
	[sflag:s23] =	ssyncadd.s32 $0xFFFFFFFF  }
0xa5: {  	s26 =	simm.s32 $execute0_lowered;
	[smem:$0x3FD2] =	sst s25  }
0xa6: {  	s4 =	sshll.u32 s26, $0x1;
	_ =	strace $0x80000046;
	[dreg:$0x1] =	wrdreg $0xFFFFFFFF  }
0xa7: {  	s28 =	simm.s32 $_size_execute0_lowered;
	s2 =	sadd.s32 s2, s4;
	[dreg:$0x0] =	wrdreg $0x0  }
0xa8: {  	s4 =	sshll.u32 s28, $0x1;
	[dreg:$0x2] =	wrdreg s2  }
0xa9: {  	[dreg:$0x3] =	wrdreg s4  }
0xaa: {  	[dreg:$0x4] =	wrdreg $0xC0  }
0xab: {  	_ =	task [dreg:s6], $0x5FFFF  }
0xac: {  	[dreg:$0x1] =	wrdreg $0xFFFFFFFF  }
0xad: {  	[dreg:$0x0] =	wrdreg $0x60  }
0xae: {  	[dreg:$0x2] =	wrdreg s24  }
0xaf: {  	[dreg:$0x3] =	wrdreg $0x9  }
0xb0: {  	_ =	task.clear_ibuf [dreg:s6], $0x4FFFF;
	_ =	strace $0x90000046  }
0xb1: {  	s29 =	simm.s32 $0x9;
	_ =	strace $0x80000048  }
0xb2: {  	_ =	swait.ge [sflag:s29], $0x1  }
0xb3: {  	[sflag:s29] =	ssyncadd.s32 $0xFFFFFFFF  }
0xb4: {  	_ =	strace $0x90000048  }
0xb5: {  	_ =	sfence  }
0xb6: {  	s30 =	sld [smem:$0x0];
	_ =	sdelay $0x2  }
0xb7: {  	s31 =	sshll.u32 s1, $0xD;
	s1 =	sshrl.u32 s1, $0x2  }
0xb8: {  	s3 =	sand.u32 $0x4000, s31;
	s1 =	sadd.s32 s1, s30  }
0xb9: {  	s0 =	sor.u32 s3, s0;
	s1 =	sshll.u32 s1, $0x11  }
0xba: {  	s0 =	sor.u32 s1, s0  }
0xbb: {  	s0 =	sadd.s32 $0x8F2B, s0  }
0xbc: {  	[sflag:s0] =	ssyncadd.remote.s32 $0x1  }
0xbd: {  	_ =	sfence.sel $0xFFFF  }
0xbe: {  	[dreg:$0x0] =	wrdreg $0xFFFFFFFF;
	(pc) =	sbr.abs _section_cstart, $3  }
0xbf: {  	[dreg:$0x1] =	wrdreg $0xFFFFFFFF  }
0xc0: {  	_ =	task.clear_ibuf [dreg:s6], $0x2FFFF;
	_ =	strace $0x9FFFFFFF  }
0xc1: {  	(tm) =	ssettm $0x7FFFFFFF  }
tec
execute0_lowered:
.L_overlay_start_1:
0x0: {  	(tag) =	ssettag $0x1  }
0x1: {  	s1 =	srdreg.scid  }
0x2: {  	s0 =	stileid.u32;
	s5 =	rddreg [dreg:$0x0]  }
0x3: {  	s2 =	simm.s32 $0x0;
	s12 =	simm.s32 $0x3900;
	s13 =	simm.s32 $0x1  }
0x4: {  	s14 =	simm.s32 $0x40;
	s15 =	simm.s32 $0x2;
	s16 =	simm.s32 $0x0  }
0x5: {  	s4 =	sand.u32 $0x1, s1;
	s29 =	sshll.u32 s0, $0x1;
	s1 =	rddreg [dreg:$0x1]  }
0x6: {  	[smem:$0x7FF] =	sst s2;
	s8 =	sshll.u32 s0, $0x3;
	s9 =	sadd.s32 $0x7E5E00, s5  }
0x7: {  	s10 =	sshll.u32 s0, $0xF;
	s6 =	sor.u32 s4, s29;
	_ =	strace $0x80000047  }
0x8: {  	s30 =	ssub.s32 $0x2, s4;
	s4 =	sshll.u32 s4, $0xE;
	s3 =	smul.u32 $0x320, s6  }
0x9: {  	s6 =	sshll.u32 s6, $0xE;
	s11 =	sshrl.u32 s30, $0x1;
	s4 =	sor.u32 s4, s10  }
0xa: {  	s10 =	simm.s32 $0x80;
	s6 =	sor.u32 s8, s6;
	s31 =	ssub.s32 s30, s11  }
0xb: {  	s8 =	sor.u32 s8, s4;
	s11 =	simm.s32 $0x1900;
	s7 =	sadd.s32 s3, s5  }
0xc: {  	s3 =	sadd.s32 $0x15E00, s5;
	s6 =	sand.u32 $0x3C040, s6;
	s8 =	sand.u32 $0x3C040, s8  }
0xd: {  	s6 =	sshrl.u32 s6, $0x3;
	s4 =	sadd.s32 $0xFA00, s7;
	s8 =	sshrl.u32 s8, $0x3  }
0xe: {  	s7 =	smax.u32 s31, $0x1;
	s6 =	sadd.s32 s6, s9;
	s8 =	sadd.s32 s8, s9  }
0xf: {  	s9 =	simm.s32 $0x3;
	s5 =	sadd.s32 $0x180000, s6;
	s6 =	sadd.s32 $0x188000, s6  }
.LBB2_1:
0x10: {  	[tilespmem:s2], [sflag:$0x3] =	stream.linear.gather [hbm4b:s4+s2], $0x1900, $0x38;
	[tilespmem:$0x5900] =	vst v63  }
0x11: {  	_ =	swait.ge [sflag:s9], $0x1900  }
0x12: {  	[sflag:s9] =	ssyncset.done $0x0  }
0x13: {  	[sflag:s9] =	ssyncadd.s32 $0xFFFFE700  }
0x14: {  	[tilespmem:s11], [sflag:$0x1] =	stream.indirect.gather [hbm4b:s3+s10], $0x40, s2, s10, $0xb8;
	[tilespmem:$0x5900] =	vst v63  }
0x15: {  	_ = 	snop  }
0x16: {  	[tilespmem:s12], [sflag:$0x2] =	stream.indirect.gather [hbm4b:s3+s10], $0x40, s10, s10, $0xb8;
	[tilespmem:$0x5900] =	vst v63  }
0x17: {  	_ =	swait.ge [sflag:s13], $0x2000  }
0x18: {  	[sflag:s13] =	ssyncset.done $0x0  }
0x19: {  	s17 =	sadd.s32 $0x0, s8;
	[sflag:s13] =	ssyncadd.s32 $0xFFFFE000  }
0x1a: {  	[hbm4b:s17+s14] =	stream.strided.scatter [tilespmem:s11], [sflag:$0x3], $0x2000, s10, s14, $0x38;
	[tilespmem:$0x5900] =	vst v63  }
0x1b: {  	_ =	swait.ge [sflag:s9], $0x2000  }
0x1c: {  	[sflag:s9] =	ssyncset.done $0x0  }
0x1d: {  	s18 =	simm.s32 $0x100;
	[sflag:s9] =	ssyncadd.s32 $0xFFFFE000  }
0x1e: {  	[tilespmem:s11], [sflag:$0x1] =	stream.indirect.gather [hbm4b:s3+s10], $0x40, s18, s10, $0xb8;
	[tilespmem:$0x5900] =	vst v63  }
0x1f: {  	_ =	swait.ge [sflag:s15], $0x2000  }
0x20: {  	[sflag:s15] =	ssyncset.done $0x0  }
0x21: {  	s17 =	sadd.s32 $0x8000, s17;
	[sflag:s15] =	ssyncadd.s32 $0xFFFFE000  }
0x22: {  	[hbm4b:s17+s14] =	stream.strided.scatter [tilespmem:s12], [sflag:$0x3], $0x2000, s10, s14, $0x38;
	[tilespmem:$0x5900] =	vst v63  }
0x23: {  	_ =	swait.ge [sflag:s9], $0x2000  }
0x24: {  	s19 =	simm.s32 $0x280;
	[sflag:s9] =	ssyncset.done $0x0  }
0x25: {  	s18 =	simm.s32 $0x10000;
	s17 =	simm.s32 $0x180;
	[sflag:s9] =	ssyncadd.s32 $0xFFFFE000  }
.LBB2_2:
0x26: {  	[tilespmem:s12], [sflag:$0x2] =	stream.indirect.gather [hbm4b:s3+s10], $0x40, s17, s10, $0xb8;
	[tilespmem:$0x5900] =	vst v63  }
0x27: {  	s20 =	smov.u32 s18;
	s17 =	smov.u32 s19  }
0x28: {  	p0 =	sne.s32 s18, $0x170000;
	s18 =	sadd.s32 $0x10000, s18;
	_ =	swait.ge [sflag:s13], $0x2000  }
0x29: {  	[sflag:s13] =	ssyncset.done $0x0  }
0x2a: {  	s20 =	sadd.s32 s20, s8;
	[sflag:s13] =	ssyncadd.s32 $0xFFFFE000  }
0x2b: {  	[hbm4b:s20+s14] =	stream.strided.scatter [tilespmem:s11], [sflag:$0x3], $0x2000, s10, s14, $0x38;
	[tilespmem:$0x5900] =	vst v63  }
0x2c: {  	_ =	swait.ge [sflag:s9], $0x2000  }
0x2d: {  	[sflag:s9] =	ssyncset.done $0x0  }
0x2e: {  	s21 =	sadd.s32 $0xFFFFFF80, s19;
	[sflag:s9] =	ssyncadd.s32 $0xFFFFE000  }
0x2f: {  	[tilespmem:s11], [sflag:$0x1] =	stream.indirect.gather [hbm4b:s3+s10], $0x40, s21, s10, $0xb8;
	[tilespmem:$0x5900] =	vst v63  }
0x30: {  	_ =	swait.ge [sflag:s15], $0x2000  }
0x31: {  	[sflag:s15] =	ssyncset.done $0x0  }
.Ltmp0:
0x32: {  	s20 =	sadd.s32 $0x8000, s20;
	[sflag:s15] =	ssyncadd.s32 $0xFFFFE000;
	(pc) =	sbr.rel @p0 .LBB2_2-.Ltmp0, $4  }
0x33: {  	[hbm4b:s20+s14] =	stream.strided.scatter [tilespmem:s12], [sflag:$0x3], $0x2000, s10, s14, $0x38;
	[tilespmem:$0x5900] =	vst v63  }
0x34: {  	_ =	swait.ge [sflag:s9], $0x2000  }
0x35: {  	[sflag:s9] =	ssyncset.done $0x0  }
0x36: {  	s19 =	sadd.s32 $0x100, s19;
	[sflag:s9] =	ssyncadd.s32 $0xFFFFE000  }
0x37: {  	[tilespmem:s12], [sflag:$0x2] =	stream.indirect.gather [hbm4b:s3+s10], $0x40, s17, s10, $0xb8;
	[tilespmem:$0x5900] =	vst v63  }
0x38: {  	_ =	swait.ge [sflag:s13], $0x2000  }
0x39: {  	[sflag:s13] =	ssyncset.done $0x0  }
0x3a: {  	[sflag:s13] =	ssyncadd.s32 $0xFFFFE000  }
0x3b: {  	[hbm4b:s5+s14] =	stream.strided.scatter [tilespmem:s11], [sflag:$0x3], $0x2000, s10, s14, $0x38;
	[tilespmem:$0x5900] =	vst v63  }
0x3c: {  	_ =	swait.ge [sflag:s9], $0x2000  }
0x3d: {  	[sflag:s9] =	ssyncset.done $0x0  }
0x3e: {  	[sflag:s9] =	ssyncadd.s32 $0xFFFFE000  }
0x3f: {  	s16 =	sadd.s32 $0x1, s16;
	_ =	swait.ge [sflag:s15], $0x2000  }
0x40: {  	p0 =	sne.s32 s16, s7;
	[sflag:s15] =	ssyncset.done $0x0  }
.Ltmp1:
0x41: {  	[sflag:s15] =	ssyncadd.s32 $0xFFFFE000;
	(pc) =	sbr.rel @p0 .LBB2_1-.Ltmp1, $4  }
0x42: {  	[hbm4b:s6+s14] =	stream.strided.scatter [tilespmem:s12], [sflag:$0x3], $0x2000, s10, s14, $0x38;
	[tilespmem:$0x5900] =	vst v63  }
0x43: {  	_ =	swait.ge [sflag:s9], $0x2000  }
0x44: {  	[sflag:s9] =	ssyncset.done $0x0  }
0x45: {  	[sflag:s9] =	ssyncadd.s32 $0xFFFFE000  }
0x46: {  	_ =	sfence.sel $0x180000  }
0x47: {  	[bflag:$0x0] =	sbarrier.arrive $0xFFFF  }
0x48: {  	p0 =	sne.s32 s0, $0x0;
	_ =	strace $0x90000047  }
0x49: {  	s0 =	sadd.s32 @!p0 $0x100000, s1;
	[bflag:$0x2] =	sbarrier.arrive $0xFFFF  }
0x4a: {  	[sflag:s0] =	ssyncadd.tile.s32 @!p0 $0x1;
	_ =	shalt  }
.Lfunc_end2:
_tile_overlayer_lowered:
.L_overlay_start_2:
0x4b: {  	(tag) =	ssettag $0x2  }
0x4c: {  	s0 =	rddreg [dreg:$0x0];
	s2 =	stileid.u32  }
0x4d: {  	s1 =	rddreg [dreg:$0x1];
	p0 =	sne.s32 s2, $0x0  }
0x4e: {  	s3 =	rddreg [dreg:$0x2];
	[bflag:$0x3] =	sbarrier.arrive $0xFFFF;
	s2 =	simm.s32 @!p0 $0x1C03  }
0x4f: {  	[timem:s3], [sflag:s2] =	dma.local @!p0 [hbm:s0], s1  }
0x50: {  	s0 =	simm.s32 @!p0 $0x3  }
0x51: {  	_ =	swait.ge @!p0 [sflag:s0], s1  }
0x52: {  	s1 =	ssub.s32 @!p0 $0x0, s1;
	[sflag:s0] =	ssyncset.done @!p0 $0x0  }
0x53: {  	[sflag:s0] =	ssyncadd.s32 @!p0 s1  }
0x54: {  	[bflag:$0x3] =	sbarrier.arrive $0xFFFF  }
0x55: {  	_ =	shalt  }

// kernel: kernel.14.cloned.1.call-start
scs
__scs_entry_jumppad:
0x0: {  	(pc) =	sbr.rel $0x88, $3  }
0x1: {  	(tag) =	ssettag $0x0;
	lr =	simm.s32 $0x1  }
0x2: {  	[smem:$0x3F9D] =	sst lr;
	_ =	strace $0xD0000000  }
0x3: {  	_ = 	snop  }
0x4: {  	_ = 	snop  }
0x5: {  	_ = 	snop  }
0x6: {  	_ = 	snop  }
0x7: {  	_ = 	snop  }
__scs_overlays_trampoline_lowered:
0x8: {  	[smem:$0x3FAC] =	sst s0  }
0x9: {  	[smem:$0x3FAD] =	sst s1  }
0xa: {  	[smem:$0x3FAE] =	sst s2  }
0xb: {  	[smem:$0x3FAF] =	sst s3  }
0xc: {  	[smem:$0x3FB0] =	sst s4  }
0xd: {  	[smem:$0x3FB1] =	sst s5  }
0xe: {  	[smem:$0x3FB2] =	sst s6  }
0xf: {  	[smem:$0x3FB3] =	sst s7  }
0x10: {  	[smem:$0x3FB4] =	sst s8  }
0x11: {  	[smem:$0x3FB5] =	sst s9;
	s0 =	simm.s32 @!p0 $0x0  }
0x12: {  	s1 =	sld [smem:$0x3F9B];
	s0 =	simm.s32 @p0 $0x1  }
0x13: {  	[smem:$0x3FB6] =	sst s0;
	s0 =	simm.s32 @!p1 $0x0  }
0x14: {  	s2 =	sld [smem:$0x3F9A];
	s0 =	simm.s32 @p1 $0x1  }
0x15: {  	[smem:$0x3FB7] =	sst s0;
	s0 =	simm.s32 @!p2 $0x0  }
0x16: {  	s3 =	sld [smem:$0x3FDB];
	s0 =	simm.s32 @p2 $0x1  }
0x17: {  	s4 =	simm.s32 $0x1BF5;
	[smem:$0x3FB9] =	sst s0  }
0x18: {  	s0 =	sld [smem:$0x3F9C];
	_ =	swait.ge [sflag:s4], $0x0  }
0x19: {  	s7 =	sld [smem:$0x3F9D]  }
0x1a: {  	s8 =	sadd.s32 $0xFFFFE003, lr  }
0x1b: {  	s9 =	sadd.s32 $0xFFFFFEF7, lr;
	s5 =	simm.s32 $0xFFFFFFFF;
	p2 =	slt.u32 s8, $0xFFFFF086  }
0x1c: {  	p1 =	slt.u32 s9, $0xF7A;
	s5 =	simm.s32 @!p2 $0x0  }
0x1d: {  	s5 =	simm.s32 @p1 $0x1;
	p0 =	seq.s32 s7, s2  }
0x1e: {  	s7 =	smul.u32 @!p0 $0xF7A, s2;
	p2 =	seq.s32 @!p0 s5, $0x0  }
0x1f: {  	s9 =	smul.u32 $0xF7A, s1;
	s8 =	simm.s32 @!p0 $0x1BF5;
	p2 =	por !p2, p0  }
0x20: {  	[sflag:s8] =	ssyncset.s32 @!p0 $0xFFFFF086;
	s6 =	sadd.s32 @!p0 s3, s7;
	s7 =	simm.s32 @!p0 $0x108  }
0x21: {  	s3 =	sadd.s32 s3, s9;
	s6 =	sadd.s32 @!p0 $0x88, s6;
	s7 =	simm.s32 @p2 $0x1082  }
0x22: {  	[simem:s7], [sflag:s8] =	dma.local @!p0 [hbm:s6], $0xF7A  }
0x23: {  	s9 =	sor.u32 $0xD0000000, s2;
	s6 =	simm.s32 $0x108;
	_ =	swait.ge @!p0 [sflag:s8], $0x0  }
0x24: {  	s3 =	sadd.s32 $0x88, s3;
	s6 =	simm.s32 @!p1 $0x1082;
	[sflag:s4] =	ssyncset.s32 $0xFFFFF086  }
0x25: {  	[simem:s6], [sflag:s4] =	dma.local [hbm:s3], $0xF7A  }
0x26: {  	[smem:$0x3F9D] =	sst s1;
	(tag) =	ssettag s2;
	_ =	strace s9  }
0x27: {  	s1 =	sld [smem:$0x3FAD]  }
0x28: {  	s2 =	sld [smem:$0x3FAE]  }
0x29: {  	s4 =	sld [smem:$0x3FB0]  }
0x2a: {  	p0 =	seq.s32 s5, $0x0;
	s5 =	sld [smem:$0x3FB1]  }
0x2b: {  	s6 =	sld [smem:$0x3FB2]  }
0x2c: {  	s7 =	sld [smem:$0x3FB3]  }
0x2d: {  	s3 =	simm.s32 $0x108;
	s8 =	sld [smem:$0x3FB4]  }
0x2e: {  	s3 =	simm.s32 @!p0 $0x1082;
	s9 =	sld [smem:$0x3FB5]  }
0x2f: {  	lr =	sadd.s32 s0, s3;
	s0 =	sld [smem:$0x3FAC]  }
0x30: {  	s3 =	sld [smem:$0x3FAF]  }
0x31: {  	[smem:$0x3FB8] =	sst s10  }
0x32: {  	s10 =	sld [smem:$0x3FB6];
	_ =	sdelay $0x3  }
0x33: {  	p0 =	seq.s32 s10, $0x1;
	s10 =	sld [smem:$0x3FB8];
	_ =	sdelay $0x3  }
0x34: {  	[smem:$0x3FB8] =	sst s10  }
0x35: {  	s10 =	sld [smem:$0x3FB7];
	_ =	sdelay $0x3  }
0x36: {  	p1 =	seq.s32 s10, $0x1;
	s10 =	sld [smem:$0x3FB8];
	_ =	sdelay $0x3  }
0x37: {  	[smem:$0x3FB8] =	sst s10  }
0x38: {  	s10 =	sld [smem:$0x3FB9]  }
0x39: {  	_ = 	snop;
	(pc) =	sbr.ind lr, $3  }
0x3a: {  	_ = 	snop  }
0x3b: {  	_ = 	snop  }
0x3c: {  	p2 =	seq.s32 s10, $0x1;
	s10 =	sld [smem:$0x3FB8]  }
0x3d: {  	_ =	shalt  }
0x3e: {  	_ =	shalt  }
0x3f: {  	_ =	shalt  }
0x40: {  	_ =	shalt  }
0x41: {  	_ =	shalt  }
0x42: {  	_ =	shalt  }
0x43: {  	_ =	shalt  }
0x44: {  	_ =	shalt  }
0x45: {  	_ =	shalt  }
0x46: {  	_ =	shalt  }
0x47: {  	_ =	shalt  }
0x48: {  	_ =	shalt  }
0x49: {  	_ =	shalt  }
0x4a: {  	_ =	shalt  }
0x4b: {  	_ =	shalt  }
0x4c: {  	_ =	shalt  }
0x4d: {  	_ =	shalt  }
0x4e: {  	_ =	shalt  }
0x4f: {  	_ =	shalt  }
0x50: {  	_ =	shalt  }
0x51: {  	_ =	shalt  }
0x52: {  	_ =	shalt  }
0x53: {  	_ =	shalt  }
0x54: {  	_ =	shalt  }
0x55: {  	_ =	shalt  }
0x56: {  	_ =	shalt  }
0x57: {  	_ =	shalt  }
0x58: {  	_ =	shalt  }
0x59: {  	_ =	shalt  }
0x5a: {  	_ =	shalt  }
0x5b: {  	_ =	shalt  }
0x5c: {  	_ =	shalt  }
0x5d: {  	_ =	shalt  }
0x5e: {  	_ =	shalt  }
0x5f: {  	_ =	shalt  }
0x60: {  	_ =	shalt  }
0x61: {  	_ =	shalt  }
0x62: {  	_ =	shalt  }
0x63: {  	_ =	shalt  }
0x64: {  	_ =	shalt  }
0x65: {  	_ =	shalt  }
0x66: {  	_ =	shalt  }
0x67: {  	_ =	shalt  }
0x68: {  	_ =	shalt  }
0x69: {  	_ =	shalt  }
0x6a: {  	_ =	shalt  }
0x6b: {  	_ =	shalt  }
0x6c: {  	_ =	shalt  }
0x6d: {  	_ =	shalt  }
0x6e: {  	_ =	shalt  }
0x6f: {  	_ =	shalt  }
0x70: {  	_ =	shalt  }
0x71: {  	_ =	shalt  }
0x72: {  	_ =	shalt  }
0x73: {  	_ =	shalt  }
0x74: {  	_ =	shalt  }
0x75: {  	_ =	shalt  }
0x76: {  	_ =	shalt  }
0x77: {  	_ =	shalt  }
0x78: {  	_ =	shalt  }
0x79: {  	_ =	shalt  }
0x7a: {  	_ =	shalt  }
0x7b: {  	_ =	shalt  }
0x7c: {  	_ =	shalt  }
0x7d: {  	_ =	shalt  }
0x7e: {  	_ =	shalt  }
0x7f: {  	_ =	shalt  }
0x80: {  	_ =	shalt  }
0x81: {  	_ =	shalt  }
0x82: {  	_ =	shalt  }
0x83: {  	_ =	shalt  }
0x84: {  	_ =	shalt  }
0x85: {  	_ =	shalt  }
0x86: {  	_ =	shalt  }
0x87: {  	_ =	shalt  }
.Lfunc_end0:
.L_simem_size_0:
called_computation.1_lowered:
.L_overlay_start_0:
0x88: {  	s2 =	sld [smem:$0x3FD9]  }
0x89: {  	s3 =	sld [smem:$0x3FFE];
	_ =	sdelay $0x1  }
0x8a: {  	s1 =	srdreg.scid  }
0x8b: {  	s0 =	sand.u32 $0x1, s1  }
0x8c: {  	s17 =	sshll.u32 s0, $0xA;
	s2 =	sadd.s32 s3, s2  }
0x8d: {  	s2 =	sadd.s32 s2, s17  }
0x8e: {  	[smem:$0x3FC4] =	sst s2  }
0x8f: {  	_ = 	snop  }
0x90: {  	(tm) =	ssettm $0x1  }
0x91: {  	s18 =	sld [smem:$0x3FFB];
	_ =	sdelay $0x3  }
0x92: {  	_ =	strace s18  }
0x93: {  	s2 =	sld [smem:$0x3FFC];
	_ =	sdelay $0x3  }
0x94: {  	_ =	strace s2  }
0x95: {  	s2 =	sld [smem:$0x3FFD];
	_ =	sdelay $0x3  }
0x96: {  	_ =	strace s2  }
0x97: {  	_ =	strace $0x8FFFFFFF  }
0x98: {  	s19 =	sld [smem:$0x3FDB];
	_ =	sdelay $0x1  }
0x99: {  	s20 =	simm.s32 $_scs_section_size  }
0x9a: {  	s4 =	simm.s32 $_size__tile_overlayer_lowered;
	s5 =	simm.s32 $_tile_overlayer_lowered  }
0x9b: {  	s6 =	simm.s32 $0x1BFF;
	s21 =	sshll.u32 s5, $0x1;
	s3 =	sadd.s32 s20, s19  }
0x9c: {  	s22 =	simm.s32 $0x0;
	s4 =	sshll.u32 s4, $0x1;
	s5 =	sadd.s32 s21, s3  }
0x9d: {  	[timem:s22], [sflag:s6] =	dma.local [hbm:s5], s4  }
0x9e: {  	_ =	swait.ge [sflag:s6], s4  }
0x9f: {  	s4 =	ssub.s32 $0x0, s4;
	[sflag:s6] =	ssyncset.done $0x0  }
0xa0: {  	[sflag:s6] =	ssyncadd.s32 s4;
	_ =	sdelay $0x1  }
0xa1: {  	s23 =	simm.s32 $0x1B8B  }
0xa2: {  	_ =	swait.ge [sflag:s23], $0x1  }
0xa3: {  	[sflag:s23] =	ssyncset.done $0x0  }
0xa4: {  	[sflag:s23] =	ssyncadd.s32 $0xFFFFFFFF  }
0xa5: {  	s4 =	sld [smem:$0x0]  }
0xa6: {  	s5 =	sand.u32 $0xFFFFFFFE, s1  }
0xa7: {  	p0 =	sne.s32 s1, s5  }
0xa8: {  	s5 =	sshll.u32 @p0 s5, $0xE  }
0xa9: {  	s5 =	sadd.s32 @p0 $0x11B8D, s5;
	s6 =	sshll.u32 @p0 s4, $0x11  }
0xaa: {  	s5 =	sor.u32 @p0 s6, s5  }
0xab: {  	[sflag:s5] =	ssyncadd.remote.s32 @p0 $0x1;
	_ =	sdelay $0x1  }
0xac: {  	s5 =	simm.s32 @p0 $0x1B8D  }
0xad: {  	_ =	swait.eq @p0 [sflag:s5], $0x1  }
0xae: {  	[sflag:s5] =	ssyncadd.s32 @p0 $0xFFFFFFFF  }
0xaf: {  	s6 =	sshll.u32 @!p0 s1, $0xE  }
0xb0: {  	s6 =	sor.u32 @!p0 $0x4000, s6;
	s5 =	simm.s32 @!p0 $0x1B8D  }
0xb1: {  	s4 =	sshll.u32 @!p0 s4, $0x11;
	s6 =	sadd.s32 @!p0 $0x11B8D, s6;
	_ =	swait.eq @!p0 [sflag:s5], $0x1  }
0xb2: {  	s4 =	sor.u32 @!p0 s4, s6;
	[sflag:s5] =	ssyncadd.s32 @!p0 $0xFFFFFFFF  }
0xb3: {  	s25 =	simm.s32 $0x1B8E;
	s24 =	sld [smem:$0x3FFE];
	[sflag:s4] =	ssyncadd.remote.s32 @!p0 $0x1  }
0xb4: {  	s26 =	simm.s32 $execute0_lowered;
	[smem:$0x3FD2] =	sst s25  }
0xb5: {  	s5 =	sshll.u32 s26, $0x1;
	_ =	strace $0x80000049;
	[dreg:$0x1] =	wrdreg $0xFFFFFFFF  }
0xb6: {  	s28 =	simm.s32 $_size_execute0_lowered;
	s3 =	sadd.s32 s3, s5;
	[dreg:$0x0] =	wrdreg $0x0  }
0xb7: {  	s5 =	sshll.u32 s28, $0x1;
	[dreg:$0x2] =	wrdreg s3  }
0xb8: {  	[dreg:$0x3] =	wrdreg s5  }
0xb9: {  	[dreg:$0x4] =	wrdreg $0xC0  }
0xba: {  	_ =	task [dreg:s22], $0x5FFFF  }
0xbb: {  	[dreg:$0x1] =	wrdreg $0xFFFFFFFF  }
0xbc: {  	[dreg:$0x0] =	wrdreg $0x60  }
0xbd: {  	[dreg:$0x2] =	wrdreg s24  }
0xbe: {  	[dreg:$0x3] =	wrdreg $0xA  }
0xbf: {  	_ =	task.clear_ibuf [dreg:s22], $0x4FFFF;
	_ =	strace $0x90000049  }
0xc0: {  	s29 =	simm.s32 $0xA;
	_ =	strace $0x8000004B  }
0xc1: {  	_ =	swait.ge [sflag:s29], $0x1  }
0xc2: {  	[sflag:s29] =	ssyncadd.s32 $0xFFFFFFFF  }
0xc3: {  	_ =	strace $0x9000004B  }
0xc4: {  	_ =	sfence  }
0xc5: {  	s30 =	sld [smem:$0x0];
	_ =	sdelay $0x2  }
0xc6: {  	s31 =	sshll.u32 s1, $0xD;
	s1 =	sshrl.u32 s1, $0x2  }
0xc7: {  	s4 =	sand.u32 $0x4000, s31;
	s1 =	sadd.s32 s1, s30  }
0xc8: {  	s0 =	sor.u32 s4, s0;
	s1 =	sshll.u32 s1, $0x11  }
0xc9: {  	s0 =	sor.u32 s1, s0  }
0xca: {  	s0 =	sadd.s32 $0x8F2B, s0  }
0xcb: {  	[sflag:s0] =	ssyncadd.remote.s32 $0x1  }
0xcc: {  	_ =	sfence.sel $0xFFFF  }
0xcd: {  	[dreg:$0x0] =	wrdreg $0xFFFFFFFF;
	(pc) =	sbr.abs _section_cstart, $3  }
0xce: {  	[dreg:$0x1] =	wrdreg $0xFFFFFFFF  }
0xcf: {  	_ =	task.clear_ibuf [dreg:s22], $0x2FFFF;
	_ =	strace $0x9FFFFFFF  }
0xd0: {  	(tm) =	ssettm $0x7FFFFFFF  }
0xd1: {  	_ =	shalt  }
tec
execute0_lowered:
.L_overlay_start_1:
0x0: {  	(tag) =	ssettag $0x1  }
0x1: {  	s1 =	srdreg.scid  }
0x2: {  	s0 =	stileid.u32;
	s5 =	rddreg [dreg:$0x0]  }
0x3: {  	s2 =	simm.s32 $0x0;
	s12 =	simm.s32 $0x3900;
	s13 =	simm.s32 $0x1  }
0x4: {  	s14 =	simm.s32 $0x40;
	s15 =	simm.s32 $0x2;
	s16 =	simm.s32 $0x0  }
0x5: {  	s4 =	sand.u32 $0x1, s1;
	s29 =	sshll.u32 s0, $0x1;
	s1 =	rddreg [dreg:$0x1]  }
0x6: {  	[smem:$0x7FF] =	sst s2;
	s8 =	sshll.u32 s0, $0x3;
	s9 =	sadd.s32 $0x97C200, s5  }
0x7: {  	s10 =	sshll.u32 s0, $0xF;
	s6 =	sor.u32 s4, s29;
	_ =	strace $0x8000004A  }
0x8: {  	s30 =	ssub.s32 $0x2, s4;
	s4 =	sshll.u32 s4, $0xE;
	s3 =	smul.u32 $0x320, s6  }
0x9: {  	s6 =	sshll.u32 s6, $0xE;
	s11 =	sshrl.u32 s30, $0x1;
	s4 =	sor.u32 s4, s10  }
0xa: {  	s10 =	simm.s32 $0x80;
	s6 =	sor.u32 s8, s6;
	s31 =	ssub.s32 s30, s11  }
0xb: {  	s8 =	sor.u32 s8, s4;
	s11 =	simm.s32 $0x1900;
	s7 =	sadd.s32 s3, s5  }
0xc: {  	s3 =	sadd.s32 $0x15E00, s5;
	s6 =	sand.u32 $0x3C040, s6;
	s8 =	sand.u32 $0x3C040, s8  }
0xd: {  	s6 =	sshrl.u32 s6, $0x3;
	s4 =	sadd.s32 $0x975E00, s7;
	s8 =	sshrl.u32 s8, $0x3  }
0xe: {  	s7 =	smax.u32 s31, $0x1;
	s6 =	sadd.s32 s6, s9;
	s8 =	sadd.s32 s8, s9  }
0xf: {  	s9 =	simm.s32 $0x3;
	s5 =	sadd.s32 $0x180000, s6;
	s6 =	sadd.s32 $0x188000, s6  }
.LBB2_1:
0x10: {  	[tilespmem:s2], [sflag:$0x3] =	stream.linear.gather [hbm4b:s4+s2], $0x1900, $0x38;
	[tilespmem:$0x5900] =	vst v63  }
0x11: {  	_ =	swait.ge [sflag:s9], $0x1900  }
0x12: {  	[sflag:s9] =	ssyncset.done $0x0  }
0x13: {  	[sflag:s9] =	ssyncadd.s32 $0xFFFFE700  }
0x14: {  	[tilespmem:s11], [sflag:$0x1] =	stream.indirect.gather [hbm4b:s3+s10], $0x40, s2, s10, $0xb8;
	[tilespmem:$0x5900] =	vst v63  }
0x15: {  	_ = 	snop  }
0x16: {  	[tilespmem:s12], [sflag:$0x2] =	stream.indirect.gather [hbm4b:s3+s10], $0x40, s10, s10, $0xb8;
	[tilespmem:$0x5900] =	vst v63  }
0x17: {  	_ =	swait.ge [sflag:s13], $0x2000  }
0x18: {  	[sflag:s13] =	ssyncset.done $0x0  }
0x19: {  	s17 =	sadd.s32 $0x0, s8;
	[sflag:s13] =	ssyncadd.s32 $0xFFFFE000  }
0x1a: {  	[hbm4b:s17+s14] =	stream.strided.scatter [tilespmem:s11], [sflag:$0x3], $0x2000, s10, s14, $0x38;
	[tilespmem:$0x5900] =	vst v63  }
0x1b: {  	_ =	swait.ge [sflag:s9], $0x2000  }
0x1c: {  	[sflag:s9] =	ssyncset.done $0x0  }
0x1d: {  	s18 =	simm.s32 $0x100;
	[sflag:s9] =	ssyncadd.s32 $0xFFFFE000  }
0x1e: {  	[tilespmem:s11], [sflag:$0x1] =	stream.indirect.gather [hbm4b:s3+s10], $0x40, s18, s10, $0xb8;
	[tilespmem:$0x5900] =	vst v63  }
0x1f: {  	_ =	swait.ge [sflag:s15], $0x2000  }
0x20: {  	[sflag:s15] =	ssyncset.done $0x0  }
0x21: {  	s17 =	sadd.s32 $0x8000, s17;
	[sflag:s15] =	ssyncadd.s32 $0xFFFFE000  }
0x22: {  	[hbm4b:s17+s14] =	stream.strided.scatter [tilespmem:s12], [sflag:$0x3], $0x2000, s10, s14, $0x38;
	[tilespmem:$0x5900] =	vst v63  }
0x23: {  	_ =	swait.ge [sflag:s9], $0x2000  }
0x24: {  	s19 =	simm.s32 $0x280;
	[sflag:s9] =	ssyncset.done $0x0  }
0x25: {  	s18 =	simm.s32 $0x10000;
	s17 =	simm.s32 $0x180;
	[sflag:s9] =	ssyncadd.s32 $0xFFFFE000  }
.LBB2_2:
0x26: {  	[tilespmem:s12], [sflag:$0x2] =	stream.indirect.gather [hbm4b:s3+s10], $0x40, s17, s10, $0xb8;
	[tilespmem:$0x5900] =	vst v63  }
0x27: {  	s20 =	smov.u32 s18;
	s17 =	smov.u32 s19  }
0x28: {  	p0 =	sne.s32 s18, $0x170000;
	s18 =	sadd.s32 $0x10000, s18;
	_ =	swait.ge [sflag:s13], $0x2000  }
0x29: {  	[sflag:s13] =	ssyncset.done $0x0  }
0x2a: {  	s20 =	sadd.s32 s20, s8;
	[sflag:s13] =	ssyncadd.s32 $0xFFFFE000  }
0x2b: {  	[hbm4b:s20+s14] =	stream.strided.scatter [tilespmem:s11], [sflag:$0x3], $0x2000, s10, s14, $0x38;
	[tilespmem:$0x5900] =	vst v63  }
0x2c: {  	_ =	swait.ge [sflag:s9], $0x2000  }
0x2d: {  	[sflag:s9] =	ssyncset.done $0x0  }
0x2e: {  	s21 =	sadd.s32 $0xFFFFFF80, s19;
	[sflag:s9] =	ssyncadd.s32 $0xFFFFE000  }
0x2f: {  	[tilespmem:s11], [sflag:$0x1] =	stream.indirect.gather [hbm4b:s3+s10], $0x40, s21, s10, $0xb8;
	[tilespmem:$0x5900] =	vst v63  }
0x30: {  	_ =	swait.ge [sflag:s15], $0x2000  }
0x31: {  	[sflag:s15] =	ssyncset.done $0x0  }
.Ltmp0:
0x32: {  	s20 =	sadd.s32 $0x8000, s20;
	[sflag:s15] =	ssyncadd.s32 $0xFFFFE000;
	(pc) =	sbr.rel @p0 .LBB2_2-.Ltmp0, $4  }
0x33: {  	[hbm4b:s20+s14] =	stream.strided.scatter [tilespmem:s12], [sflag:$0x3], $0x2000, s10, s14, $0x38;
	[tilespmem:$0x5900] =	vst v63  }
0x34: {  	_ =	swait.ge [sflag:s9], $0x2000  }
0x35: {  	[sflag:s9] =	ssyncset.done $0x0  }
0x36: {  	s19 =	sadd.s32 $0x100, s19;
	[sflag:s9] =	ssyncadd.s32 $0xFFFFE000  }
0x37: {  	[tilespmem:s12], [sflag:$0x2] =	stream.indirect.gather [hbm4b:s3+s10], $0x40, s17, s10, $0xb8;
	[tilespmem:$0x5900] =	vst v63  }
0x38: {  	_ =	swait.ge [sflag:s13], $0x2000  }
0x39: {  	[sflag:s13] =	ssyncset.done $0x0  }
0x3a: {  	[sflag:s13] =	ssyncadd.s32 $0xFFFFE000  }
0x3b: {  	[hbm4b:s5+s14] =	stream.strided.scatter [tilespmem:s11], [sflag:$0x3], $0x2000, s10, s14, $0x38;
	[tilespmem:$0x5900] =	vst v63  }
0x3c: {  	_ =	swait.ge [sflag:s9], $0x2000  }
0x3d: {  	[sflag:s9] =	ssyncset.done $0x0  }
0x3e: {  	[sflag:s9] =	ssyncadd.s32 $0xFFFFE000  }
0x3f: {  	s16 =	sadd.s32 $0x1, s16;
	_ =	swait.ge [sflag:s15], $0x2000  }
0x40: {  	p0 =	sne.s32 s16, s7;
	[sflag:s15] =	ssyncset.done $0x0  }
.Ltmp1:
0x41: {  	[sflag:s15] =	ssyncadd.s32 $0xFFFFE000;
	(pc) =	sbr.rel @p0 .LBB2_1-.Ltmp1, $4  }
0x42: {  	[hbm4b:s6+s14] =	stream.strided.scatter [tilespmem:s12], [sflag:$0x3], $0x2000, s10, s14, $0x38;
	[tilespmem:$0x5900] =	vst v63  }
0x43: {  	_ =	swait.ge [sflag:s9], $0x2000  }
0x44: {  	[sflag:s9] =	ssyncset.done $0x0  }
0x45: {  	[sflag:s9] =	ssyncadd.s32 $0xFFFFE000  }
0x46: {  	_ =	sfence.sel $0x180000  }
0x47: {  	[bflag:$0x0] =	sbarrier.arrive $0xFFFF  }
0x48: {  	p0 =	sne.s32 s0, $0x0;
	_ =	strace $0x9000004A  }
0x49: {  	s0 =	sadd.s32 @!p0 $0x100000, s1;
	[bflag:$0x2] =	sbarrier.arrive $0xFFFF  }
0x4a: {  	[sflag:s0] =	ssyncadd.tile.s32 @!p0 $0x1;
	_ =	shalt  }
.Lfunc_end2:
_tile_overlayer_lowered:
.L_overlay_start_2:
0x4b: {  	(tag) =	ssettag $0x2  }
0x4c: {  	s0 =	rddreg [dreg:$0x0];
	s2 =	stileid.u32  }
0x4d: {  	s1 =	rddreg [dreg:$0x1];
	p0 =	sne.s32 s2, $0x0  }
0x4e: {  	s3 =	rddreg [dreg:$0x2];
	[bflag:$0x3] =	sbarrier.arrive $0xFFFF;
	s2 =	simm.s32 @!p0 $0x1C03  }
0x4f: {  	[timem:s3], [sflag:s2] =	dma.local @!p0 [hbm:s0], s1  }
0x50: {  	s0 =	simm.s32 @!p0 $0x3  }
0x51: {  	_ =	swait.ge @!p0 [sflag:s0], s1  }
0x52: {  	s1 =	ssub.s32 @!p0 $0x0, s1;
	[sflag:s0] =	ssyncset.done @!p0 $0x0  }
0x53: {  	[sflag:s0] =	ssyncadd.s32 @!p0 s1  }
0x54: {  	[bflag:$0x3] =	sbarrier.arrive $0xFFFF  }
0x55: {  	_ =	shalt  }

// kernel: kernel.17.cloned.1.call-start
scs
__scs_entry_jumppad:
0x0: {  	(pc) =	sbr.rel $0x88, $3  }
0x1: {  	(tag) =	ssettag $0x0;
	lr =	simm.s32 $0x1  }
0x2: {  	[smem:$0x3F9D] =	sst lr;
	_ =	strace $0xD0000000  }
0x3: {  	_ = 	snop  }
0x4: {  	_ = 	snop  }
0x5: {  	_ = 	snop  }
0x6: {  	_ = 	snop  }
0x7: {  	_ = 	snop  }
__scs_overlays_trampoline_lowered:
0x8: {  	[smem:$0x3FAC] =	sst s0  }
0x9: {  	[smem:$0x3FAD] =	sst s1  }
0xa: {  	[smem:$0x3FAE] =	sst s2  }
0xb: {  	[smem:$0x3FAF] =	sst s3  }
0xc: {  	[smem:$0x3FB0] =	sst s4  }
0xd: {  	[smem:$0x3FB1] =	sst s5  }
0xe: {  	[smem:$0x3FB2] =	sst s6  }
0xf: {  	[smem:$0x3FB3] =	sst s7  }
0x10: {  	[smem:$0x3FB4] =	sst s8  }
0x11: {  	[smem:$0x3FB5] =	sst s9;
	s0 =	simm.s32 @!p0 $0x0  }
0x12: {  	s1 =	sld [smem:$0x3F9B];
	s0 =	simm.s32 @p0 $0x1  }
0x13: {  	[smem:$0x3FB6] =	sst s0;
	s0 =	simm.s32 @!p1 $0x0  }
0x14: {  	s2 =	sld [smem:$0x3F9A];
	s0 =	simm.s32 @p1 $0x1  }
0x15: {  	[smem:$0x3FB7] =	sst s0;
	s0 =	simm.s32 @!p2 $0x0  }
0x16: {  	s3 =	sld [smem:$0x3FDB];
	s0 =	simm.s32 @p2 $0x1  }
0x17: {  	s4 =	simm.s32 $0x1BF5;
	[smem:$0x3FB9] =	sst s0  }
0x18: {  	s0 =	sld [smem:$0x3F9C];
	_ =	swait.ge [sflag:s4], $0x0  }
0x19: {  	s7 =	sld [smem:$0x3F9D]  }
0x1a: {  	s8 =	sadd.s32 $0xFFFFE003, lr  }
0x1b: {  	s9 =	sadd.s32 $0xFFFFFEF7, lr;
	s5 =	simm.s32 $0xFFFFFFFF;
	p2 =	slt.u32 s8, $0xFFFFF086  }
0x1c: {  	p1 =	slt.u32 s9, $0xF7A;
	s5 =	simm.s32 @!p2 $0x0  }
0x1d: {  	s5 =	simm.s32 @p1 $0x1;
	p0 =	seq.s32 s7, s2  }
0x1e: {  	s7 =	smul.u32 @!p0 $0xF7A, s2;
	p2 =	seq.s32 @!p0 s5, $0x0  }
0x1f: {  	s9 =	smul.u32 $0xF7A, s1;
	s8 =	simm.s32 @!p0 $0x1BF5;
	p2 =	por !p2, p0  }
0x20: {  	[sflag:s8] =	ssyncset.s32 @!p0 $0xFFFFF086;
	s6 =	sadd.s32 @!p0 s3, s7;
	s7 =	simm.s32 @!p0 $0x108  }
0x21: {  	s3 =	sadd.s32 s3, s9;
	s6 =	sadd.s32 @!p0 $0x88, s6;
	s7 =	simm.s32 @p2 $0x1082  }
0x22: {  	[simem:s7], [sflag:s8] =	dma.local @!p0 [hbm:s6], $0xF7A  }
0x23: {  	s9 =	sor.u32 $0xD0000000, s2;
	s6 =	simm.s32 $0x108;
	_ =	swait.ge @!p0 [sflag:s8], $0x0  }
0x24: {  	s3 =	sadd.s32 $0x88, s3;
	s6 =	simm.s32 @!p1 $0x1082;
	[sflag:s4] =	ssyncset.s32 $0xFFFFF086  }
0x25: {  	[simem:s6], [sflag:s4] =	dma.local [hbm:s3], $0xF7A  }
0x26: {  	[smem:$0x3F9D] =	sst s1;
	(tag) =	ssettag s2;
	_ =	strace s9  }
0x27: {  	s1 =	sld [smem:$0x3FAD]  }
0x28: {  	s2 =	sld [smem:$0x3FAE]  }
0x29: {  	s4 =	sld [smem:$0x3FB0]  }
0x2a: {  	p0 =	seq.s32 s5, $0x0;
	s5 =	sld [smem:$0x3FB1]  }
0x2b: {  	s6 =	sld [smem:$0x3FB2]  }
0x2c: {  	s7 =	sld [smem:$0x3FB3]  }
0x2d: {  	s3 =	simm.s32 $0x108;
	s8 =	sld [smem:$0x3FB4]  }
0x2e: {  	s3 =	simm.s32 @!p0 $0x1082;
	s9 =	sld [smem:$0x3FB5]  }
0x2f: {  	lr =	sadd.s32 s0, s3;
	s0 =	sld [smem:$0x3FAC]  }
0x30: {  	s3 =	sld [smem:$0x3FAF]  }
0x31: {  	[smem:$0x3FB8] =	sst s10  }
0x32: {  	s10 =	sld [smem:$0x3FB6];
	_ =	sdelay $0x3  }
0x33: {  	p0 =	seq.s32 s10, $0x1;
	s10 =	sld [smem:$0x3FB8];
	_ =	sdelay $0x3  }
0x34: {  	[smem:$0x3FB8] =	sst s10  }
0x35: {  	s10 =	sld [smem:$0x3FB7];
	_ =	sdelay $0x3  }
0x36: {  	p1 =	seq.s32 s10, $0x1;
	s10 =	sld [smem:$0x3FB8];
	_ =	sdelay $0x3  }
0x37: {  	[smem:$0x3FB8] =	sst s10  }
0x38: {  	s10 =	sld [smem:$0x3FB9]  }
0x39: {  	_ = 	snop;
	(pc) =	sbr.ind lr, $3  }
0x3a: {  	_ = 	snop  }
0x3b: {  	_ = 	snop  }
0x3c: {  	p2 =	seq.s32 s10, $0x1;
	s10 =	sld [smem:$0x3FB8]  }
0x3d: {  	_ =	shalt  }
0x3e: {  	_ =	shalt  }
0x3f: {  	_ =	shalt  }
0x40: {  	_ =	shalt  }
0x41: {  	_ =	shalt  }
0x42: {  	_ =	shalt  }
0x43: {  	_ =	shalt  }
0x44: {  	_ =	shalt  }
0x45: {  	_ =	shalt  }
0x46: {  	_ =	shalt  }
0x47: {  	_ =	shalt  }
0x48: {  	_ =	shalt  }
0x49: {  	_ =	shalt  }
0x4a: {  	_ =	shalt  }
0x4b: {  	_ =	shalt  }
0x4c: {  	_ =	shalt  }
0x4d: {  	_ =	shalt  }
0x4e: {  	_ =	shalt  }
0x4f: {  	_ =	shalt  }
0x50: {  	_ =	shalt  }
0x51: {  	_ =	shalt  }
0x52: {  	_ =	shalt  }
0x53: {  	_ =	shalt  }
0x54: {  	_ =	shalt  }
0x55: {  	_ =	shalt  }
0x56: {  	_ =	shalt  }
0x57: {  	_ =	shalt  }
0x58: {  	_ =	shalt  }
0x59: {  	_ =	shalt  }
0x5a: {  	_ =	shalt  }
0x5b: {  	_ =	shalt  }
0x5c: {  	_ =	shalt  }
0x5d: {  	_ =	shalt  }
0x5e: {  	_ =	shalt  }
0x5f: {  	_ =	shalt  }
0x60: {  	_ =	shalt  }
0x61: {  	_ =	shalt  }
0x62: {  	_ =	shalt  }
0x63: {  	_ =	shalt  }
0x64: {  	_ =	shalt  }
0x65: {  	_ =	shalt  }
0x66: {  	_ =	shalt  }
0x67: {  	_ =	shalt  }
0x68: {  	_ =	shalt  }
0x69: {  	_ =	shalt  }
0x6a: {  	_ =	shalt  }
0x6b: {  	_ =	shalt  }
0x6c: {  	_ =	shalt  }
0x6d: {  	_ =	shalt  }
0x6e: {  	_ =	shalt  }
0x6f: {  	_ =	shalt  }
0x70: {  	_ =	shalt  }
0x71: {  	_ =	shalt  }
0x72: {  	_ =	shalt  }
0x73: {  	_ =	shalt  }
0x74: {  	_ =	shalt  }
0x75: {  	_ =	shalt  }
0x76: {  	_ =	shalt  }
0x77: {  	_ =	shalt  }
0x78: {  	_ =	shalt  }
0x79: {  	_ =	shalt  }
0x7a: {  	_ =	shalt  }
0x7b: {  	_ =	shalt  }
0x7c: {  	_ =	shalt  }
0x7d: {  	_ =	shalt  }
0x7e: {  	_ =	shalt  }
0x7f: {  	_ =	shalt  }
0x80: {  	_ =	shalt  }
0x81: {  	_ =	shalt  }
0x82: {  	_ =	shalt  }
0x83: {  	_ =	shalt  }
0x84: {  	_ =	shalt  }
0x85: {  	_ =	shalt  }
0x86: {  	_ =	shalt  }
0x87: {  	_ =	shalt  }
.Lfunc_end0:
.L_simem_size_0:
called_computation.2_lowered:
.L_overlay_start_0:
0x88: {  	s2 =	sld [smem:$0x3FD9]  }
0x89: {  	s3 =	sld [smem:$0x3FFE];
	_ =	sdelay $0x1  }
0x8a: {  	s1 =	srdreg.scid  }
0x8b: {  	s0 =	sand.u32 $0x1, s1  }
0x8c: {  	s17 =	sshll.u32 s0, $0xA;
	s2 =	sadd.s32 s3, s2  }
0x8d: {  	s2 =	sadd.s32 s2, s17  }
0x8e: {  	[smem:$0x3FC4] =	sst s2  }
0x8f: {  	_ = 	snop  }
0x90: {  	(tm) =	ssettm $0x1  }
0x91: {  	s18 =	sld [smem:$0x3FFB];
	_ =	sdelay $0x3  }
0x92: {  	_ =	strace s18  }
0x93: {  	s2 =	sld [smem:$0x3FFC];
	_ =	sdelay $0x3  }
0x94: {  	_ =	strace s2  }
0x95: {  	s2 =	sld [smem:$0x3FFD];
	_ =	sdelay $0x3  }
0x96: {  	_ =	strace s2  }
0x97: {  	_ =	strace $0x8FFFFFFF  }
0x98: {  	s19 =	sld [smem:$0x3FDB];
	_ =	sdelay $0x1  }
0x99: {  	s20 =	simm.s32 $_scs_section_size  }
0x9a: {  	s4 =	simm.s32 $_size__tile_overlayer_lowered;
	s5 =	simm.s32 $_tile_overlayer_lowered  }
0x9b: {  	s6 =	simm.s32 $0x1BFF;
	s21 =	sshll.u32 s5, $0x1;
	s3 =	sadd.s32 s20, s19  }
0x9c: {  	s22 =	simm.s32 $0x0;
	s4 =	sshll.u32 s4, $0x1;
	s5 =	sadd.s32 s21, s3  }
0x9d: {  	[timem:s22], [sflag:s6] =	dma.local [hbm:s5], s4  }
0x9e: {  	_ =	swait.ge [sflag:s6], s4  }
0x9f: {  	s4 =	ssub.s32 $0x0, s4;
	[sflag:s6] =	ssyncset.done $0x0  }
0xa0: {  	[sflag:s6] =	ssyncadd.s32 s4;
	_ =	sdelay $0x1  }
0xa1: {  	s23 =	simm.s32 $0x1B8B  }
0xa2: {  	_ =	swait.ge [sflag:s23], $0x1  }
0xa3: {  	[sflag:s23] =	ssyncset.done $0x0  }
0xa4: {  	[sflag:s23] =	ssyncadd.s32 $0xFFFFFFFF  }
0xa5: {  	s4 =	sld [smem:$0x0]  }
0xa6: {  	s5 =	sand.u32 $0xFFFFFFFE, s1  }
0xa7: {  	p0 =	sne.s32 s1, s5  }
0xa8: {  	s5 =	sshll.u32 @p0 s5, $0xE  }
0xa9: {  	s5 =	sadd.s32 @p0 $0x11B8D, s5;
	s6 =	sshll.u32 @p0 s4, $0x11  }
0xaa: {  	s5 =	sor.u32 @p0 s6, s5  }
0xab: {  	[sflag:s5] =	ssyncadd.remote.s32 @p0 $0x1;
	_ =	sdelay $0x1  }
0xac: {  	s5 =	simm.s32 @p0 $0x1B8D  }
0xad: {  	_ =	swait.eq @p0 [sflag:s5], $0x1  }
0xae: {  	[sflag:s5] =	ssyncadd.s32 @p0 $0xFFFFFFFF  }
0xaf: {  	s6 =	sshll.u32 @!p0 s1, $0xE  }
0xb0: {  	s6 =	sor.u32 @!p0 $0x4000, s6;
	s5 =	simm.s32 @!p0 $0x1B8D  }
0xb1: {  	s4 =	sshll.u32 @!p0 s4, $0x11;
	s6 =	sadd.s32 @!p0 $0x11B8D, s6;
	_ =	swait.eq @!p0 [sflag:s5], $0x1  }
0xb2: {  	s4 =	sor.u32 @!p0 s4, s6;
	[sflag:s5] =	ssyncadd.s32 @!p0 $0xFFFFFFFF  }
0xb3: {  	s25 =	simm.s32 $0x1B8E;
	s24 =	sld [smem:$0x3FFE];
	[sflag:s4] =	ssyncadd.remote.s32 @!p0 $0x1  }
0xb4: {  	s26 =	simm.s32 $execute0_lowered;
	[smem:$0x3FD2] =	sst s25  }
0xb5: {  	s5 =	sshll.u32 s26, $0x1;
	_ =	strace $0x8000004C;
	[dreg:$0x1] =	wrdreg $0xFFFFFFFF  }
0xb6: {  	s28 =	simm.s32 $_size_execute0_lowered;
	s3 =	sadd.s32 s3, s5;
	[dreg:$0x0] =	wrdreg $0x0  }
0xb7: {  	s5 =	sshll.u32 s28, $0x1;
	[dreg:$0x2] =	wrdreg s3  }
0xb8: {  	[dreg:$0x3] =	wrdreg s5  }
0xb9: {  	[dreg:$0x4] =	wrdreg $0xC0  }
0xba: {  	_ =	task [dreg:s22], $0x5FFFF  }
0xbb: {  	[dreg:$0x1] =	wrdreg $0xFFFFFFFF  }
0xbc: {  	[dreg:$0x0] =	wrdreg $0x60  }
0xbd: {  	[dreg:$0x2] =	wrdreg s24  }
0xbe: {  	[dreg:$0x3] =	wrdreg $0xB  }
0xbf: {  	_ =	task.clear_ibuf [dreg:s22], $0x4FFFF;
	_ =	strace $0x9000004C  }
0xc0: {  	s29 =	simm.s32 $0xB;
	_ =	strace $0x8000004E  }
0xc1: {  	_ =	swait.ge [sflag:s29], $0x1  }
0xc2: {  	[sflag:s29] =	ssyncadd.s32 $0xFFFFFFFF  }
0xc3: {  	_ =	strace $0x9000004E  }
0xc4: {  	_ =	sfence  }
0xc5: {  	s30 =	sld [smem:$0x0];
	_ =	sdelay $0x2  }
0xc6: {  	s31 =	sshll.u32 s1, $0xD;
	s1 =	sshrl.u32 s1, $0x2  }
0xc7: {  	s4 =	sand.u32 $0x4000, s31;
	s1 =	sadd.s32 s1, s30  }
0xc8: {  	s0 =	sor.u32 s4, s0;
	s1 =	sshll.u32 s1, $0x11  }
0xc9: {  	s0 =	sor.u32 s1, s0  }
0xca: {  	s0 =	sadd.s32 $0x8F2B, s0  }
0xcb: {  	[sflag:s0] =	ssyncadd.remote.s32 $0x1  }
0xcc: {  	_ =	sfence.sel $0xFFFF  }
0xcd: {  	[dreg:$0x0] =	wrdreg $0xFFFFFFFF;
	(pc) =	sbr.abs _section_cstart, $3  }
0xce: {  	[dreg:$0x1] =	wrdreg $0xFFFFFFFF  }
0xcf: {  	_ =	task.clear_ibuf [dreg:s22], $0x2FFFF;
	_ =	strace $0x9FFFFFFF  }
0xd0: {  	(tm) =	ssettm $0x7FFFFFFF  }
0xd1: {  	_ =	shalt  }
tec
execute0_lowered:
.L_overlay_start_1:
0x0: {  	(tag) =	ssettag $0x1  }
0x1: {  	s1 =	srdreg.scid  }
0x2: {  	s0 =	stileid.u32;
	s5 =	rddreg [dreg:$0x0]  }
0x3: {  	s2 =	simm.s32 $0x0;
	s12 =	simm.s32 $0x3900;
	s13 =	simm.s32 $0x1  }
0x4: {  	s14 =	simm.s32 $0x40;
	s15 =	simm.s32 $0x2;
	s16 =	simm.s32 $0x0  }
0x5: {  	s4 =	sand.u32 $0x1, s1;
	s29 =	sshll.u32 s0, $0x1;
	s1 =	rddreg [dreg:$0x1]  }
0x6: {  	[smem:$0x7FF] =	sst s2;
	s8 =	sshll.u32 s0, $0x3;
	s9 =	sadd.s32 $0xB0C200, s5  }
0x7: {  	s10 =	sshll.u32 s0, $0xF;
	s6 =	sor.u32 s4, s29;
	_ =	strace $0x8000004D  }
0x8: {  	s30 =	ssub.s32 $0x2, s4;
	s4 =	sshll.u32 s4, $0xE;
	s3 =	smul.u32 $0x320, s6  }
0x9: {  	s6 =	sshll.u32 s6, $0xE;
	s11 =	sshrl.u32 s30, $0x1;
	s4 =	sor.u32 s4, s10  }
0xa: {  	s10 =	simm.s32 $0x80;
	s6 =	sor.u32 s8, s6;
	s31 =	ssub.s32 s30, s11  }
0xb: {  	s8 =	sor.u32 s8, s4;
	s11 =	simm.s32 $0x1900;
	s7 =	sadd.s32 s3, s5  }
0xc: {  	s3 =	sadd.s32 $0x15E00, s5;
	s6 =	sand.u32 $0x3C040, s6;
	s8 =	sand.u32 $0x3C040, s8  }
0xd: {  	s6 =	sshrl.u32 s6, $0x3;
	s4 =	sadd.s32 $0x1A00, s7;
	s8 =	sshrl.u32 s8, $0x3  }
0xe: {  	s7 =	smax.u32 s31, $0x1;
	s6 =	sadd.s32 s6, s9;
	s8 =	sadd.s32 s8, s9  }
0xf: {  	s9 =	simm.s32 $0x3;
	s5 =	sadd.s32 $0x180000, s6;
	s6 =	sadd.s32 $0x188000, s6  }
.LBB2_1:
0x10: {  	[tilespmem:s2], [sflag:$0x3] =	stream.linear.gather [hbm4b:s4+s2], $0x1900, $0x38;
	[tilespmem:$0x5900] =	vst v63  }
0x11: {  	_ =	swait.ge [sflag:s9], $0x1900  }
0x12: {  	[sflag:s9] =	ssyncset.done $0x0  }
0x13: {  	[sflag:s9] =	ssyncadd.s32 $0xFFFFE700  }
0x14: {  	[tilespmem:s11], [sflag:$0x1] =	stream.indirect.gather [hbm4b:s3+s10], $0x40, s2, s10, $0xb8;
	[tilespmem:$0x5900] =	vst v63  }
0x15: {  	_ = 	snop  }
0x16: {  	[tilespmem:s12], [sflag:$0x2] =	stream.indirect.gather [hbm4b:s3+s10], $0x40, s10, s10, $0xb8;
	[tilespmem:$0x5900] =	vst v63  }
0x17: {  	_ =	swait.ge [sflag:s13], $0x2000  }
0x18: {  	[sflag:s13] =	ssyncset.done $0x0  }
0x19: {  	s17 =	sadd.s32 $0x0, s8;
	[sflag:s13] =	ssyncadd.s32 $0xFFFFE000  }
0x1a: {  	[hbm4b:s17+s14] =	stream.strided.scatter [tilespmem:s11], [sflag:$0x3], $0x2000, s10, s14, $0x38;
	[tilespmem:$0x5900] =	vst v63  }
0x1b: {  	_ =	swait.ge [sflag:s9], $0x2000  }
0x1c: {  	[sflag:s9] =	ssyncset.done $0x0  }
0x1d: {  	s18 =	simm.s32 $0x100;
	[sflag:s9] =	ssyncadd.s32 $0xFFFFE000  }
0x1e: {  	[tilespmem:s11], [sflag:$0x1] =	stream.indirect.gather [hbm4b:s3+s10], $0x40, s18, s10, $0xb8;
	[tilespmem:$0x5900] =	vst v63  }
0x1f: {  	_ =	swait.ge [sflag:s15], $0x2000  }
0x20: {  	[sflag:s15] =	ssyncset.done $0x0  }
0x21: {  	s17 =	sadd.s32 $0x8000, s17;
	[sflag:s15] =	ssyncadd.s32 $0xFFFFE000  }
0x22: {  	[hbm4b:s17+s14] =	stream.strided.scatter [tilespmem:s12], [sflag:$0x3], $0x2000, s10, s14, $0x38;
	[tilespmem:$0x5900] =	vst v63  }
0x23: {  	_ =	swait.ge [sflag:s9], $0x2000  }
0x24: {  	s19 =	simm.s32 $0x280;
	[sflag:s9] =	ssyncset.done $0x0  }
0x25: {  	s18 =	simm.s32 $0x10000;
	s17 =	simm.s32 $0x180;
	[sflag:s9] =	ssyncadd.s32 $0xFFFFE000  }
.LBB2_2:
0x26: {  	[tilespmem:s12], [sflag:$0x2] =	stream.indirect.gather [hbm4b:s3+s10], $0x40, s17, s10, $0xb8;
	[tilespmem:$0x5900] =	vst v63  }
0x27: {  	s20 =	smov.u32 s18;
	s17 =	smov.u32 s19  }
0x28: {  	p0 =	sne.s32 s18, $0x170000;
	s18 =	sadd.s32 $0x10000, s18;
	_ =	swait.ge [sflag:s13], $0x2000  }
0x29: {  	[sflag:s13] =	ssyncset.done $0x0  }
0x2a: {  	s20 =	sadd.s32 s20, s8;
	[sflag:s13] =	ssyncadd.s32 $0xFFFFE000  }
0x2b: {  	[hbm4b:s20+s14] =	stream.strided.scatter [tilespmem:s11], [sflag:$0x3], $0x2000, s10, s14, $0x38;
	[tilespmem:$0x5900] =	vst v63  }
0x2c: {  	_ =	swait.ge [sflag:s9], $0x2000  }
0x2d: {  	[sflag:s9] =	ssyncset.done $0x0  }
0x2e: {  	s21 =	sadd.s32 $0xFFFFFF80, s19;
	[sflag:s9] =	ssyncadd.s32 $0xFFFFE000  }
0x2f: {  	[tilespmem:s11], [sflag:$0x1] =	stream.indirect.gather [hbm4b:s3+s10], $0x40, s21, s10, $0xb8;
	[tilespmem:$0x5900] =	vst v63  }
0x30: {  	_ =	swait.ge [sflag:s15], $0x2000  }
0x31: {  	[sflag:s15] =	ssyncset.done $0x0  }
.Ltmp0:
0x32: {  	s20 =	sadd.s32 $0x8000, s20;
	[sflag:s15] =	ssyncadd.s32 $0xFFFFE000;
	(pc) =	sbr.rel @p0 .LBB2_2-.Ltmp0, $4  }
0x33: {  	[hbm4b:s20+s14] =	stream.strided.scatter [tilespmem:s12], [sflag:$0x3], $0x2000, s10, s14, $0x38;
	[tilespmem:$0x5900] =	vst v63  }
0x34: {  	_ =	swait.ge [sflag:s9], $0x2000  }
0x35: {  	[sflag:s9] =	ssyncset.done $0x0  }
0x36: {  	s19 =	sadd.s32 $0x100, s19;
	[sflag:s9] =	ssyncadd.s32 $0xFFFFE000  }
0x37: {  	[tilespmem:s12], [sflag:$0x2] =	stream.indirect.gather [hbm4b:s3+s10], $0x40, s17, s10, $0xb8;
	[tilespmem:$0x5900] =	vst v63  }
0x38: {  	_ =	swait.ge [sflag:s13], $0x2000  }
0x39: {  	[sflag:s13] =	ssyncset.done $0x0  }
0x3a: {  	[sflag:s13] =	ssyncadd.s32 $0xFFFFE000  }
0x3b: {  	[hbm4b:s5+s14] =	stream.strided.scatter [tilespmem:s11], [sflag:$0x3], $0x2000, s10, s14, $0x38;
	[tilespmem:$0x5900] =	vst v63  }
0x3c: {  	_ =	swait.ge [sflag:s9], $0x2000  }
0x3d: {  	[sflag:s9] =	ssyncset.done $0x0  }
0x3e: {  	[sflag:s9] =	ssyncadd.s32 $0xFFFFE000  }
0x3f: {  	s16 =	sadd.s32 $0x1, s16;
	_ =	swait.ge [sflag:s15], $0x2000  }
0x40: {  	p0 =	sne.s32 s16, s7;
	[sflag:s15] =	ssyncset.done $0x0  }
.Ltmp1:
0x41: {  	[sflag:s15] =	ssyncadd.s32 $0xFFFFE000;
	(pc) =	sbr.rel @p0 .LBB2_1-.Ltmp1, $4  }
0x42: {  	[hbm4b:s6+s14] =	stream.strided.scatter [tilespmem:s12], [sflag:$0x3], $0x2000, s10, s14, $0x38;
	[tilespmem:$0x5900] =	vst v63  }
0x43: {  	_ =	swait.ge [sflag:s9], $0x2000  }
0x44: {  	[sflag:s9] =	ssyncset.done $0x0  }
0x45: {  	[sflag:s9] =	ssyncadd.s32 $0xFFFFE000  }
0x46: {  	_ =	sfence.sel $0x180000  }
0x47: {  	[bflag:$0x0] =	sbarrier.arrive $0xFFFF  }
0x48: {  	p0 =	sne.s32 s0, $0x0;
	_ =	strace $0x9000004D  }
0x49: {  	s0 =	sadd.s32 @!p0 $0x100000, s1;
	[bflag:$0x2] =	sbarrier.arrive $0xFFFF  }
0x4a: {  	[sflag:s0] =	ssyncadd.tile.s32 @!p0 $0x1;
	_ =	shalt  }
.Lfunc_end2:
_tile_overlayer_lowered:
.L_overlay_start_2:
0x4b: {  	(tag) =	ssettag $0x2  }
0x4c: {  	s0 =	rddreg [dreg:$0x0];
	s2 =	stileid.u32  }
0x4d: {  	s1 =	rddreg [dreg:$0x1];
	p0 =	sne.s32 s2, $0x0  }
0x4e: {  	s3 =	rddreg [dreg:$0x2];
	[bflag:$0x3] =	sbarrier.arrive $0xFFFF;
	s2 =	simm.s32 @!p0 $0x1C03  }
0x4f: {  	[timem:s3], [sflag:s2] =	dma.local @!p0 [hbm:s0], s1  }
0x50: {  	s0 =	simm.s32 @!p0 $0x3  }
0x51: {  	_ =	swait.ge @!p0 [sflag:s0], s1  }
0x52: {  	s1 =	ssub.s32 @!p0 $0x0, s1;
	[sflag:s0] =	ssyncset.done @!p0 $0x0  }
0x53: {  	[sflag:s0] =	ssyncadd.s32 @!p0 s1  }
0x54: {  	[bflag:$0x3] =	sbarrier.arrive $0xFFFF  }
0x55: {  	_ =	shalt  }

// kernel: kernel.20.cloned.1.call-start
scs
__scs_entry_jumppad:
0x0: {  	(pc) =	sbr.rel $0x88, $3  }
0x1: {  	(tag) =	ssettag $0x0;
	lr =	simm.s32 $0x1  }
0x2: {  	[smem:$0x3F9D] =	sst lr;
	_ =	strace $0xD0000000  }
0x3: {  	_ = 	snop  }
0x4: {  	_ = 	snop  }
0x5: {  	_ = 	snop  }
0x6: {  	_ = 	snop  }
0x7: {  	_ = 	snop  }
__scs_overlays_trampoline_lowered:
0x8: {  	[smem:$0x3FAC] =	sst s0  }
0x9: {  	[smem:$0x3FAD] =	sst s1  }
0xa: {  	[smem:$0x3FAE] =	sst s2  }
0xb: {  	[smem:$0x3FAF] =	sst s3  }
0xc: {  	[smem:$0x3FB0] =	sst s4  }
0xd: {  	[smem:$0x3FB1] =	sst s5  }
0xe: {  	[smem:$0x3FB2] =	sst s6  }
0xf: {  	[smem:$0x3FB3] =	sst s7  }
0x10: {  	[smem:$0x3FB4] =	sst s8  }
0x11: {  	[smem:$0x3FB5] =	sst s9;
	s0 =	simm.s32 @!p0 $0x0  }
0x12: {  	s1 =	sld [smem:$0x3F9B];
	s0 =	simm.s32 @p0 $0x1  }
0x13: {  	[smem:$0x3FB6] =	sst s0;
	s0 =	simm.s32 @!p1 $0x0  }
0x14: {  	s2 =	sld [smem:$0x3F9A];
	s0 =	simm.s32 @p1 $0x1  }
0x15: {  	[smem:$0x3FB7] =	sst s0;
	s0 =	simm.s32 @!p2 $0x0  }
0x16: {  	s3 =	sld [smem:$0x3FDB];
	s0 =	simm.s32 @p2 $0x1  }
0x17: {  	s4 =	simm.s32 $0x1BF5;
	[smem:$0x3FB9] =	sst s0  }
0x18: {  	s0 =	sld [smem:$0x3F9C];
	_ =	swait.ge [sflag:s4], $0x0  }
0x19: {  	s7 =	sld [smem:$0x3F9D]  }
0x1a: {  	s8 =	sadd.s32 $0xFFFFE003, lr  }
0x1b: {  	s9 =	sadd.s32 $0xFFFFFEF7, lr;
	s5 =	simm.s32 $0xFFFFFFFF;
	p2 =	slt.u32 s8, $0xFFFFF086  }
0x1c: {  	p1 =	slt.u32 s9, $0xF7A;
	s5 =	simm.s32 @!p2 $0x0  }
0x1d: {  	s5 =	simm.s32 @p1 $0x1;
	p0 =	seq.s32 s7, s2  }
0x1e: {  	s7 =	smul.u32 @!p0 $0xF7A, s2;
	p2 =	seq.s32 @!p0 s5, $0x0  }
0x1f: {  	s9 =	smul.u32 $0xF7A, s1;
	s8 =	simm.s32 @!p0 $0x1BF5;
	p2 =	por !p2, p0  }
0x20: {  	[sflag:s8] =	ssyncset.s32 @!p0 $0xFFFFF086;
	s6 =	sadd.s32 @!p0 s3, s7;
	s7 =	simm.s32 @!p0 $0x108  }
0x21: {  	s3 =	sadd.s32 s3, s9;
	s6 =	sadd.s32 @!p0 $0x88, s6;
	s7 =	simm.s32 @p2 $0x1082  }
0x22: {  	[simem:s7], [sflag:s8] =	dma.local @!p0 [hbm:s6], $0xF7A  }
0x23: {  	s9 =	sor.u32 $0xD0000000, s2;
	s6 =	simm.s32 $0x108;
	_ =	swait.ge @!p0 [sflag:s8], $0x0  }
0x24: {  	s3 =	sadd.s32 $0x88, s3;
	s6 =	simm.s32 @!p1 $0x1082;
	[sflag:s4] =	ssyncset.s32 $0xFFFFF086  }
0x25: {  	[simem:s6], [sflag:s4] =	dma.local [hbm:s3], $0xF7A  }
0x26: {  	[smem:$0x3F9D] =	sst s1;
	(tag) =	ssettag s2;
	_ =	strace s9  }
0x27: {  	s1 =	sld [smem:$0x3FAD]  }
0x28: {  	s2 =	sld [smem:$0x3FAE]  }
0x29: {  	s4 =	sld [smem:$0x3FB0]  }
0x2a: {  	p0 =	seq.s32 s5, $0x0;
	s5 =	sld [smem:$0x3FB1]  }
0x2b: {  	s6 =	sld [smem:$0x3FB2]  }
0x2c: {  	s7 =	sld [smem:$0x3FB3]  }
0x2d: {  	s3 =	simm.s32 $0x108;
	s8 =	sld [smem:$0x3FB4]  }
0x2e: {  	s3 =	simm.s32 @!p0 $0x1082;
	s9 =	sld [smem:$0x3FB5]  }
0x2f: {  	lr =	sadd.s32 s0, s3;
	s0 =	sld [smem:$0x3FAC]  }
0x30: {  	s3 =	sld [smem:$0x3FAF]  }
0x31: {  	[smem:$0x3FB8] =	sst s10  }
0x32: {  	s10 =	sld [smem:$0x3FB6];
	_ =	sdelay $0x3  }
0x33: {  	p0 =	seq.s32 s10, $0x1;
	s10 =	sld [smem:$0x3FB8];
	_ =	sdelay $0x3  }
0x34: {  	[smem:$0x3FB8] =	sst s10  }
0x35: {  	s10 =	sld [smem:$0x3FB7];
	_ =	sdelay $0x3  }
0x36: {  	p1 =	seq.s32 s10, $0x1;
	s10 =	sld [smem:$0x3FB8];
	_ =	sdelay $0x3  }
0x37: {  	[smem:$0x3FB8] =	sst s10  }
0x38: {  	s10 =	sld [smem:$0x3FB9]  }
0x39: {  	_ = 	snop;
	(pc) =	sbr.ind lr, $3  }
0x3a: {  	_ = 	snop  }
0x3b: {  	_ = 	snop  }
0x3c: {  	p2 =	seq.s32 s10, $0x1;
	s10 =	sld [smem:$0x3FB8]  }
0x3d: {  	_ =	shalt  }
0x3e: {  	_ =	shalt  }
0x3f: {  	_ =	shalt  }
0x40: {  	_ =	shalt  }
0x41: {  	_ =	shalt  }
0x42: {  	_ =	shalt  }
0x43: {  	_ =	shalt  }
0x44: {  	_ =	shalt  }
0x45: {  	_ =	shalt  }
0x46: {  	_ =	shalt  }
0x47: {  	_ =	shalt  }
0x48: {  	_ =	shalt  }
0x49: {  	_ =	shalt  }
0x4a: {  	_ =	shalt  }
0x4b: {  	_ =	shalt  }
0x4c: {  	_ =	shalt  }
0x4d: {  	_ =	shalt  }
0x4e: {  	_ =	shalt  }
0x4f: {  	_ =	shalt  }
0x50: {  	_ =	shalt  }
0x51: {  	_ =	shalt  }
0x52: {  	_ =	shalt  }
0x53: {  	_ =	shalt  }
0x54: {  	_ =	shalt  }
0x55: {  	_ =	shalt  }
0x56: {  	_ =	shalt  }
0x57: {  	_ =	shalt  }
0x58: {  	_ =	shalt  }
0x59: {  	_ =	shalt  }
0x5a: {  	_ =	shalt  }
0x5b: {  	_ =	shalt  }
0x5c: {  	_ =	shalt  }
0x5d: {  	_ =	shalt  }
0x5e: {  	_ =	shalt  }
0x5f: {  	_ =	shalt  }
0x60: {  	_ =	shalt  }
0x61: {  	_ =	shalt  }
0x62: {  	_ =	shalt  }
0x63: {  	_ =	shalt  }
0x64: {  	_ =	shalt  }
0x65: {  	_ =	shalt  }
0x66: {  	_ =	shalt  }
0x67: {  	_ =	shalt  }
0x68: {  	_ =	shalt  }
0x69: {  	_ =	shalt  }
0x6a: {  	_ =	shalt  }
0x6b: {  	_ =	shalt  }
0x6c: {  	_ =	shalt  }
0x6d: {  	_ =	shalt  }
0x6e: {  	_ =	shalt  }
0x6f: {  	_ =	shalt  }
0x70: {  	_ =	shalt  }
0x71: {  	_ =	shalt  }
0x72: {  	_ =	shalt  }
0x73: {  	_ =	shalt  }
0x74: {  	_ =	shalt  }
0x75: {  	_ =	shalt  }
0x76: {  	_ =	shalt  }
0x77: {  	_ =	shalt  }
0x78: {  	_ =	shalt  }
0x79: {  	_ =	shalt  }
0x7a: {  	_ =	shalt  }
0x7b: {  	_ =	shalt  }
0x7c: {  	_ =	shalt  }
0x7d: {  	_ =	shalt  }
0x7e: {  	_ =	shalt  }
0x7f: {  	_ =	shalt  }
0x80: {  	_ =	shalt  }
0x81: {  	_ =	shalt  }
0x82: {  	_ =	shalt  }
0x83: {  	_ =	shalt  }
0x84: {  	_ =	shalt  }
0x85: {  	_ =	shalt  }
0x86: {  	_ =	shalt  }
0x87: {  	_ =	shalt  }
.Lfunc_end0:
.L_simem_size_0:
called_computation.3_lowered:
.L_overlay_start_0:
0x88: {  	s2 =	sld [smem:$0x3FD9]  }
0x89: {  	s3 =	sld [smem:$0x3FFE];
	_ =	sdelay $0x1  }
0x8a: {  	s1 =	srdreg.scid  }
0x8b: {  	s0 =	sand.u32 $0x1, s1  }
0x8c: {  	s17 =	sshll.u32 s0, $0xA;
	s2 =	sadd.s32 s3, s2  }
0x8d: {  	s2 =	sadd.s32 s2, s17  }
0x8e: {  	[smem:$0x3FC4] =	sst s2  }
0x8f: {  	_ = 	snop  }
0x90: {  	(tm) =	ssettm $0x1  }
0x91: {  	s18 =	sld [smem:$0x3FFB];
	_ =	sdelay $0x3  }
0x92: {  	_ =	strace s18  }
0x93: {  	s2 =	sld [smem:$0x3FFC];
	_ =	sdelay $0x3  }
0x94: {  	_ =	strace s2  }
0x95: {  	s2 =	sld [smem:$0x3FFD];
	_ =	sdelay $0x3  }
0x96: {  	_ =	strace s2  }
0x97: {  	_ =	strace $0x8FFFFFFF  }
0x98: {  	s19 =	sld [smem:$0x3FDB];
	_ =	sdelay $0x1  }
0x99: {  	s20 =	simm.s32 $_scs_section_size  }
0x9a: {  	s4 =	simm.s32 $_size__tile_overlayer_lowered;
	s5 =	simm.s32 $_tile_overlayer_lowered  }
0x9b: {  	s6 =	simm.s32 $0x1BFF;
	s21 =	sshll.u32 s5, $0x1;
	s3 =	sadd.s32 s20, s19  }
0x9c: {  	s22 =	simm.s32 $0x0;
	s4 =	sshll.u32 s4, $0x1;
	s5 =	sadd.s32 s21, s3  }
0x9d: {  	[timem:s22], [sflag:s6] =	dma.local [hbm:s5], s4  }
0x9e: {  	_ =	swait.ge [sflag:s6], s4  }
0x9f: {  	s4 =	ssub.s32 $0x0, s4;
	[sflag:s6] =	ssyncset.done $0x0  }
0xa0: {  	[sflag:s6] =	ssyncadd.s32 s4;
	_ =	sdelay $0x1  }
0xa1: {  	s23 =	simm.s32 $0x1B8B  }
0xa2: {  	_ =	swait.ge [sflag:s23], $0x1  }
0xa3: {  	[sflag:s23] =	ssyncset.done $0x0  }
0xa4: {  	[sflag:s23] =	ssyncadd.s32 $0xFFFFFFFF  }
0xa5: {  	s4 =	sld [smem:$0x0]  }
0xa6: {  	s5 =	sand.u32 $0xFFFFFFFE, s1  }
0xa7: {  	p0 =	sne.s32 s1, s5  }
0xa8: {  	s5 =	sshll.u32 @p0 s5, $0xE  }
0xa9: {  	s5 =	sadd.s32 @p0 $0x11B8D, s5;
	s6 =	sshll.u32 @p0 s4, $0x11  }
0xaa: {  	s5 =	sor.u32 @p0 s6, s5  }
0xab: {  	[sflag:s5] =	ssyncadd.remote.s32 @p0 $0x1;
	_ =	sdelay $0x1  }
0xac: {  	s5 =	simm.s32 @p0 $0x1B8D  }
0xad: {  	_ =	swait.eq @p0 [sflag:s5], $0x1  }
0xae: {  	[sflag:s5] =	ssyncadd.s32 @p0 $0xFFFFFFFF  }
0xaf: {  	s6 =	sshll.u32 @!p0 s1, $0xE  }
0xb0: {  	s6 =	sor.u32 @!p0 $0x4000, s6;
	s5 =	simm.s32 @!p0 $0x1B8D  }
0xb1: {  	s4 =	sshll.u32 @!p0 s4, $0x11;
	s6 =	sadd.s32 @!p0 $0x11B8D, s6;
	_ =	swait.eq @!p0 [sflag:s5], $0x1  }
0xb2: {  	s4 =	sor.u32 @!p0 s4, s6;
	[sflag:s5] =	ssyncadd.s32 @!p0 $0xFFFFFFFF  }
0xb3: {  	s25 =	simm.s32 $0x1B8E;
	s24 =	sld [smem:$0x3FFE];
	[sflag:s4] =	ssyncadd.remote.s32 @!p0 $0x1  }
0xb4: {  	s26 =	simm.s32 $execute0_lowered;
	[smem:$0x3FD2] =	sst s25  }
0xb5: {  	s5 =	sshll.u32 s26, $0x1;
	_ =	strace $0x8000004F;
	[dreg:$0x1] =	wrdreg $0xFFFFFFFF  }
0xb6: {  	s28 =	simm.s32 $_size_execute0_lowered;
	s3 =	sadd.s32 s3, s5;
	[dreg:$0x0] =	wrdreg $0x0  }
0xb7: {  	s5 =	sshll.u32 s28, $0x1;
	[dreg:$0x2] =	wrdreg s3  }
0xb8: {  	[dreg:$0x3] =	wrdreg s5  }
0xb9: {  	[dreg:$0x4] =	wrdreg $0xC0  }
0xba: {  	_ =	task [dreg:s22], $0x5FFFF  }
0xbb: {  	[dreg:$0x1] =	wrdreg $0xFFFFFFFF  }
0xbc: {  	[dreg:$0x0] =	wrdreg $0x60  }
0xbd: {  	[dreg:$0x2] =	wrdreg s24  }
0xbe: {  	[dreg:$0x3] =	wrdreg $0xC  }
0xbf: {  	_ =	task.clear_ibuf [dreg:s22], $0x4FFFF;
	_ =	strace $0x9000004F  }
0xc0: {  	s29 =	simm.s32 $0xC;
	_ =	strace $0x80000051  }
0xc1: {  	_ =	swait.ge [sflag:s29], $0x1  }
0xc2: {  	[sflag:s29] =	ssyncadd.s32 $0xFFFFFFFF  }
0xc3: {  	_ =	strace $0x90000051  }
0xc4: {  	_ =	sfence  }
0xc5: {  	s30 =	sld [smem:$0x0];
	_ =	sdelay $0x2  }
0xc6: {  	s31 =	sshll.u32 s1, $0xD;
	s1 =	sshrl.u32 s1, $0x2  }
0xc7: {  	s4 =	sand.u32 $0x4000, s31;
	s1 =	sadd.s32 s1, s30  }
0xc8: {  	s0 =	sor.u32 s4, s0;
	s1 =	sshll.u32 s1, $0x11  }
0xc9: {  	s0 =	sor.u32 s1, s0  }
0xca: {  	s0 =	sadd.s32 $0x8F2B, s0  }
0xcb: {  	[sflag:s0] =	ssyncadd.remote.s32 $0x1  }
0xcc: {  	_ =	sfence.sel $0xFFFF  }
0xcd: {  	[dreg:$0x0] =	wrdreg $0xFFFFFFFF;
	(pc) =	sbr.abs _section_cstart, $3  }
0xce: {  	[dreg:$0x1] =	wrdreg $0xFFFFFFFF  }
0xcf: {  	_ =	task.clear_ibuf [dreg:s22], $0x2FFFF;
	_ =	strace $0x9FFFFFFF  }
0xd0: {  	(tm) =	ssettm $0x7FFFFFFF  }
0xd1: {  	_ =	shalt  }
tec
execute0_lowered:
.L_overlay_start_1:
0x0: {  	(tag) =	ssettag $0x1  }
0x1: {  	s1 =	srdreg.scid  }
0x2: {  	s0 =	stileid.u32;
	s5 =	rddreg [dreg:$0x0]  }
0x3: {  	s2 =	simm.s32 $0x0;
	s12 =	simm.s32 $0x3900;
	s13 =	simm.s32 $0x1  }
0x4: {  	s14 =	simm.s32 $0x40;
	s15 =	simm.s32 $0x2;
	s16 =	simm.s32 $0x0  }
0x5: {  	s4 =	sand.u32 $0x1, s1;
	s29 =	sshll.u32 s0, $0x1;
	s1 =	rddreg [dreg:$0x1]  }
0x6: {  	[smem:$0x7FF] =	sst s2;
	s8 =	sshll.u32 s0, $0x3;
	s9 =	sadd.s32 $0xC9C200, s5  }
0x7: {  	s10 =	sshll.u32 s0, $0xF;
	s6 =	sor.u32 s4, s29;
	_ =	strace $0x80000050  }
0x8: {  	s30 =	ssub.s32 $0x2, s4;
	s4 =	sshll.u32 s4, $0xE;
	s3 =	smul.u32 $0x320, s6  }
0x9: {  	s6 =	sshll.u32 s6, $0xE;
	s11 =	sshrl.u32 s30, $0x1;
	s4 =	sor.u32 s4, s10  }
0xa: {  	s10 =	simm.s32 $0x80;
	s6 =	sor.u32 s8, s6;
	s31 =	ssub.s32 s30, s11  }
0xb: {  	s8 =	sor.u32 s8, s4;
	s11 =	simm.s32 $0x1900;
	s7 =	sadd.s32 s3, s5  }
0xc: {  	s3 =	sadd.s32 $0x15E00, s5;
	s6 =	sand.u32 $0x3C040, s6;
	s8 =	sand.u32 $0x3C040, s8  }
0xd: {  	s6 =	sshrl.u32 s6, $0x3;
	s4 =	sadd.s32 $0x7E00, s7;
	s8 =	sshrl.u32 s8, $0x3  }
0xe: {  	s7 =	smax.u32 s31, $0x1;
	s6 =	sadd.s32 s6, s9;
	s8 =	sadd.s32 s8, s9  }
0xf: {  	s9 =	simm.s32 $0x3;
	s5 =	sadd.s32 $0x180000, s6;
	s6 =	sadd.s32 $0x188000, s6  }
.LBB2_1:
0x10: {  	[tilespmem:s2], [sflag:$0x3] =	stream.linear.gather [hbm4b:s4+s2], $0x1900, $0x38;
	[tilespmem:$0x5900] =	vst v63  }
0x11: {  	_ =	swait.ge [sflag:s9], $0x1900  }
0x12: {  	[sflag:s9] =	ssyncset.done $0x0  }
0x13: {  	[sflag:s9] =	ssyncadd.s32 $0xFFFFE700  }
0x14: {  	[tilespmem:s11], [sflag:$0x1] =	stream.indirect.gather [hbm4b:s3+s10], $0x40, s2, s10, $0xb8;
	[tilespmem:$0x5900] =	vst v63  }
0x15: {  	_ = 	snop  }
0x16: {  	[tilespmem:s12], [sflag:$0x2] =	stream.indirect.gather [hbm4b:s3+s10], $0x40, s10, s10, $0xb8;
	[tilespmem:$0x5900] =	vst v63  }
0x17: {  	_ =	swait.ge [sflag:s13], $0x2000  }
0x18: {  	[sflag:s13] =	ssyncset.done $0x0  }
0x19: {  	s17 =	sadd.s32 $0x0, s8;
	[sflag:s13] =	ssyncadd.s32 $0xFFFFE000  }
0x1a: {  	[hbm4b:s17+s14] =	stream.strided.scatter [tilespmem:s11], [sflag:$0x3], $0x2000, s10, s14, $0x38;
	[tilespmem:$0x5900] =	vst v63  }
0x1b: {  	_ =	swait.ge [sflag:s9], $0x2000  }
0x1c: {  	[sflag:s9] =	ssyncset.done $0x0  }
0x1d: {  	s18 =	simm.s32 $0x100;
	[sflag:s9] =	ssyncadd.s32 $0xFFFFE000  }
0x1e: {  	[tilespmem:s11], [sflag:$0x1] =	stream.indirect.gather [hbm4b:s3+s10], $0x40, s18, s10, $0xb8;
	[tilespmem:$0x5900] =	vst v63  }
0x1f: {  	_ =	swait.ge [sflag:s15], $0x2000  }
0x20: {  	[sflag:s15] =	ssyncset.done $0x0  }
0x21: {  	s17 =	sadd.s32 $0x8000, s17;
	[sflag:s15] =	ssyncadd.s32 $0xFFFFE000  }
0x22: {  	[hbm4b:s17+s14] =	stream.strided.scatter [tilespmem:s12], [sflag:$0x3], $0x2000, s10, s14, $0x38;
	[tilespmem:$0x5900] =	vst v63  }
0x23: {  	_ =	swait.ge [sflag:s9], $0x2000  }
0x24: {  	s19 =	simm.s32 $0x280;
	[sflag:s9] =	ssyncset.done $0x0  }
0x25: {  	s18 =	simm.s32 $0x10000;
	s17 =	simm.s32 $0x180;
	[sflag:s9] =	ssyncadd.s32 $0xFFFFE000  }
.LBB2_2:
0x26: {  	[tilespmem:s12], [sflag:$0x2] =	stream.indirect.gather [hbm4b:s3+s10], $0x40, s17, s10, $0xb8;
	[tilespmem:$0x5900] =	vst v63  }
0x27: {  	s20 =	smov.u32 s18;
	s17 =	smov.u32 s19  }
0x28: {  	p0 =	sne.s32 s18, $0x170000;
	s18 =	sadd.s32 $0x10000, s18;
	_ =	swait.ge [sflag:s13], $0x2000  }
0x29: {  	[sflag:s13] =	ssyncset.done $0x0  }
0x2a: {  	s20 =	sadd.s32 s20, s8;
	[sflag:s13] =	ssyncadd.s32 $0xFFFFE000  }
0x2b: {  	[hbm4b:s20+s14] =	stream.strided.scatter [tilespmem:s11], [sflag:$0x3], $0x2000, s10, s14, $0x38;
	[tilespmem:$0x5900] =	vst v63  }
0x2c: {  	_ =	swait.ge [sflag:s9], $0x2000  }
0x2d: {  	[sflag:s9] =	ssyncset.done $0x0  }
0x2e: {  	s21 =	sadd.s32 $0xFFFFFF80, s19;
	[sflag:s9] =	ssyncadd.s32 $0xFFFFE000  }
0x2f: {  	[tilespmem:s11], [sflag:$0x1] =	stream.indirect.gather [hbm4b:s3+s10], $0x40, s21, s10, $0xb8;
	[tilespmem:$0x5900] =	vst v63  }
0x30: {  	_ =	swait.ge [sflag:s15], $0x2000  }
0x31: {  	[sflag:s15] =	ssyncset.done $0x0  }
.Ltmp0:
0x32: {  	s20 =	sadd.s32 $0x8000, s20;
	[sflag:s15] =	ssyncadd.s32 $0xFFFFE000;
	(pc) =	sbr.rel @p0 .LBB2_2-.Ltmp0, $4  }
0x33: {  	[hbm4b:s20+s14] =	stream.strided.scatter [tilespmem:s12], [sflag:$0x3], $0x2000, s10, s14, $0x38;
	[tilespmem:$0x5900] =	vst v63  }
0x34: {  	_ =	swait.ge [sflag:s9], $0x2000  }
0x35: {  	[sflag:s9] =	ssyncset.done $0x0  }
0x36: {  	s19 =	sadd.s32 $0x100, s19;
	[sflag:s9] =	ssyncadd.s32 $0xFFFFE000  }
0x37: {  	[tilespmem:s12], [sflag:$0x2] =	stream.indirect.gather [hbm4b:s3+s10], $0x40, s17, s10, $0xb8;
	[tilespmem:$0x5900] =	vst v63  }
0x38: {  	_ =	swait.ge [sflag:s13], $0x2000  }
0x39: {  	[sflag:s13] =	ssyncset.done $0x0  }
0x3a: {  	[sflag:s13] =	ssyncadd.s32 $0xFFFFE000  }
0x3b: {  	[hbm4b:s5+s14] =	stream.strided.scatter [tilespmem:s11], [sflag:$0x3], $0x2000, s10, s14, $0x38;
	[tilespmem:$0x5900] =	vst v63  }
0x3c: {  	_ =	swait.ge [sflag:s9], $0x2000  }
0x3d: {  	[sflag:s9] =	ssyncset.done $0x0  }
0x3e: {  	[sflag:s9] =	ssyncadd.s32 $0xFFFFE000  }
0x3f: {  	s16 =	sadd.s32 $0x1, s16;
	_ =	swait.ge [sflag:s15], $0x2000  }
0x40: {  	p0 =	sne.s32 s16, s7;
	[sflag:s15] =	ssyncset.done $0x0  }
.Ltmp1:
0x41: {  	[sflag:s15] =	ssyncadd.s32 $0xFFFFE000;
	(pc) =	sbr.rel @p0 .LBB2_1-.Ltmp1, $4  }
0x42: {  	[hbm4b:s6+s14] =	stream.strided.scatter [tilespmem:s12], [sflag:$0x3], $0x2000, s10, s14, $0x38;
	[tilespmem:$0x5900] =	vst v63  }
0x43: {  	_ =	swait.ge [sflag:s9], $0x2000  }
0x44: {  	[sflag:s9] =	ssyncset.done $0x0  }
0x45: {  	[sflag:s9] =	ssyncadd.s32 $0xFFFFE000  }
0x46: {  	_ =	sfence.sel $0x180000  }
0x47: {  	[bflag:$0x0] =	sbarrier.arrive $0xFFFF  }
0x48: {  	p0 =	sne.s32 s0, $0x0;
	_ =	strace $0x90000050  }
0x49: {  	s0 =	sadd.s32 @!p0 $0x100000, s1;
	[bflag:$0x2] =	sbarrier.arrive $0xFFFF  }
0x4a: {  	[sflag:s0] =	ssyncadd.tile.s32 @!p0 $0x1;
	_ =	shalt  }
.Lfunc_end2:
_tile_overlayer_lowered:
.L_overlay_start_2:
0x4b: {  	(tag) =	ssettag $0x2  }
0x4c: {  	s0 =	rddreg [dreg:$0x0];
	s2 =	stileid.u32  }
0x4d: {  	s1 =	rddreg [dreg:$0x1];
	p0 =	sne.s32 s2, $0x0  }
0x4e: {  	s3 =	rddreg [dreg:$0x2];
	[bflag:$0x3] =	sbarrier.arrive $0xFFFF;
	s2 =	simm.s32 @!p0 $0x1C03  }
0x4f: {  	[timem:s3], [sflag:s2] =	dma.local @!p0 [hbm:s0], s1  }
0x50: {  	s0 =	simm.s32 @!p0 $0x3  }
0x51: {  	_ =	swait.ge @!p0 [sflag:s0], s1  }
0x52: {  	s1 =	ssub.s32 @!p0 $0x0, s1;
	[sflag:s0] =	ssyncset.done @!p0 $0x0  }
0x53: {  	[sflag:s0] =	ssyncadd.s32 @!p0 s1  }
0x54: {  	[bflag:$0x3] =	sbarrier.arrive $0xFFFF  }
0x55: {  	_ =	shalt  }

</sc_bundles>
